<compile_context>
chip_gen: v7x
topology: tpu7x:2x2x1
jax: 0.10.2.dev20260603
libtpu: 0.0.44.dev20260713+nightly
codegen_flags: <defaults>
</compile_context>

<pallas_src>
import functools

import jax
import jax.numpy as jnp
from jax import lax
from jax.experimental import pallas as pl
from jax.experimental.pallas import tpu as pltpu
from jax.experimental.pallas import tpu_sc as plsc

_N = 10000
_E = 320000
_D = 128
_H = 16

_NCOL = 10240
_NW = 32
_FPT = 4
_NSH = _NW // _FPT
_EPS = _E // _NSH
_CH = 8000
_EPT = _E // _NW
_CHD = 2000

_mesh = plsc.VectorSubcoreMesh(core_axis_name="c", subcore_axis_name="s")
_sc_params = pltpu.CompilerParams(needs_layout_passes=False)


@functools.partial(
    pl.kernel,
    mesh=_mesh,
    out_type=jax.ShapeDtypeStruct((_NW * _FPT * _NCOL,), jnp.float32),
    scratch_types=[
        pltpu.VMEM((_CH,), jnp.int32),
        pltpu.VMEM((_CH,), jnp.int32),
        pltpu.VMEM((_CH,), jnp.float32),
        pltpu.VMEM((_NCOL,), jnp.float32),
        pltpu.VMEM((_NCOL,), jnp.float32),
        pltpu.VMEM((_NCOL,), jnp.float32),
        pltpu.VMEM((_NCOL,), jnp.float32),
        pltpu.VMEM((_NCOL,), jnp.float32),
        pltpu.VMEM((_NCOL,), jnp.float32),
        pltpu.VMEM((_NCOL,), jnp.float32),
        pltpu.VMEM((_NCOL,), jnp.float32),
    ],
    compiler_params=_sc_params,
)
def _edge_accumulate(mt_hbm, r_hbm, c_hbm, w_hbm, out_hbm,
                     r_v, c_v, w_v, m0, m1, m2, m3, a0, a1, a2, a3):
    cid = lax.axis_index("c")
    sid = lax.axis_index("s")
    wid = cid * 16 + sid
    shard = wid // _FPT
    g = wid % _FPT

    mcols = [m0, m1, m2, m3]
    acols = [a0, a1, a2, a3]
    for q in range(_FPT):
        f = g * _FPT + q
        pltpu.sync_copy(mt_hbm.at[pl.ds(f * _NCOL, _NCOL)], mcols[q])

    zero = jnp.zeros((16,), jnp.float32)

    def _z(i, carry):
        for q in range(_FPT):
            acols[q][pl.ds(i * 16, 16)] = zero
        return carry

    lax.fori_loop(0, _NCOL // 16, _z, 0)

    ebase = shard * _EPS

    def _chunk(ci, carry):
        base = ebase + ci * _CH
        pltpu.sync_copy(r_hbm.at[pl.ds(base, _CH)], r_v)
        pltpu.sync_copy(c_hbm.at[pl.ds(base, _CH)], c_v)
        pltpu.sync_copy(w_hbm.at[pl.ds(base, _CH)], w_v)

        def _batch(b, carry2):
            o = b * 64
            idx = [(r_v[pl.ds(o + 16 * u, 16)], c_v[pl.ds(o + 16 * u, 16)],
                    w_v[pl.ds(o + 16 * u, 16)]) for u in range(4)]
            vals = [[plsc.load_gather(mcols[q], [r16]) * w16
                     for q in range(_FPT)] for (r16, _, w16) in idx]
            for u in range(4):
                c16 = idx[u][1]
                for q in range(_FPT):
                    plsc.addupdate_scatter(acols[q], [c16], vals[u][q])
            return carry2

        lax.fori_loop(0, _CH // 64, _batch, 0)
        return carry

    lax.fori_loop(0, _EPS // _CH, _chunk, 0)

    for q in range(_FPT):
        pltpu.sync_copy(acols[q],
                        out_hbm.at[pl.ds((wid * _FPT + q) * _NCOL, _NCOL)])


@functools.partial(
    pl.kernel,
    mesh=_mesh,
    out_type=jax.ShapeDtypeStruct((_NW * _NCOL,), jnp.float32),
    scratch_types=[
        pltpu.VMEM((_CHD,), jnp.int32),
        pltpu.VMEM((_CHD,), jnp.float32),
        pltpu.VMEM((_NCOL,), jnp.float32),
    ],
    compiler_params=_sc_params,
)
def _degree_accumulate(c_hbm, w_hbm, out_hbm, c_v, w_v, deg_v):
    cid = lax.axis_index("c")
    sid = lax.axis_index("s")
    wid = cid * 16 + sid

    zero = jnp.zeros((16,), jnp.float32)

    def _z(i, carry):
        deg_v[pl.ds(i * 16, 16)] = zero
        return carry

    lax.fori_loop(0, _NCOL // 16, _z, 0)

    ebase = wid * _EPT

    def _chunk(ci, carry):
        base = ebase + ci * _CHD
        pltpu.sync_copy(c_hbm.at[pl.ds(base, _CHD)], c_v)
        pltpu.sync_copy(w_hbm.at[pl.ds(base, _CHD)], w_v)

        def _batch(b, carry2):
            o = b * 16
            c16 = c_v[pl.ds(o, 16)]
            w16 = w_v[pl.ds(o, 16)]
            plsc.addupdate_scatter(deg_v, [c16], w16)
            return carry2

        lax.fori_loop(0, _CHD // 16, _batch, 0)
        return carry

    lax.fori_loop(0, _EPT // _CHD, _chunk, 0)
    pltpu.sync_copy(deg_v, out_hbm.at[pl.ds(wid * _NCOL, _NCOL)])


def _tc_prep(degp, xt, W1t):

    def body(degp_ref, xt_ref, w1t_ref, dinv_ref, m1t_ref):
        deg = jnp.sum(degp_ref[...], axis=0, keepdims=True) + 1.0
        dinv = lax.rsqrt(deg)
        dinv_ref[...] = dinv
        xw = jnp.dot(w1t_ref[...], xt_ref[...],
                     preferred_element_type=jnp.float32)
        m1t_ref[...] = jnp.concatenate(
            [xw * dinv[:, :_N], jnp.zeros((_H, _NCOL - _N), jnp.float32)],
            axis=1)

    return pl.pallas_call(
        body,
        out_shape=[
            jax.ShapeDtypeStruct((1, _NCOL), jnp.float32),
            jax.ShapeDtypeStruct((_H, _NCOL), jnp.float32),
        ],
    )(degp, xt, W1t)


def _tc_combine(acc8, mt, dinv, b, Wt):

    def body(acc_ref, mt_ref, dinv_ref, b_ref, wt_ref, out_ref):
        a = jnp.sum(acc_ref[...], axis=0) + mt_ref[...]
        h = jnp.maximum(a * dinv_ref[...] + b_ref[...], 0.0)
        hw = jnp.dot(wt_ref[...], h,
                     preferred_element_type=jnp.float32) * dinv_ref[...]
        out_ref[...] = jnp.concatenate(
            [hw[:, :_N], jnp.zeros((_H, _NCOL - _N), jnp.float32)], axis=1)

    return pl.pallas_call(
        body,
        out_shape=jax.ShapeDtypeStruct((_H, _NCOL), jnp.float32),
    )(acc8, mt, dinv, b, Wt)


def _tc_head(acc8, mt, dinv, b3, Wl1t, bl1, Wl2, bl2):
    def body(acc_ref, mt_ref, dinv_ref, b3_ref, wl1t_ref, bl1_ref, wl2_ref,
             bl2_ref, choice_ref, value_ref):
        a = jnp.sum(acc_ref[...], axis=0) + mt_ref[...]
        h3 = jnp.maximum(a * dinv_ref[...] + b3_ref[...], 0.0)
        h4 = jnp.maximum(
            jnp.dot(wl1t_ref[...], h3, preferred_element_type=jnp.float32)
            + bl1_ref[...], 0.0)
        wl2 = wl2_ref[...]
        logits = jnp.sum(h4 * wl2, axis=0, keepdims=True) + bl2_ref[...]
        cols = lax.broadcasted_iota(jnp.int32, (1, _NCOL), 1)
        valid = cols < _N
        neg = jnp.full((1, _NCOL), -jnp.inf, jnp.float32)
        mx = jnp.max(jnp.where(valid, logits, neg))
        ex = jnp.where(valid, jnp.exp(logits - mx), 0.0)
        choice_ref[...] = ex / jnp.sum(ex)
        h4m = jnp.where(valid, h4, 0.0)
        vmean = jnp.sum(h4m, axis=1, keepdims=True) / float(_N)
        value_ref[...] = (jnp.sum(vmean * wl2, axis=0, keepdims=True)
                          + bl2_ref[...])

    return pl.pallas_call(
        body,
        out_shape=[
            jax.ShapeDtypeStruct((1, _NCOL), jnp.float32),
            jax.ShapeDtypeStruct((1, 1), jnp.float32),
        ],
    )(acc8, mt, dinv, b3, Wl1t, bl1, Wl2, bl2)


def kernel(x, edge_index, weight, W1, b1, W2, b2, W3, b3, Wl1, bl1, Wl2, bl2):
    r = edge_index[0].astype(jnp.int32)
    c = edge_index[1].astype(jnp.int32)
    w = weight.astype(jnp.float32)

    degp = _degree_accumulate(c, w).reshape(_NW, _NCOL)
    dinv, m1t = _tc_prep(degp, x.T, W1.T)

    def conv(mt):
        accf = _edge_accumulate(mt.reshape(-1), r, c, w)
        return accf.reshape(_NSH, _H, _NCOL)

    acc1 = conv(m1t)
    m2t = _tc_combine(acc1, m1t, dinv, b1.reshape(_H, 1), W2.T)
    acc2 = conv(m2t)
    m3t = _tc_combine(acc2, m2t, dinv, b2.reshape(_H, 1), W3.T)
    acc3 = conv(m3t)
    choice, value = _tc_head(acc3, m3t, dinv, b3.reshape(_H, 1), Wl1.T,
                             bl1.reshape(_H, 1), Wl2, bl2.reshape(1, 1))
    return choice[0, :_N], value.reshape(())

# --- scband reference (transcript-rebuilt; emitter-appended) ---
"""Pipeline reference for scband-gcn-65807488909364 (READ-ONLY COPY).

The authoritative reference and input builder live on the scoring server;
editing this copy changes nothing except your own understanding.
"""

import jax, jax.numpy as jnp
import numpy as np

N = 10000
E = 320000
D = 128
H = 16


def _gcn_conv(x, row, col, ew, W, b, n):
    # PyG-style GCNConv with edge weights: D^{-1/2} (A + I) D^{-1/2} X W + b
    x = x @ W
    loop = jnp.arange(n)
    r = jnp.concatenate([row, loop])
    c = jnp.concatenate([col, loop])
    w = jnp.concatenate([ew, jnp.ones((n,), dtype=ew.dtype)])
    deg = jnp.zeros((n,), dtype=ew.dtype).at[c].add(w)
    dinv = jnp.where(deg > 0, 1.0 / jnp.sqrt(deg), 0.0)
    norm = dinv[r] * w * dinv[c]
    out = jnp.zeros((n, W.shape[1]), dtype=x.dtype).at[c].add(norm[:, None] * x[r])
    return out + b


def setup_inputs(seed: int = 0):
    key = jax.random.key(seed)
    ks = jax.random.split(key, 16)
    inp = {}
    inp["x"] = jax.random.normal(ks[0], (N, D), dtype=jnp.float32)
    inp["edge_index"] = jax.random.randint(ks[1], (2, E), 0, N)
    inp["weight"] = jax.random.uniform(ks[2], (E,), dtype=jnp.float32)
    inp["W1"] = jax.random.normal(ks[3], (D, H), dtype=jnp.float32) / np.sqrt(D)
    inp["b1"] = jnp.zeros((H,), dtype=jnp.float32)
    inp["W2"] = jax.random.normal(ks[4], (H, H), dtype=jnp.float32) / np.sqrt(H)
    inp["b2"] = jnp.zeros((H,), dtype=jnp.float32)
    inp["W3"] = jax.random.normal(ks[5], (H, H), dtype=jnp.float32) / np.sqrt(H)
    inp["b3"] = jnp.zeros((H,), dtype=jnp.float32)
    inp["Wl1"] = jax.random.normal(ks[6], (H, H), dtype=jnp.float32) / np.sqrt(H)
    inp["bl1"] = jnp.zeros((H,), dtype=jnp.float32)
    inp["Wl2"] = jax.random.normal(ks[7], (H, 1), dtype=jnp.float32) / np.sqrt(H)
    inp["bl2"] = jnp.zeros((1,), dtype=jnp.float32)
    return inp


def reference(x, edge_index, weight, W1, b1, W2, b2, W3, b3, Wl1, bl1, Wl2, bl2):
    row, col = edge_index[0], edge_index[1]
    w = weight.astype(jnp.float32)
    h = jax.nn.relu(_gcn_conv(x, row, col, w, W1, b1, N))
    h = jax.nn.relu(_gcn_conv(h, row, col, w, W2, b2, N))
    h = jax.nn.relu(_gcn_conv(h, row, col, w, W3, b3, N))
    h = jax.nn.relu(h @ Wl1 + bl1)
    # dropout p=0.5 is identity in eval mode
    c = h @ Wl2 + bl2
    choice = jax.nn.softmax(c, axis=0).reshape(N)
    v = jnp.mean(h, axis=0, keepdims=True)  # global_mean_pool with a single graph
    value = (v @ Wl2 + bl2).squeeze()
    return (choice, value)

if __name__ == "__main__":
    import jax
    _d = setup_inputs()
    print(jax.jit(kernel)(*tuple(_d.values())))

</pallas_src>

<mosaic_0001>
#map = affine_map<(d0, d1) -> (0)>
module attributes {stable_mosaic.version = 14 : i64} {
  func.func @_edge_accumulate(%arg0: i32, %arg1: i32, %arg2: memref<163840xf32, #tpu.memory_space<hbm>>, %arg3: memref<320000xi32, #tpu.memory_space<hbm>>, %arg4: memref<320000xi32, #tpu.memory_space<hbm>>, %arg5: memref<320000xf32, #tpu.memory_space<hbm>>, %arg6: memref<1310720xf32, #tpu.memory_space<hbm>>, %arg7: memref<8000xi32, #tpu.memory_space<vmem>>, %arg8: memref<8000xi32, #tpu.memory_space<vmem>>, %arg9: memref<8000xf32, #tpu.memory_space<vmem>>, %arg10: memref<10240xf32, #tpu.memory_space<vmem>>, %arg11: memref<10240xf32, #tpu.memory_space<vmem>>, %arg12: memref<10240xf32, #tpu.memory_space<vmem>>, %arg13: memref<10240xf32, #tpu.memory_space<vmem>>, %arg14: memref<10240xf32, #tpu.memory_space<vmem>>, %arg15: memref<10240xf32, #tpu.memory_space<vmem>>, %arg16: memref<10240xf32, #tpu.memory_space<vmem>>, %arg17: memref<10240xf32, #tpu.memory_space<vmem>>) attributes {dimension_semantics = [#tpu.dimension_semantics<core_parallel>, #tpu.dimension_semantics<subcore_parallel>], iteration_bounds = array<i64: 2, 16>, scalar_prefetch = 0 : i64, scratch_operands = 11 : i64, tpu.core_type = #tpu.core_type<sc_vector_subcore>, window_params = [{transform_indices = #map}, {transform_indices = #map}, {transform_indices = #map}, {transform_indices = #map}, {transform_indices = #map}]} {
    %mul3A = arith.constant 16 : i32
    %mul3A_0 = arith.muli %arg0, %mul3A : i32
    %add3A = arith.addi %mul3A_0, %arg1 : i32
    %jit3A = arith.constant 4 : i32
    %div3A = arith.divsi %add3A, %jit3A : i32
    %sign3A = arith.constant 0 : i32
    %sign3A_1 = arith.cmpi sgt, %add3A, %sign3A : i32
    %sign3A_2 = arith.extui %sign3A_1 : i1 to i32
    %sign3A_3 = arith.constant 0 : i32
    %sign3A_4 = arith.cmpi slt, %add3A, %sign3A_3 : i32
    %sign3A_5 = arith.extui %sign3A_4 : i1 to i32
    %sign3A_6 = arith.subi %sign3A_2, %sign3A_5 : i32
    %sign3A_7 = arith.constant 0 : i32
    %sign3A_8 = arith.cmpi sgt, %jit3A, %sign3A_7 : i32
    %sign3A_9 = arith.extui %sign3A_8 : i1 to i32
    %sign3A_10 = arith.constant 0 : i32
    %sign3A_11 = arith.cmpi slt, %jit3A, %sign3A_10 : i32
    %sign3A_12 = arith.extui %sign3A_11 : i1 to i32
    %sign3A_13 = arith.subi %sign3A_9, %sign3A_12 : i32
    %ne3A = arith.cmpi ne, %sign3A_6, %sign3A_13 : i32
    %rem3A = arith.remsi %add3A, %jit3A : i32
    %ne3A_14 = arith.constant 0 : i32
    %ne3A_15 = arith.cmpi ne, %rem3A, %ne3A_14 : i32
    %and3A = arith.andi %ne3A, %ne3A_15 : i1
    %sub3A = arith.constant 1 : i32
    %sub3A_16 = arith.subi %div3A, %sub3A : i32
    %select_n3A = arith.select %and3A, %sub3A_16, %div3A : i32
    %jit3A_17 = arith.constant 4 : i32
    %eq3A = arith.constant 0 : i32
    %eq3A_18 = arith.cmpi eq, %jit3A_17, %eq3A : i32
    %jit3A_19 = arith.constant 1 : i32
    %select_n3A_20 = arith.select %eq3A_18, %jit3A_19, %jit3A_17 : i32
    %rem3A_21 = arith.remsi %add3A, %select_n3A_20 : i32
    %ne3A_22 = arith.constant 0 : i32
    %ne3A_23 = arith.cmpi ne, %rem3A_21, %ne3A_22 : i32
    %lt3A = arith.constant 0 : i32
    %lt3A_24 = arith.cmpi slt, %rem3A_21, %lt3A : i32
    %lt3A_25 = arith.constant 0 : i32
    %lt3A_26 = arith.cmpi slt, %select_n3A_20, %lt3A_25 : i32
    %ne3A_27 = arith.xori %lt3A_24, %lt3A_26 : i1
    %and3A_28 = arith.andi %ne3A_27, %ne3A_23 : i1
    %add3A_29 = arith.addi %rem3A_21, %select_n3A_20 : i32
    %select_n3A_30 = arith.select %and3A_28, %add3A_29, %rem3A_21 : i32
    %mul3A_31 = arith.constant 4 : i32
    %mul3A_32 = arith.muli %select_n3A_30, %mul3A_31 : i32
    %add3A_33 = arith.constant 0 : i32
    %add3A_34 = arith.addi %mul3A_32, %add3A_33 : i32
    %mul3A_35 = arith.constant 10240 : i32
    %mul3A_36 = arith.muli %add3A_34, %mul3A_35 : i32
    "tpu.region"() ({
      %run_scoped3A = tpu.sem_alloc : memref<!tpu.dma_semaphore, #tpu.memory_space<semaphore_mem>>
      %dma_start3A = tpu.memref_slice %arg2[%mul3A_36] : memref<163840xf32, #tpu.memory_space<hbm>> -> memref<10240xf32, #tpu.memory_space<hbm>>
      %dma_start3A_93 = tpu.memref_slice %arg2[%mul3A_36] : memref<163840xf32, #tpu.memory_space<hbm>> -> memref<10240xf32, #tpu.memory_space<hbm>>
      tpu.enqueue_dma source(%dma_start3A_93 : memref<10240xf32, #tpu.memory_space<hbm>>) target(%arg10 : memref<10240xf32, #tpu.memory_space<vmem>>) target_semaphore(%run_scoped3A : memref<!tpu.dma_semaphore, #tpu.memory_space<semaphore_mem>>)
      %dma_wait3A = tpu.memref_slice %arg2[%mul3A_36] : memref<163840xf32, #tpu.memory_space<hbm>> -> memref<10240xf32, #tpu.memory_space<hbm>>
      %dma_wait3A_94 = tpu.memref_slice %arg2[%mul3A_36] : memref<163840xf32, #tpu.memory_space<hbm>> -> memref<10240xf32, #tpu.memory_space<hbm>>
      tpu.wait_dma2 semaphore(%run_scoped3A : memref<!tpu.dma_semaphore, #tpu.memory_space<semaphore_mem>>) src(%dma_wait3A_94 : memref<10240xf32, #tpu.memory_space<hbm>>) dst(%arg10 : memref<10240xf32, #tpu.memory_space<vmem>>)
      tpu.yield
    }) : () -> ()
    %mul3A_37 = arith.constant 4 : i32
    %mul3A_38 = arith.muli %select_n3A_30, %mul3A_37 : i32
    %add3A_39 = arith.constant 1 : i32
    %add3A_40 = arith.addi %mul3A_38, %add3A_39 : i32
    %mul3A_41 = arith.constant 10240 : i32
    %mul3A_42 = arith.muli %add3A_40, %mul3A_41 : i32
    "tpu.region"() ({
      %run_scoped3A = tpu.sem_alloc : memref<!tpu.dma_semaphore, #tpu.memory_space<semaphore_mem>>
      %dma_start3A = tpu.memref_slice %arg2[%mul3A_42] : memref<163840xf32, #tpu.memory_space<hbm>> -> memref<10240xf32, #tpu.memory_space<hbm>>
      %dma_start3A_93 = tpu.memref_slice %arg2[%mul3A_42] : memref<163840xf32, #tpu.memory_space<hbm>> -> memref<10240xf32, #tpu.memory_space<hbm>>
      tpu.enqueue_dma source(%dma_start3A_93 : memref<10240xf32, #tpu.memory_space<hbm>>) target(%arg11 : memref<10240xf32, #tpu.memory_space<vmem>>) target_semaphore(%run_scoped3A : memref<!tpu.dma_semaphore, #tpu.memory_space<semaphore_mem>>)
      %dma_wait3A = tpu.memref_slice %arg2[%mul3A_42] : memref<163840xf32, #tpu.memory_space<hbm>> -> memref<10240xf32, #tpu.memory_space<hbm>>
      %dma_wait3A_94 = tpu.memref_slice %arg2[%mul3A_42] : memref<163840xf32, #tpu.memory_space<hbm>> -> memref<10240xf32, #tpu.memory_space<hbm>>
      tpu.wait_dma2 semaphore(%run_scoped3A : memref<!tpu.dma_semaphore, #tpu.memory_space<semaphore_mem>>) src(%dma_wait3A_94 : memref<10240xf32, #tpu.memory_space<hbm>>) dst(%arg11 : memref<10240xf32, #tpu.memory_space<vmem>>)
      tpu.yield
    }) : () -> ()
    %mul3A_43 = arith.constant 4 : i32
    %mul3A_44 = arith.muli %select_n3A_30, %mul3A_43 : i32
    %add3A_45 = arith.constant 2 : i32
    %add3A_46 = arith.addi %mul3A_44, %add3A_45 : i32
    %mul3A_47 = arith.constant 10240 : i32
    %mul3A_48 = arith.muli %add3A_46, %mul3A_47 : i32
    "tpu.region"() ({
      %run_scoped3A = tpu.sem_alloc : memref<!tpu.dma_semaphore, #tpu.memory_space<semaphore_mem>>
      %dma_start3A = tpu.memref_slice %arg2[%mul3A_48] : memref<163840xf32, #tpu.memory_space<hbm>> -> memref<10240xf32, #tpu.memory_space<hbm>>
      %dma_start3A_93 = tpu.memref_slice %arg2[%mul3A_48] : memref<163840xf32, #tpu.memory_space<hbm>> -> memref<10240xf32, #tpu.memory_space<hbm>>
      tpu.enqueue_dma source(%dma_start3A_93 : memref<10240xf32, #tpu.memory_space<hbm>>) target(%arg12 : memref<10240xf32, #tpu.memory_space<vmem>>) target_semaphore(%run_scoped3A : memref<!tpu.dma_semaphore, #tpu.memory_space<semaphore_mem>>)
      %dma_wait3A = tpu.memref_slice %arg2[%mul3A_48] : memref<163840xf32, #tpu.memory_space<hbm>> -> memref<10240xf32, #tpu.memory_space<hbm>>
      %dma_wait3A_94 = tpu.memref_slice %arg2[%mul3A_48] : memref<163840xf32, #tpu.memory_space<hbm>> -> memref<10240xf32, #tpu.memory_space<hbm>>
      tpu.wait_dma2 semaphore(%run_scoped3A : memref<!tpu.dma_semaphore, #tpu.memory_space<semaphore_mem>>) src(%dma_wait3A_94 : memref<10240xf32, #tpu.memory_space<hbm>>) dst(%arg12 : memref<10240xf32, #tpu.memory_space<vmem>>)
      tpu.yield
    }) : () -> ()
    %mul3A_49 = arith.constant 4 : i32
    %mul3A_50 = arith.muli %select_n3A_30, %mul3A_49 : i32
    %add3A_51 = arith.constant 3 : i32
    %add3A_52 = arith.addi %mul3A_50, %add3A_51 : i32
    %mul3A_53 = arith.constant 10240 : i32
    %mul3A_54 = arith.muli %add3A_52, %mul3A_53 : i32
    "tpu.region"() ({
      %run_scoped3A = tpu.sem_alloc : memref<!tpu.dma_semaphore, #tpu.memory_space<semaphore_mem>>
      %dma_start3A = tpu.memref_slice %arg2[%mul3A_54] : memref<163840xf32, #tpu.memory_space<hbm>> -> memref<10240xf32, #tpu.memory_space<hbm>>
      %dma_start3A_93 = tpu.memref_slice %arg2[%mul3A_54] : memref<163840xf32, #tpu.memory_space<hbm>> -> memref<10240xf32, #tpu.memory_space<hbm>>
      tpu.enqueue_dma source(%dma_start3A_93 : memref<10240xf32, #tpu.memory_space<hbm>>) target(%arg13 : memref<10240xf32, #tpu.memory_space<vmem>>) target_semaphore(%run_scoped3A : memref<!tpu.dma_semaphore, #tpu.memory_space<semaphore_mem>>)
      %dma_wait3A = tpu.memref_slice %arg2[%mul3A_54] : memref<163840xf32, #tpu.memory_space<hbm>> -> memref<10240xf32, #tpu.memory_space<hbm>>
      %dma_wait3A_94 = tpu.memref_slice %arg2[%mul3A_54] : memref<163840xf32, #tpu.memory_space<hbm>> -> memref<10240xf32, #tpu.memory_space<hbm>>
      tpu.wait_dma2 semaphore(%run_scoped3A : memref<!tpu.dma_semaphore, #tpu.memory_space<semaphore_mem>>) src(%dma_wait3A_94 : memref<10240xf32, #tpu.memory_space<hbm>>) dst(%arg13 : memref<10240xf32, #tpu.memory_space<vmem>>)
      tpu.yield
    }) : () -> ()
    %broadcast_in_dim3A = arith.constant 0.000000e+00 : f32
    %broadcast_in_dim3A_55 = vector.broadcast %broadcast_in_dim3A : f32 to vector<16xf32>
    %scan3A = arith.constant 0 : i32
    %scan3A_56 = arith.constant 0 : i32
    %scan3A_57 = arith.constant 640 : i32
    %scan3A_58 = arith.addi %scan3A_56, %scan3A_57 : i32
    %scan3A_59 = arith.constant 1 : i32
    scf.for %scan3A_93 = %scan3A_56 to %scan3A_58 step %scan3A_59  : i32 {
      %mul3A_94 = arith.constant 16 : i32
      %mul3A_95 = arith.muli %scan3A_93, %mul3A_94 : i32
      %swap3A = arith.index_cast %mul3A_95 : i32 to index
      %swap3A_96 = tpu.vector_load %arg14[%swap3A] {strides = array<i32>} : memref<10240xf32, #tpu.memory_space<vmem>>, vector<16xf32>,
      tpu.vector_store %arg14[%swap3A], %broadcast_in_dim3A_55 {strides = array<i32>} : memref<10240xf32, #tpu.memory_space<vmem>>, vector<16xf32>,
      %mul3A_97 = arith.constant 16 : i32
      %mul3A_98 = arith.muli %scan3A_93, %mul3A_97 : i32
      %swap3A_99 = arith.index_cast %mul3A_98 : i32 to index
      %swap3A_100 = tpu.vector_load %arg15[%swap3A_99] {strides = array<i32>} : memref<10240xf32, #tpu.memory_space<vmem>>, vector<16xf32>,
      tpu.vector_store %arg15[%swap3A_99], %broadcast_in_dim3A_55 {strides = array<i32>} : memref<10240xf32, #tpu.memory_space<vmem>>, vector<16xf32>,
      %mul3A_101 = arith.constant 16 : i32
      %mul3A_102 = arith.muli %scan3A_93, %mul3A_101 : i32
      %swap3A_103 = arith.index_cast %mul3A_102 : i32 to index
      %swap3A_104 = tpu.vector_load %arg16[%swap3A_103] {strides = array<i32>} : memref<10240xf32, #tpu.memory_space<vmem>>, vector<16xf32>,
      tpu.vector_store %arg16[%swap3A_103], %broadcast_in_dim3A_55 {strides = array<i32>} : memref<10240xf32, #tpu.memory_space<vmem>>, vector<16xf32>,
      %mul3A_105 = arith.constant 16 : i32
      %mul3A_106 = arith.muli %scan3A_93, %mul3A_105 : i32
      %swap3A_107 = arith.index_cast %mul3A_106 : i32 to index
      %swap3A_108 = tpu.vector_load %arg17[%swap3A_107] {strides = array<i32>} : memref<10240xf32, #tpu.memory_space<vmem>>, vector<16xf32>,
      tpu.vector_store %arg17[%swap3A_107], %broadcast_in_dim3A_55 {strides = array<i32>} : memref<10240xf32, #tpu.memory_space<vmem>>, vector<16xf32>,
    }
    %scan3A_60 = arith.constant 640 : i32
    %mul3A_61 = arith.constant 40000 : i32
    %mul3A_62 = arith.muli %select_n3A, %mul3A_61 : i32
    %scan3A_63 = arith.constant 0 : i32
    %scan3A_64 = arith.constant 0 : i32
    %scan3A_65 = arith.constant 5 : i32
    %scan3A_66 = arith.addi %scan3A_64, %scan3A_65 : i32
    %scan3A_67 = arith.constant 1 : i32
    scf.for %scan3A_93 = %scan3A_64 to %scan3A_66 step %scan3A_67  : i32 {
      %mul3A_94 = arith.constant 8000 : i32
      %mul3A_95 = arith.muli %scan3A_93, %mul3A_94 : i32
      %add3A_96 = arith.addi %mul3A_62, %mul3A_95 : i32
      "tpu.region"() ({
        %run_scoped3A = tpu.sem_alloc : memref<!tpu.dma_semaphore, #tpu.memory_space<semaphore_mem>>
        %dma_start3A = tpu.memref_slice %arg3[%add3A_96] : memref<320000xi32, #tpu.memory_space<hbm>> -> memref<8000xi32, #tpu.memory_space<hbm>>
        %dma_start3A_103 = tpu.memref_slice %arg3[%add3A_96] : memref<320000xi32, #tpu.memory_space<hbm>> -> memref<8000xi32, #tpu.memory_space<hbm>>
        tpu.enqueue_dma source(%dma_start3A_103 : memref<8000xi32, #tpu.memory_space<hbm>>) target(%arg7 : memref<8000xi32, #tpu.memory_space<vmem>>) target_semaphore(%run_scoped3A : memref<!tpu.dma_semaphore, #tpu.memory_space<semaphore_mem>>)
        %dma_wait3A = tpu.memref_slice %arg3[%add3A_96] : memref<320000xi32, #tpu.memory_space<hbm>> -> memref<8000xi32, #tpu.memory_space<hbm>>
        %dma_wait3A_104 = tpu.memref_slice %arg3[%add3A_96] : memref<320000xi32, #tpu.memory_space<hbm>> -> memref<8000xi32, #tpu.memory_space<hbm>>
        tpu.wait_dma2 semaphore(%run_scoped3A : memref<!tpu.dma_semaphore, #tpu.memory_space<semaphore_mem>>) src(%dma_wait3A_104 : memref<8000xi32, #tpu.memory_space<hbm>>) dst(%arg7 : memref<8000xi32, #tpu.memory_space<vmem>>)
        tpu.yield
      }) : () -> ()
      "tpu.region"() ({
        %run_scoped3A = tpu.sem_alloc : memref<!tpu.dma_semaphore, #tpu.memory_space<semaphore_mem>>
        %dma_start3A = tpu.memref_slice %arg4[%add3A_96] : memref<320000xi32, #tpu.memory_space<hbm>> -> memref<8000xi32, #tpu.memory_space<hbm>>
        %dma_start3A_103 = tpu.memref_slice %arg4[%add3A_96] : memref<320000xi32, #tpu.memory_space<hbm>> -> memref<8000xi32, #tpu.memory_space<hbm>>
        tpu.enqueue_dma source(%dma_start3A_103 : memref<8000xi32, #tpu.memory_space<hbm>>) target(%arg8 : memref<8000xi32, #tpu.memory_space<vmem>>) target_semaphore(%run_scoped3A : memref<!tpu.dma_semaphore, #tpu.memory_space<semaphore_mem>>)
        %dma_wait3A = tpu.memref_slice %arg4[%add3A_96] : memref<320000xi32, #tpu.memory_space<hbm>> -> memref<8000xi32, #tpu.memory_space<hbm>>
        %dma_wait3A_104 = tpu.memref_slice %arg4[%add3A_96] : memref<320000xi32, #tpu.memory_space<hbm>> -> memref<8000xi32, #tpu.memory_space<hbm>>
        tpu.wait_dma2 semaphore(%run_scoped3A : memref<!tpu.dma_semaphore, #tpu.memory_space<semaphore_mem>>) src(%dma_wait3A_104 : memref<8000xi32, #tpu.memory_space<hbm>>) dst(%arg8 : memref<8000xi32, #tpu.memory_space<vmem>>)
        tpu.yield
      }) : () -> ()
      "tpu.region"() ({
        %run_scoped3A = tpu.sem_alloc : memref<!tpu.dma_semaphore, #tpu.memory_space<semaphore_mem>>
        %dma_start3A = tpu.memref_slice %arg5[%add3A_96] : memref<320000xf32, #tpu.memory_space<hbm>> -> memref<8000xf32, #tpu.memory_space<hbm>>
        %dma_start3A_103 = tpu.memref_slice %arg5[%add3A_96] : memref<320000xf32, #tpu.memory_space<hbm>> -> memref<8000xf32, #tpu.memory_space<hbm>>
        tpu.enqueue_dma source(%dma_start3A_103 : memref<8000xf32, #tpu.memory_space<hbm>>) target(%arg9 : memref<8000xf32, #tpu.memory_space<vmem>>) target_semaphore(%run_scoped3A : memref<!tpu.dma_semaphore, #tpu.memory_space<semaphore_mem>>)
        %dma_wait3A = tpu.memref_slice %arg5[%add3A_96] : memref<320000xf32, #tpu.memory_space<hbm>> -> memref<8000xf32, #tpu.memory_space<hbm>>
        %dma_wait3A_104 = tpu.memref_slice %arg5[%add3A_96] : memref<320000xf32, #tpu.memory_space<hbm>> -> memref<8000xf32, #tpu.memory_space<hbm>>
        tpu.wait_dma2 semaphore(%run_scoped3A : memref<!tpu.dma_semaphore, #tpu.memory_space<semaphore_mem>>) src(%dma_wait3A_104 : memref<8000xf32, #tpu.memory_space<hbm>>) dst(%arg9 : memref<8000xf32, #tpu.memory_space<vmem>>)
        tpu.yield
      }) : () -> ()
      %scan3A_97 = arith.constant 0 : i32
      %scan3A_98 = arith.constant 0 : i32
      %scan3A_99 = arith.constant 125 : i32
      %scan3A_100 = arith.addi %scan3A_98, %scan3A_99 : i32
      %scan3A_101 = arith.constant 1 : i32
      scf.for %scan3A_103 = %scan3A_98 to %scan3A_100 step %scan3A_101  : i32 {
        %mul3A_104 = arith.constant 64 : i32
        %mul3A_105 = arith.muli %scan3A_103, %mul3A_104 : i32
        %add3A_106 = arith.constant 0 : i32
        %add3A_107 = arith.addi %mul3A_105, %add3A_106 : i32
        %get3A = arith.index_cast %add3A_107 : i32 to index
        %get3A_108 = tpu.vector_load %arg7[%get3A] {strides = array<i32>} : memref<8000xi32, #tpu.memory_space<vmem>>, vector<16xi32>,
        %add3A_109 = arith.constant 0 : i32
        %add3A_110 = arith.addi %mul3A_105, %add3A_109 : i32
        %get3A_111 = arith.index_cast %add3A_110 : i32 to index
        %get3A_112 = tpu.vector_load %arg8[%get3A_111] {strides = array<i32>} : memref<8000xi32, #tpu.memory_space<vmem>>, vector<16xi32>,
        %add3A_113 = arith.constant 0 : i32
        %add3A_114 = arith.addi %mul3A_105, %add3A_113 : i32
        %get3A_115 = arith.index_cast %add3A_114 : i32 to index
        %get3A_116 = tpu.vector_load %arg9[%get3A_115] {strides = array<i32>} : memref<8000xf32, #tpu.memory_space<vmem>>, vector<16xf32>,
        %add3A_117 = arith.constant 16 : i32
        %add3A_118 = arith.addi %mul3A_105, %add3A_117 : i32
        %get3A_119 = arith.index_cast %add3A_118 : i32 to index
        %get3A_120 = tpu.vector_load %arg7[%get3A_119] {strides = array<i32>} : memref<8000xi32, #tpu.memory_space<vmem>>, vector<16xi32>,
        %add3A_121 = arith.constant 16 : i32
        %add3A_122 = arith.addi %mul3A_105, %add3A_121 : i32
        %get3A_123 = arith.index_cast %add3A_122 : i32 to index
        %get3A_124 = tpu.vector_load %arg8[%get3A_123] {strides = array<i32>} : memref<8000xi32, #tpu.memory_space<vmem>>, vector<16xi32>,
        %add3A_125 = arith.constant 16 : i32
        %add3A_126 = arith.addi %mul3A_105, %add3A_125 : i32
        %get3A_127 = arith.index_cast %add3A_126 : i32 to index
        %get3A_128 = tpu.vector_load %arg9[%get3A_127] {strides = array<i32>} : memref<8000xf32, #tpu.memory_space<vmem>>, vector<16xf32>,
        %add3A_129 = arith.constant 32 : i32
        %add3A_130 = arith.addi %mul3A_105, %add3A_129 : i32
        %get3A_131 = arith.index_cast %add3A_130 : i32 to index
        %get3A_132 = tpu.vector_load %arg7[%get3A_131] {strides = array<i32>} : memref<8000xi32, #tpu.memory_space<vmem>>, vector<16xi32>,
        %add3A_133 = arith.constant 32 : i32
        %add3A_134 = arith.addi %mul3A_105, %add3A_133 : i32
        %get3A_135 = arith.index_cast %add3A_134 : i32 to index
        %get3A_136 = tpu.vector_load %arg8[%get3A_135] {strides = array<i32>} : memref<8000xi32, #tpu.memory_space<vmem>>, vector<16xi32>,
        %add3A_137 = arith.constant 32 : i32
        %add3A_138 = arith.addi %mul3A_105, %add3A_137 : i32
        %get3A_139 = arith.index_cast %add3A_138 : i32 to index
        %get3A_140 = tpu.vector_load %arg9[%get3A_139] {strides = array<i32>} : memref<8000xf32, #tpu.memory_space<vmem>>, vector<16xf32>,
        %add3A_141 = arith.constant 48 : i32
        %add3A_142 = arith.addi %mul3A_105, %add3A_141 : i32
        %get3A_143 = arith.index_cast %add3A_142 : i32 to index
        %get3A_144 = tpu.vector_load %arg7[%get3A_143] {strides = array<i32>} : memref<8000xi32, #tpu.memory_space<vmem>>, vector<16xi32>,
        %add3A_145 = arith.constant 48 : i32
        %add3A_146 = arith.addi %mul3A_105, %add3A_145 : i32
        %get3A_147 = arith.index_cast %add3A_146 : i32 to index
        %get3A_148 = tpu.vector_load %arg8[%get3A_147] {strides = array<i32>} : memref<8000xi32, #tpu.memory_space<vmem>>, vector<16xi32>,
        %add3A_149 = arith.constant 48 : i32
        %add3A_150 = arith.addi %mul3A_105, %add3A_149 : i32
        %get3A_151 = arith.index_cast %add3A_150 : i32 to index
        %get3A_152 = tpu.vector_load %arg9[%get3A_151] {strides = array<i32>} : memref<8000xf32, #tpu.memory_space<vmem>>, vector<16xf32>,
        %gather3A = tpu.vector_load_idx %arg10[%get3A_108] : memref<10240xf32, #tpu.memory_space<vmem>>[vector<16xi32>], vector<16xf32>,
        %mul3A_153 = arith.mulf %gather3A, %get3A_116 : vector<16xf32>
        %gather3A_154 = tpu.vector_load_idx %arg11[%get3A_108] : memref<10240xf32, #tpu.memory_space<vmem>>[vector<16xi32>], vector<16xf32>,
        %mul3A_155 = arith.mulf %gather3A_154, %get3A_116 : vector<16xf32>
        %gather3A_156 = tpu.vector_load_idx %arg12[%get3A_108] : memref<10240xf32, #tpu.memory_space<vmem>>[vector<16xi32>], vector<16xf32>,
        %mul3A_157 = arith.mulf %gather3A_156, %get3A_116 : vector<16xf32>
        %gather3A_158 = tpu.vector_load_idx %arg13[%get3A_108] : memref<10240xf32, #tpu.memory_space<vmem>>[vector<16xi32>], vector<16xf32>,
        %mul3A_159 = arith.mulf %gather3A_158, %get3A_116 : vector<16xf32>
        %gather3A_160 = tpu.vector_load_idx %arg10[%get3A_120] : memref<10240xf32, #tpu.memory_space<vmem>>[vector<16xi32>], vector<16xf32>,
        %mul3A_161 = arith.mulf %gather3A_160, %get3A_128 : vector<16xf32>
        %gather3A_162 = tpu.vector_load_idx %arg11[%get3A_120] : memref<10240xf32, #tpu.memory_space<vmem>>[vector<16xi32>], vector<16xf32>,
        %mul3A_163 = arith.mulf %gather3A_162, %get3A_128 : vector<16xf32>
        %gather3A_164 = tpu.vector_load_idx %arg12[%get3A_120] : memref<10240xf32, #tpu.memory_space<vmem>>[vector<16xi32>], vector<16xf32>,
        %mul3A_165 = arith.mulf %gather3A_164, %get3A_128 : vector<16xf32>
        %gather3A_166 = tpu.vector_load_idx %arg13[%get3A_120] : memref<10240xf32, #tpu.memory_space<vmem>>[vector<16xi32>], vector<16xf32>,
        %mul3A_167 = arith.mulf %gather3A_166, %get3A_128 : vector<16xf32>
        %gather3A_168 = tpu.vector_load_idx %arg10[%get3A_132] : memref<10240xf32, #tpu.memory_space<vmem>>[vector<16xi32>], vector<16xf32>,
        %mul3A_169 = arith.mulf %gather3A_168, %get3A_140 : vector<16xf32>
        %gather3A_170 = tpu.vector_load_idx %arg11[%get3A_132] : memref<10240xf32, #tpu.memory_space<vmem>>[vector<16xi32>], vector<16xf32>,
        %mul3A_171 = arith.mulf %gather3A_170, %get3A_140 : vector<16xf32>
        %gather3A_172 = tpu.vector_load_idx %arg12[%get3A_132] : memref<10240xf32, #tpu.memory_space<vmem>>[vector<16xi32>], vector<16xf32>,
        %mul3A_173 = arith.mulf %gather3A_172, %get3A_140 : vector<16xf32>
        %gather3A_174 = tpu.vector_load_idx %arg13[%get3A_132] : memref<10240xf32, #tpu.memory_space<vmem>>[vector<16xi32>], vector<16xf32>,
        %mul3A_175 = arith.mulf %gather3A_174, %get3A_140 : vector<16xf32>
        %gather3A_176 = tpu.vector_load_idx %arg10[%get3A_144] : memref<10240xf32, #tpu.memory_space<vmem>>[vector<16xi32>], vector<16xf32>,
        %mul3A_177 = arith.mulf %gather3A_176, %get3A_152 : vector<16xf32>
        %gather3A_178 = tpu.vector_load_idx %arg11[%get3A_144] : memref<10240xf32, #tpu.memory_space<vmem>>[vector<16xi32>], vector<16xf32>,
        %mul3A_179 = arith.mulf %gather3A_178, %get3A_152 : vector<16xf32>
        %gather3A_180 = tpu.vector_load_idx %arg12[%get3A_144] : memref<10240xf32, #tpu.memory_space<vmem>>[vector<16xi32>], vector<16xf32>,
        %mul3A_181 = arith.mulf %gather3A_180, %get3A_152 : vector<16xf32>
        %gather3A_182 = tpu.vector_load_idx %arg13[%get3A_144] : memref<10240xf32, #tpu.memory_space<vmem>>[vector<16xi32>], vector<16xf32>,
        %mul3A_183 = arith.mulf %gather3A_182, %get3A_152 : vector<16xf32>
        tpu.vector_store_idx %arg14[%get3A_112], %mul3A_153 {add = true} : memref<10240xf32, #tpu.memory_space<vmem>>[vector<16xi32>], vector<16xf32>,
        tpu.vector_store_idx %arg15[%get3A_112], %mul3A_155 {add = true} : memref<10240xf32, #tpu.memory_space<vmem>>[vector<16xi32>], vector<16xf32>,
        tpu.vector_store_idx %arg16[%get3A_112], %mul3A_157 {add = true} : memref<10240xf32, #tpu.memory_space<vmem>>[vector<16xi32>], vector<16xf32>,
        tpu.vector_store_idx %arg17[%get3A_112], %mul3A_159 {add = true} : memref<10240xf32, #tpu.memory_space<vmem>>[vector<16xi32>], vector<16xf32>,
        tpu.vector_store_idx %arg14[%get3A_124], %mul3A_161 {add = true} : memref<10240xf32, #tpu.memory_space<vmem>>[vector<16xi32>], vector<16xf32>,
        tpu.vector_store_idx %arg15[%get3A_124], %mul3A_163 {add = true} : memref<10240xf32, #tpu.memory_space<vmem>>[vector<16xi32>], vector<16xf32>,
        tpu.vector_store_idx %arg16[%get3A_124], %mul3A_165 {add = true} : memref<10240xf32, #tpu.memory_space<vmem>>[vector<16xi32>], vector<16xf32>,
        tpu.vector_store_idx %arg17[%get3A_124], %mul3A_167 {add = true} : memref<10240xf32, #tpu.memory_space<vmem>>[vector<16xi32>], vector<16xf32>,
        tpu.vector_store_idx %arg14[%get3A_136], %mul3A_169 {add = true} : memref<10240xf32, #tpu.memory_space<vmem>>[vector<16xi32>], vector<16xf32>,
        tpu.vector_store_idx %arg15[%get3A_136], %mul3A_171 {add = true} : memref<10240xf32, #tpu.memory_space<vmem>>[vector<16xi32>], vector<16xf32>,
        tpu.vector_store_idx %arg16[%get3A_136], %mul3A_173 {add = true} : memref<10240xf32, #tpu.memory_space<vmem>>[vector<16xi32>], vector<16xf32>,
        tpu.vector_store_idx %arg17[%get3A_136], %mul3A_175 {add = true} : memref<10240xf32, #tpu.memory_space<vmem>>[vector<16xi32>], vector<16xf32>,
        tpu.vector_store_idx %arg14[%get3A_148], %mul3A_177 {add = true} : memref<10240xf32, #tpu.memory_space<vmem>>[vector<16xi32>], vector<16xf32>,
        tpu.vector_store_idx %arg15[%get3A_148], %mul3A_179 {add = true} : memref<10240xf32, #tpu.memory_space<vmem>>[vector<16xi32>], vector<16xf32>,
        tpu.vector_store_idx %arg16[%get3A_148], %mul3A_181 {add = true} : memref<10240xf32, #tpu.memory_space<vmem>>[vector<16xi32>], vector<16xf32>,
        tpu.vector_store_idx %arg17[%get3A_148], %mul3A_183 {add = true} : memref<10240xf32, #tpu.memory_space<vmem>>[vector<16xi32>], vector<16xf32>,
      }
      %scan3A_102 = arith.constant 125 : i32
    }
    %scan3A_68 = arith.constant 5 : i32
    %mul3A_69 = arith.constant 4 : i32
    %mul3A_70 = arith.muli %add3A, %mul3A_69 : i32
    %add3A_71 = arith.constant 0 : i32
    %add3A_72 = arith.addi %mul3A_70, %add3A_71 : i32
    %mul3A_73 = arith.constant 10240 : i32
    %mul3A_74 = arith.muli %add3A_72, %mul3A_73 : i32
    "tpu.region"() ({
      %run_scoped3A = tpu.sem_alloc : memref<!tpu.dma_semaphore, #tpu.memory_space<semaphore_mem>>
      %dma_start3A = tpu.memref_slice %arg6[%mul3A_74] : memref<1310720xf32, #tpu.memory_space<hbm>> -> memref<10240xf32, #tpu.memory_space<hbm>>
      %dma_start3A_93 = tpu.memref_slice %arg6[%mul3A_74] : memref<1310720xf32, #tpu.memory_space<hbm>> -> memref<10240xf32, #tpu.memory_space<hbm>>
      tpu.enqueue_dma source(%arg14 : memref<10240xf32, #tpu.memory_space<vmem>>) target(%dma_start3A_93 : memref<10240xf32, #tpu.memory_space<hbm>>) target_semaphore(%run_scoped3A : memref<!tpu.dma_semaphore, #tpu.memory_space<semaphore_mem>>)
      %dma_wait3A = tpu.memref_slice %arg6[%mul3A_74] : memref<1310720xf32, #tpu.memory_space<hbm>> -> memref<10240xf32, #tpu.memory_space<hbm>>
      %dma_wait3A_94 = tpu.memref_slice %arg6[%mul3A_74] : memref<1310720xf32, #tpu.memory_space<hbm>> -> memref<10240xf32, #tpu.memory_space<hbm>>
      tpu.wait_dma2 semaphore(%run_scoped3A : memref<!tpu.dma_semaphore, #tpu.memory_space<semaphore_mem>>) src(%arg14 : memref<10240xf32, #tpu.memory_space<vmem>>) dst(%dma_wait3A_94 : memref<10240xf32, #tpu.memory_space<hbm>>)
      tpu.yield
    }) : () -> ()
    %mul3A_75 = arith.constant 4 : i32
    %mul3A_76 = arith.muli %add3A, %mul3A_75 : i32
    %add3A_77 = arith.constant 1 : i32
    %add3A_78 = arith.addi %mul3A_76, %add3A_77 : i32
    %mul3A_79 = arith.constant 10240 : i32
    %mul3A_80 = arith.muli %add3A_78, %mul3A_79 : i32
    "tpu.region"() ({
      %run_scoped3A = tpu.sem_alloc : memref<!tpu.dma_semaphore, #tpu.memory_space<semaphore_mem>>
      %dma_start3A = tpu.memref_slice %arg6[%mul3A_80] : memref<1310720xf32, #tpu.memory_space<hbm>> -> memref<10240xf32, #tpu.memory_space<hbm>>
      %dma_start3A_93 = tpu.memref_slice %arg6[%mul3A_80] : memref<1310720xf32, #tpu.memory_space<hbm>> -> memref<10240xf32, #tpu.memory_space<hbm>>
      tpu.enqueue_dma source(%arg15 : memref<10240xf32, #tpu.memory_space<vmem>>) target(%dma_start3A_93 : memref<10240xf32, #tpu.memory_space<hbm>>) target_semaphore(%run_scoped3A : memref<!tpu.dma_semaphore, #tpu.memory_space<semaphore_mem>>)
      %dma_wait3A = tpu.memref_slice %arg6[%mul3A_80] : memref<1310720xf32, #tpu.memory_space<hbm>> -> memref<10240xf32, #tpu.memory_space<hbm>>
      %dma_wait3A_94 = tpu.memref_slice %arg6[%mul3A_80] : memref<1310720xf32, #tpu.memory_space<hbm>> -> memref<10240xf32, #tpu.memory_space<hbm>>
      tpu.wait_dma2 semaphore(%run_scoped3A : memref<!tpu.dma_semaphore, #tpu.memory_space<semaphore_mem>>) src(%arg15 : memref<10240xf32, #tpu.memory_space<vmem>>) dst(%dma_wait3A_94 : memref<10240xf32, #tpu.memory_space<hbm>>)
      tpu.yield
    }) : () -> ()
    %mul3A_81 = arith.constant 4 : i32
    %mul3A_82 = arith.muli %add3A, %mul3A_81 : i32
    %add3A_83 = arith.constant 2 : i32
    %add3A_84 = arith.addi %mul3A_82, %add3A_83 : i32
    %mul3A_85 = arith.constant 10240 : i32
    %mul3A_86 = arith.muli %add3A_84, %mul3A_85 : i32
    "tpu.region"() ({
      %run_scoped3A = tpu.sem_alloc : memref<!tpu.dma_semaphore, #tpu.memory_space<semaphore_mem>>
      %dma_start3A = tpu.memref_slice %arg6[%mul3A_86] : memref<1310720xf32, #tpu.memory_space<hbm>> -> memref<10240xf32, #tpu.memory_space<hbm>>
      %dma_start3A_93 = tpu.memref_slice %arg6[%mul3A_86] : memref<1310720xf32, #tpu.memory_space<hbm>> -> memref<10240xf32, #tpu.memory_space<hbm>>
      tpu.enqueue_dma source(%arg16 : memref<10240xf32, #tpu.memory_space<vmem>>) target(%dma_start3A_93 : memref<10240xf32, #tpu.memory_space<hbm>>) target_semaphore(%run_scoped3A : memref<!tpu.dma_semaphore, #tpu.memory_space<semaphore_mem>>)
      %dma_wait3A = tpu.memref_slice %arg6[%mul3A_86] : memref<1310720xf32, #tpu.memory_space<hbm>> -> memref<10240xf32, #tpu.memory_space<hbm>>
      %dma_wait3A_94 = tpu.memref_slice %arg6[%mul3A_86] : memref<1310720xf32, #tpu.memory_space<hbm>> -> memref<10240xf32, #tpu.memory_space<hbm>>
      tpu.wait_dma2 semaphore(%run_scoped3A : memref<!tpu.dma_semaphore, #tpu.memory_space<semaphore_mem>>) src(%arg16 : memref<10240xf32, #tpu.memory_space<vmem>>) dst(%dma_wait3A_94 : memref<10240xf32, #tpu.memory_space<hbm>>)
      tpu.yield
    }) : () -> ()
    %mul3A_87 = arith.constant 4 : i32
    %mul3A_88 = arith.muli %add3A, %mul3A_87 : i32
    %add3A_89 = arith.constant 3 : i32
    %add3A_90 = arith.addi %mul3A_88, %add3A_89 : i32
    %mul3A_91 = arith.constant 10240 : i32
    %mul3A_92 = arith.muli %add3A_90, %mul3A_91 : i32
    "tpu.region"() ({
      %run_scoped3A = tpu.sem_alloc : memref<!tpu.dma_semaphore, #tpu.memory_space<semaphore_mem>>
      %dma_start3A = tpu.memref_slice %arg6[%mul3A_92] : memref<1310720xf32, #tpu.memory_space<hbm>> -> memref<10240xf32, #tpu.memory_space<hbm>>
      %dma_start3A_93 = tpu.memref_slice %arg6[%mul3A_92] : memref<1310720xf32, #tpu.memory_space<hbm>> -> memref<10240xf32, #tpu.memory_space<hbm>>
      tpu.enqueue_dma source(%arg17 : memref<10240xf32, #tpu.memory_space<vmem>>) target(%dma_start3A_93 : memref<10240xf32, #tpu.memory_space<hbm>>) target_semaphore(%run_scoped3A : memref<!tpu.dma_semaphore, #tpu.memory_space<semaphore_mem>>)
      %dma_wait3A = tpu.memref_slice %arg6[%mul3A_92] : memref<1310720xf32, #tpu.memory_space<hbm>> -> memref<10240xf32, #tpu.memory_space<hbm>>
      %dma_wait3A_94 = tpu.memref_slice %arg6[%mul3A_92] : memref<1310720xf32, #tpu.memory_space<hbm>> -> memref<10240xf32, #tpu.memory_space<hbm>>
      tpu.wait_dma2 semaphore(%run_scoped3A : memref<!tpu.dma_semaphore, #tpu.memory_space<semaphore_mem>>) src(%arg17 : memref<10240xf32, #tpu.memory_space<vmem>>) dst(%dma_wait3A_94 : memref<10240xf32, #tpu.memory_space<hbm>>)
      tpu.yield
    }) : () -> ()
    return
  }
}

#map = affine_map<(d0, d1) -> (0)>
module attributes {stable_mosaic.version = 14 : i64} {
  func.func @_degree_accumulate(%arg0: i32, %arg1: i32, %arg2: memref<320000xi32, #tpu.memory_space<hbm>>, %arg3: memref<320000xf32, #tpu.memory_space<hbm>>, %arg4: memref<327680xf32, #tpu.memory_space<hbm>>, %arg5: memref<2000xi32, #tpu.memory_space<vmem>>, %arg6: memref<2000xf32, #tpu.memory_space<vmem>>, %arg7: memref<10240xf32, #tpu.memory_space<vmem>>) attributes {dimension_semantics = [#tpu.dimension_semantics<core_parallel>, #tpu.dimension_semantics<subcore_parallel>], iteration_bounds = array<i64: 2, 16>, scalar_prefetch = 0 : i64, scratch_operands = 3 : i64, tpu.core_type = #tpu.core_type<sc_vector_subcore>, window_params = [{transform_indices = #map}, {transform_indices = #map}, {transform_indices = #map}]} {
    %mul3A = arith.constant 16 : i32
    %mul3A_0 = arith.muli %arg0, %mul3A : i32
    %add3A = arith.addi %mul3A_0, %arg1 : i32
    %broadcast_in_dim3A = arith.constant 0.000000e+00 : f32
    %broadcast_in_dim3A_1 = vector.broadcast %broadcast_in_dim3A : f32 to vector<16xf32>
    %scan3A = arith.constant 0 : i32
    %scan3A_2 = arith.constant 0 : i32
    %scan3A_3 = arith.constant 640 : i32
    %scan3A_4 = arith.addi %scan3A_2, %scan3A_3 : i32
    %scan3A_5 = arith.constant 1 : i32
    scf.for %scan3A_17 = %scan3A_2 to %scan3A_4 step %scan3A_5  : i32 {
      %mul3A_18 = arith.constant 16 : i32
      %mul3A_19 = arith.muli %scan3A_17, %mul3A_18 : i32
      %swap3A = arith.index_cast %mul3A_19 : i32 to index
      %swap3A_20 = tpu.vector_load %arg7[%swap3A] {strides = array<i32>} : memref<10240xf32, #tpu.memory_space<vmem>>, vector<16xf32>,
      tpu.vector_store %arg7[%swap3A], %broadcast_in_dim3A_1 {strides = array<i32>} : memref<10240xf32, #tpu.memory_space<vmem>>, vector<16xf32>,
    }
    %scan3A_6 = arith.constant 640 : i32
    %mul3A_7 = arith.constant 10000 : i32
    %mul3A_8 = arith.muli %add3A, %mul3A_7 : i32
    %scan3A_9 = arith.constant 0 : i32
    %scan3A_10 = arith.constant 0 : i32
    %scan3A_11 = arith.constant 5 : i32
    %scan3A_12 = arith.addi %scan3A_10, %scan3A_11 : i32
    %scan3A_13 = arith.constant 1 : i32
    scf.for %scan3A_17 = %scan3A_10 to %scan3A_12 step %scan3A_13  : i32 {
      %mul3A_18 = arith.constant 2000 : i32
      %mul3A_19 = arith.muli %scan3A_17, %mul3A_18 : i32
      %add3A_20 = arith.addi %mul3A_8, %mul3A_19 : i32
      "tpu.region"() ({
        %run_scoped3A = tpu.sem_alloc : memref<!tpu.dma_semaphore, #tpu.memory_space<semaphore_mem>>
        %dma_start3A = tpu.memref_slice %arg2[%add3A_20] : memref<320000xi32, #tpu.memory_space<hbm>> -> memref<2000xi32, #tpu.memory_space<hbm>>
        %dma_start3A_27 = tpu.memref_slice %arg2[%add3A_20] : memref<320000xi32, #tpu.memory_space<hbm>> -> memref<2000xi32, #tpu.memory_space<hbm>>
        tpu.enqueue_dma source(%dma_start3A_27 : memref<2000xi32, #tpu.memory_space<hbm>>) target(%arg5 : memref<2000xi32, #tpu.memory_space<vmem>>) target_semaphore(%run_scoped3A : memref<!tpu.dma_semaphore, #tpu.memory_space<semaphore_mem>>)
        %dma_wait3A = tpu.memref_slice %arg2[%add3A_20] : memref<320000xi32, #tpu.memory_space<hbm>> -> memref<2000xi32, #tpu.memory_space<hbm>>
        %dma_wait3A_28 = tpu.memref_slice %arg2[%add3A_20] : memref<320000xi32, #tpu.memory_space<hbm>> -> memref<2000xi32, #tpu.memory_space<hbm>>
        tpu.wait_dma2 semaphore(%run_scoped3A : memref<!tpu.dma_semaphore, #tpu.memory_space<semaphore_mem>>) src(%dma_wait3A_28 : memref<2000xi32, #tpu.memory_space<hbm>>) dst(%arg5 : memref<2000xi32, #tpu.memory_space<vmem>>)
        tpu.yield
      }) : () -> ()
      "tpu.region"() ({
        %run_scoped3A = tpu.sem_alloc : memref<!tpu.dma_semaphore, #tpu.memory_space<semaphore_mem>>
        %dma_start3A = tpu.memref_slice %arg3[%add3A_20] : memref<320000xf32, #tpu.memory_space<hbm>> -> memref<2000xf32, #tpu.memory_space<hbm>>
        %dma_start3A_27 = tpu.memref_slice %arg3[%add3A_20] : memref<320000xf32, #tpu.memory_space<hbm>> -> memref<2000xf32, #tpu.memory_space<hbm>>
        tpu.enqueue_dma source(%dma_start3A_27 : memref<2000xf32, #tpu.memory_space<hbm>>) target(%arg6 : memref<2000xf32, #tpu.memory_space<vmem>>) target_semaphore(%run_scoped3A : memref<!tpu.dma_semaphore, #tpu.memory_space<semaphore_mem>>)
        %dma_wait3A = tpu.memref_slice %arg3[%add3A_20] : memref<320000xf32, #tpu.memory_space<hbm>> -> memref<2000xf32, #tpu.memory_space<hbm>>
        %dma_wait3A_28 = tpu.memref_slice %arg3[%add3A_20] : memref<320000xf32, #tpu.memory_space<hbm>> -> memref<2000xf32, #tpu.memory_space<hbm>>
        tpu.wait_dma2 semaphore(%run_scoped3A : memref<!tpu.dma_semaphore, #tpu.memory_space<semaphore_mem>>) src(%dma_wait3A_28 : memref<2000xf32, #tpu.memory_space<hbm>>) dst(%arg6 : memref<2000xf32, #tpu.memory_space<vmem>>)
        tpu.yield
      }) : () -> ()
      %scan3A_21 = arith.constant 0 : i32
      %scan3A_22 = arith.constant 0 : i32
      %scan3A_23 = arith.constant 125 : i32
      %scan3A_24 = arith.addi %scan3A_22, %scan3A_23 : i32
      %scan3A_25 = arith.constant 1 : i32
      scf.for %scan3A_27 = %scan3A_22 to %scan3A_24 step %scan3A_25  : i32 {
        %mul3A_28 = arith.constant 16 : i32
        %mul3A_29 = arith.muli %scan3A_27, %mul3A_28 : i32
        %get3A = arith.index_cast %mul3A_29 : i32 to index
        %get3A_30 = tpu.vector_load %arg5[%get3A] {strides = array<i32>} : memref<2000xi32, #tpu.memory_space<vmem>>, vector<16xi32>,
        %get3A_31 = arith.index_cast %mul3A_29 : i32 to index
        %get3A_32 = tpu.vector_load %arg6[%get3A_31] {strides = array<i32>} : memref<2000xf32, #tpu.memory_space<vmem>>, vector<16xf32>,
        tpu.vector_store_idx %arg7[%get3A_30], %get3A_32 {add = true} : memref<10240xf32, #tpu.memory_space<vmem>>[vector<16xi32>], vector<16xf32>,
      }
      %scan3A_26 = arith.constant 125 : i32
    }
    %scan3A_14 = arith.constant 5 : i32
    %mul3A_15 = arith.constant 10240 : i32
    %mul3A_16 = arith.muli %add3A, %mul3A_15 : i32
    "tpu.region"() ({
      %run_scoped3A = tpu.sem_alloc : memref<!tpu.dma_semaphore, #tpu.memory_space<semaphore_mem>>
      %dma_start3A = tpu.memref_slice %arg4[%mul3A_16] : memref<327680xf32, #tpu.memory_space<hbm>> -> memref<10240xf32, #tpu.memory_space<hbm>>
      %dma_start3A_17 = tpu.memref_slice %arg4[%mul3A_16] : memref<327680xf32, #tpu.memory_space<hbm>> -> memref<10240xf32, #tpu.memory_space<hbm>>
      tpu.enqueue_dma source(%arg7 : memref<10240xf32, #tpu.memory_space<vmem>>) target(%dma_start3A_17 : memref<10240xf32, #tpu.memory_space<hbm>>) target_semaphore(%run_scoped3A : memref<!tpu.dma_semaphore, #tpu.memory_space<semaphore_mem>>)
      %dma_wait3A = tpu.memref_slice %arg4[%mul3A_16] : memref<327680xf32, #tpu.memory_space<hbm>> -> memref<10240xf32, #tpu.memory_space<hbm>>
      %dma_wait3A_18 = tpu.memref_slice %arg4[%mul3A_16] : memref<327680xf32, #tpu.memory_space<hbm>> -> memref<10240xf32, #tpu.memory_space<hbm>>
      tpu.wait_dma2 semaphore(%run_scoped3A : memref<!tpu.dma_semaphore, #tpu.memory_space<semaphore_mem>>) src(%arg7 : memref<10240xf32, #tpu.memory_space<vmem>>) dst(%dma_wait3A_18 : memref<10240xf32, #tpu.memory_space<hbm>>)
      tpu.yield
    }) : () -> ()
    return
  }
}

#map = affine_map<(d0, d1) -> (0)>
module attributes {stable_mosaic.version = 14 : i64} {
  func.func @_edge_accumulate(%arg0: i32, %arg1: i32, %arg2: memref<163840xf32, #tpu.memory_space<hbm>>, %arg3: memref<320000xi32, #tpu.memory_space<hbm>>, %arg4: memref<320000xi32, #tpu.memory_space<hbm>>, %arg5: memref<320000xf32, #tpu.memory_space<hbm>>, %arg6: memref<1310720xf32, #tpu.memory_space<hbm>>, %arg7: memref<8000xi32, #tpu.memory_space<vmem>>, %arg8: memref<8000xi32, #tpu.memory_space<vmem>>, %arg9: memref<8000xf32, #tpu.memory_space<vmem>>, %arg10: memref<10240xf32, #tpu.memory_space<vmem>>, %arg11: memref<10240xf32, #tpu.memory_space<vmem>>, %arg12: memref<10240xf32, #tpu.memory_space<vmem>>, %arg13: memref<10240xf32, #tpu.memory_space<vmem>>, %arg14: memref<10240xf32, #tpu.memory_space<vmem>>, %arg15: memref<10240xf32, #tpu.memory_space<vmem>>, %arg16: memref<10240xf32, #tpu.memory_space<vmem>>, %arg17: memref<10240xf32, #tpu.memory_space<vmem>>) attributes {dimension_semantics = [#tpu.dimension_semantics<core_parallel>, #tpu.dimension_semantics<subcore_parallel>], iteration_bounds = array<i64: 2, 16>, scalar_prefetch = 0 : i64, scratch_operands = 11 : i64, tpu.core_type = #tpu.core_type<sc_vector_subcore>, window_params = [{transform_indices = #map}, {transform_indices = #map}, {transform_indices = #map}, {transform_indices = #map}, {transform_indices = #map}]} {
    %mul3A = arith.constant 16 : i32
    %mul3A_0 = arith.muli %arg0, %mul3A : i32
    %add3A = arith.addi %mul3A_0, %arg1 : i32
    %jit3A = arith.constant 4 : i32
    %div3A = arith.divsi %add3A, %jit3A : i32
    %sign3A = arith.constant 0 : i32
    %sign3A_1 = arith.cmpi sgt, %add3A, %sign3A : i32
    %sign3A_2 = arith.extui %sign3A_1 : i1 to i32
    %sign3A_3 = arith.constant 0 : i32
    %sign3A_4 = arith.cmpi slt, %add3A, %sign3A_3 : i32
    %sign3A_5 = arith.extui %sign3A_4 : i1 to i32
    %sign3A_6 = arith.subi %sign3A_2, %sign3A_5 : i32
    %sign3A_7 = arith.constant 0 : i32
    %sign3A_8 = arith.cmpi sgt, %jit3A, %sign3A_7 : i32
    %sign3A_9 = arith.extui %sign3A_8 : i1 to i32
    %sign3A_10 = arith.constant 0 : i32
    %sign3A_11 = arith.cmpi slt, %jit3A, %sign3A_10 : i32
    %sign3A_12 = arith.extui %sign3A_11 : i1 to i32
    %sign3A_13 = arith.subi %sign3A_9, %sign3A_12 : i32
    %ne3A = arith.cmpi ne, %sign3A_6, %sign3A_13 : i32
    %rem3A = arith.remsi %add3A, %jit3A : i32
    %ne3A_14 = arith.constant 0 : i32
    %ne3A_15 = arith.cmpi ne, %rem3A, %ne3A_14 : i32
    %and3A = arith.andi %ne3A, %ne3A_15 : i1
    %sub3A = arith.constant 1 : i32
    %sub3A_16 = arith.subi %div3A, %sub3A : i32
    %select_n3A = arith.select %and3A, %sub3A_16, %div3A : i32
    %jit3A_17 = arith.constant 4 : i32
    %eq3A = arith.constant 0 : i32
    %eq3A_18 = arith.cmpi eq, %jit3A_17, %eq3A : i32
    %jit3A_19 = arith.constant 1 : i32
    %select_n3A_20 = arith.select %eq3A_18, %jit3A_19, %jit3A_17 : i32
    %rem3A_21 = arith.remsi %add3A, %select_n3A_20 : i32
    %ne3A_22 = arith.constant 0 : i32
    %ne3A_23 = arith.cmpi ne, %rem3A_21, %ne3A_22 : i32
    %lt3A = arith.constant 0 : i32
    %lt3A_24 = arith.cmpi slt, %rem3A_21, %lt3A : i32
    %lt3A_25 = arith.constant 0 : i32
    %lt3A_26 = arith.cmpi slt, %select_n3A_20, %lt3A_25 : i32
    %ne3A_27 = arith.xori %lt3A_24, %lt3A_26 : i1
    %and3A_28 = arith.andi %ne3A_27, %ne3A_23 : i1
    %add3A_29 = arith.addi %rem3A_21, %select_n3A_20 : i32
    %select_n3A_30 = arith.select %and3A_28, %add3A_29, %rem3A_21 : i32
    %mul3A_31 = arith.constant 4 : i32
    %mul3A_32 = arith.muli %select_n3A_30, %mul3A_31 : i32
    %add3A_33 = arith.constant 0 : i32
    %add3A_34 = arith.addi %mul3A_32, %add3A_33 : i32
    %mul3A_35 = arith.constant 10240 : i32
    %mul3A_36 = arith.muli %add3A_34, %mul3A_35 : i32
    "tpu.region"() ({
      %run_scoped3A = tpu.sem_alloc : memref<!tpu.dma_semaphore, #tpu.memory_space<semaphore_mem>>
      %dma_start3A = tpu.memref_slice %arg2[%mul3A_36] : memref<163840xf32, #tpu.memory_space<hbm>> -> memref<10240xf32, #tpu.memory_space<hbm>>
      %dma_start3A_93 = tpu.memref_slice %arg2[%mul3A_36] : memref<163840xf32, #tpu.memory_space<hbm>> -> memref<10240xf32, #tpu.memory_space<hbm>>
      tpu.enqueue_dma source(%dma_start3A_93 : memref<10240xf32, #tpu.memory_space<hbm>>) target(%arg10 : memref<10240xf32, #tpu.memory_space<vmem>>) target_semaphore(%run_scoped3A : memref<!tpu.dma_semaphore, #tpu.memory_space<semaphore_mem>>)
      %dma_wait3A = tpu.memref_slice %arg2[%mul3A_36] : memref<163840xf32, #tpu.memory_space<hbm>> -> memref<10240xf32, #tpu.memory_space<hbm>>
      %dma_wait3A_94 = tpu.memref_slice %arg2[%mul3A_36] : memref<163840xf32, #tpu.memory_space<hbm>> -> memref<10240xf32, #tpu.memory_space<hbm>>
      tpu.wait_dma2 semaphore(%run_scoped3A : memref<!tpu.dma_semaphore, #tpu.memory_space<semaphore_mem>>) src(%dma_wait3A_94 : memref<10240xf32, #tpu.memory_space<hbm>>) dst(%arg10 : memref<10240xf32, #tpu.memory_space<vmem>>)
      tpu.yield
    }) : () -> ()
    %mul3A_37 = arith.constant 4 : i32
    %mul3A_38 = arith.muli %select_n3A_30, %mul3A_37 : i32
    %add3A_39 = arith.constant 1 : i32
    %add3A_40 = arith.addi %mul3A_38, %add3A_39 : i32
    %mul3A_41 = arith.constant 10240 : i32
    %mul3A_42 = arith.muli %add3A_40, %mul3A_41 : i32
    "tpu.region"() ({
      %run_scoped3A = tpu.sem_alloc : memref<!tpu.dma_semaphore, #tpu.memory_space<semaphore_mem>>
      %dma_start3A = tpu.memref_slice %arg2[%mul3A_42] : memref<163840xf32, #tpu.memory_space<hbm>> -> memref<10240xf32, #tpu.memory_space<hbm>>
      %dma_start3A_93 = tpu.memref_slice %arg2[%mul3A_42] : memref<163840xf32, #tpu.memory_space<hbm>> -> memref<10240xf32, #tpu.memory_space<hbm>>
      tpu.enqueue_dma source(%dma_start3A_93 : memref<10240xf32, #tpu.memory_space<hbm>>) target(%arg11 : memref<10240xf32, #tpu.memory_space<vmem>>) target_semaphore(%run_scoped3A : memref<!tpu.dma_semaphore, #tpu.memory_space<semaphore_mem>>)
      %dma_wait3A = tpu.memref_slice %arg2[%mul3A_42] : memref<163840xf32, #tpu.memory_space<hbm>> -> memref<10240xf32, #tpu.memory_space<hbm>>
      %dma_wait3A_94 = tpu.memref_slice %arg2[%mul3A_42] : memref<163840xf32, #tpu.memory_space<hbm>> -> memref<10240xf32, #tpu.memory_space<hbm>>
      tpu.wait_dma2 semaphore(%run_scoped3A : memref<!tpu.dma_semaphore, #tpu.memory_space<semaphore_mem>>) src(%dma_wait3A_94 : memref<10240xf32, #tpu.memory_space<hbm>>) dst(%arg11 : memref<10240xf32, #tpu.memory_space<vmem>>)
      tpu.yield
    }) : () -> ()
    %mul3A_43 = arith.constant 4 : i32
    %mul3A_44 = arith.muli %select_n3A_30, %mul3A_43 : i32
    %add3A_45 = arith.constant 2 : i32
    %add3A_46 = arith.addi %mul3A_44, %add3A_45 : i32
    %mul3A_47 = arith.constant 10240 : i32
    %mul3A_48 = arith.muli %add3A_46, %mul3A_47 : i32
    "tpu.region"() ({
      %run_scoped3A = tpu.sem_alloc : memref<!tpu.dma_semaphore, #tpu.memory_space<semaphore_mem>>
      %dma_start3A = tpu.memref_slice %arg2[%mul3A_48] : memref<163840xf32, #tpu.memory_space<hbm>> -> memref<10240xf32, #tpu.memory_space<hbm>>
      %dma_start3A_93 = tpu.memref_slice %arg2[%mul3A_48] : memref<163840xf32, #tpu.memory_space<hbm>> -> memref<10240xf32, #tpu.memory_space<hbm>>
      tpu.enqueue_dma source(%dma_start3A_93 : memref<10240xf32, #tpu.memory_space<hbm>>) target(%arg12 : memref<10240xf32, #tpu.memory_space<vmem>>) target_semaphore(%run_scoped3A : memref<!tpu.dma_semaphore, #tpu.memory_space<semaphore_mem>>)
      %dma_wait3A = tpu.memref_slice %arg2[%mul3A_48] : memref<163840xf32, #tpu.memory_space<hbm>> -> memref<10240xf32, #tpu.memory_space<hbm>>
      %dma_wait3A_94 = tpu.memref_slice %arg2[%mul3A_48] : memref<163840xf32, #tpu.memory_space<hbm>> -> memref<10240xf32, #tpu.memory_space<hbm>>
      tpu.wait_dma2 semaphore(%run_scoped3A : memref<!tpu.dma_semaphore, #tpu.memory_space<semaphore_mem>>) src(%dma_wait3A_94 : memref<10240xf32, #tpu.memory_space<hbm>>) dst(%arg12 : memref<10240xf32, #tpu.memory_space<vmem>>)
      tpu.yield
    }) : () -> ()
    %mul3A_49 = arith.constant 4 : i32
    %mul3A_50 = arith.muli %select_n3A_30, %mul3A_49 : i32
    %add3A_51 = arith.constant 3 : i32
    %add3A_52 = arith.addi %mul3A_50, %add3A_51 : i32
    %mul3A_53 = arith.constant 10240 : i32
    %mul3A_54 = arith.muli %add3A_52, %mul3A_53 : i32
    "tpu.region"() ({
      %run_scoped3A = tpu.sem_alloc : memref<!tpu.dma_semaphore, #tpu.memory_space<semaphore_mem>>
      %dma_start3A = tpu.memref_slice %arg2[%mul3A_54] : memref<163840xf32, #tpu.memory_space<hbm>> -> memref<10240xf32, #tpu.memory_space<hbm>>
      %dma_start3A_93 = tpu.memref_slice %arg2[%mul3A_54] : memref<163840xf32, #tpu.memory_space<hbm>> -> memref<10240xf32, #tpu.memory_space<hbm>>
      tpu.enqueue_dma source(%dma_start3A_93 : memref<10240xf32, #tpu.memory_space<hbm>>) target(%arg13 : memref<10240xf32, #tpu.memory_space<vmem>>) target_semaphore(%run_scoped3A : memref<!tpu.dma_semaphore, #tpu.memory_space<semaphore_mem>>)
      %dma_wait3A = tpu.memref_slice %arg2[%mul3A_54] : memref<163840xf32, #tpu.memory_space<hbm>> -> memref<10240xf32, #tpu.memory_space<hbm>>
      %dma_wait3A_94 = tpu.memref_slice %arg2[%mul3A_54] : memref<163840xf32, #tpu.memory_space<hbm>> -> memref<10240xf32, #tpu.memory_space<hbm>>
      tpu.wait_dma2 semaphore(%run_scoped3A : memref<!tpu.dma_semaphore, #tpu.memory_space<semaphore_mem>>) src(%dma_wait3A_94 : memref<10240xf32, #tpu.memory_space<hbm>>) dst(%arg13 : memref<10240xf32, #tpu.memory_space<vmem>>)
      tpu.yield
    }) : () -> ()
    %broadcast_in_dim3A = arith.constant 0.000000e+00 : f32
    %broadcast_in_dim3A_55 = vector.broadcast %broadcast_in_dim3A : f32 to vector<16xf32>
    %scan3A = arith.constant 0 : i32
    %scan3A_56 = arith.constant 0 : i32
    %scan3A_57 = arith.constant 640 : i32
    %scan3A_58 = arith.addi %scan3A_56, %scan3A_57 : i32
    %scan3A_59 = arith.constant 1 : i32
    scf.for %scan3A_93 = %scan3A_56 to %scan3A_58 step %scan3A_59  : i32 {
      %mul3A_94 = arith.constant 16 : i32
      %mul3A_95 = arith.muli %scan3A_93, %mul3A_94 : i32
      %swap3A = arith.index_cast %mul3A_95 : i32 to index
      %swap3A_96 = tpu.vector_load %arg14[%swap3A] {strides = array<i32>} : memref<10240xf32, #tpu.memory_space<vmem>>, vector<16xf32>,
      tpu.vector_store %arg14[%swap3A], %broadcast_in_dim3A_55 {strides = array<i32>} : memref<10240xf32, #tpu.memory_space<vmem>>, vector<16xf32>,
      %mul3A_97 = arith.constant 16 : i32
      %mul3A_98 = arith.muli %scan3A_93, %mul3A_97 : i32
      %swap3A_99 = arith.index_cast %mul3A_98 : i32 to index
      %swap3A_100 = tpu.vector_load %arg15[%swap3A_99] {strides = array<i32>} : memref<10240xf32, #tpu.memory_space<vmem>>, vector<16xf32>,
      tpu.vector_store %arg15[%swap3A_99], %broadcast_in_dim3A_55 {strides = array<i32>} : memref<10240xf32, #tpu.memory_space<vmem>>, vector<16xf32>,
      %mul3A_101 = arith.constant 16 : i32
      %mul3A_102 = arith.muli %scan3A_93, %mul3A_101 : i32
      %swap3A_103 = arith.index_cast %mul3A_102 : i32 to index
      %swap3A_104 = tpu.vector_load %arg16[%swap3A_103] {strides = array<i32>} : memref<10240xf32, #tpu.memory_space<vmem>>, vector<16xf32>,
      tpu.vector_store %arg16[%swap3A_103], %broadcast_in_dim3A_55 {strides = array<i32>} : memref<10240xf32, #tpu.memory_space<vmem>>, vector<16xf32>,
      %mul3A_105 = arith.constant 16 : i32
      %mul3A_106 = arith.muli %scan3A_93, %mul3A_105 : i32
      %swap3A_107 = arith.index_cast %mul3A_106 : i32 to index
      %swap3A_108 = tpu.vector_load %arg17[%swap3A_107] {strides = array<i32>} : memref<10240xf32, #tpu.memory_space<vmem>>, vector<16xf32>,
      tpu.vector_store %arg17[%swap3A_107], %broadcast_in_dim3A_55 {strides = array<i32>} : memref<10240xf32, #tpu.memory_space<vmem>>, vector<16xf32>,
    }
    %scan3A_60 = arith.constant 640 : i32
    %mul3A_61 = arith.constant 40000 : i32
    %mul3A_62 = arith.muli %select_n3A, %mul3A_61 : i32
    %scan3A_63 = arith.constant 0 : i32
    %scan3A_64 = arith.constant 0 : i32
    %scan3A_65 = arith.constant 5 : i32
    %scan3A_66 = arith.addi %scan3A_64, %scan3A_65 : i32
    %scan3A_67 = arith.constant 1 : i32
    scf.for %scan3A_93 = %scan3A_64 to %scan3A_66 step %scan3A_67  : i32 {
      %mul3A_94 = arith.constant 8000 : i32
      %mul3A_95 = arith.muli %scan3A_93, %mul3A_94 : i32
      %add3A_96 = arith.addi %mul3A_62, %mul3A_95 : i32
      "tpu.region"() ({
        %run_scoped3A = tpu.sem_alloc : memref<!tpu.dma_semaphore, #tpu.memory_space<semaphore_mem>>
        %dma_start3A = tpu.memref_slice %arg3[%add3A_96] : memref<320000xi32, #tpu.memory_space<hbm>> -> memref<8000xi32, #tpu.memory_space<hbm>>
        %dma_start3A_103 = tpu.memref_slice %arg3[%add3A_96] : memref<320000xi32, #tpu.memory_space<hbm>> -> memref<8000xi32, #tpu.memory_space<hbm>>
        tpu.enqueue_dma source(%dma_start3A_103 : memref<8000xi32, #tpu.memory_space<hbm>>) target(%arg7 : memref<8000xi32, #tpu.memory_space<vmem>>) target_semaphore(%run_scoped3A : memref<!tpu.dma_semaphore, #tpu.memory_space<semaphore_mem>>)
        %dma_wait3A = tpu.memref_slice %arg3[%add3A_96] : memref<320000xi32, #tpu.memory_space<hbm>> -> memref<8000xi32, #tpu.memory_space<hbm>>
        %dma_wait3A_104 = tpu.memref_slice %arg3[%add3A_96] : memref<320000xi32, #tpu.memory_space<hbm>> -> memref<8000xi32, #tpu.memory_space<hbm>>
        tpu.wait_dma2 semaphore(%run_scoped3A : memref<!tpu.dma_semaphore, #tpu.memory_space<semaphore_mem>>) src(%dma_wait3A_104 : memref<8000xi32, #tpu.memory_space<hbm>>) dst(%arg7 : memref<8000xi32, #tpu.memory_space<vmem>>)
        tpu.yield
      }) : () -> ()
      "tpu.region"() ({
        %run_scoped3A = tpu.sem_alloc : memref<!tpu.dma_semaphore, #tpu.memory_space<semaphore_mem>>
        %dma_start3A = tpu.memref_slice %arg4[%add3A_96] : memref<320000xi32, #tpu.memory_space<hbm>> -> memref<8000xi32, #tpu.memory_space<hbm>>
        %dma_start3A_103 = tpu.memref_slice %arg4[%add3A_96] : memref<320000xi32, #tpu.memory_space<hbm>> -> memref<8000xi32, #tpu.memory_space<hbm>>
        tpu.enqueue_dma source(%dma_start3A_103 : memref<8000xi32, #tpu.memory_space<hbm>>) target(%arg8 : memref<8000xi32, #tpu.memory_space<vmem>>) target_semaphore(%run_scoped3A : memref<!tpu.dma_semaphore, #tpu.memory_space<semaphore_mem>>)
        %dma_wait3A = tpu.memref_slice %arg4[%add3A_96] : memref<320000xi32, #tpu.memory_space<hbm>> -> memref<8000xi32, #tpu.memory_space<hbm>>
        %dma_wait3A_104 = tpu.memref_slice %arg4[%add3A_96] : memref<320000xi32, #tpu.memory_space<hbm>> -> memref<8000xi32, #tpu.memory_space<hbm>>
        tpu.wait_dma2 semaphore(%run_scoped3A : memref<!tpu.dma_semaphore, #tpu.memory_space<semaphore_mem>>) src(%dma_wait3A_104 : memref<8000xi32, #tpu.memory_space<hbm>>) dst(%arg8 : memref<8000xi32, #tpu.memory_space<vmem>>)
        tpu.yield
      }) : () -> ()
      "tpu.region"() ({
        %run_scoped3A = tpu.sem_alloc : memref<!tpu.dma_semaphore, #tpu.memory_space<semaphore_mem>>
        %dma_start3A = tpu.memref_slice %arg5[%add3A_96] : memref<320000xf32, #tpu.memory_space<hbm>> -> memref<8000xf32, #tpu.memory_space<hbm>>
        %dma_start3A_103 = tpu.memref_slice %arg5[%add3A_96] : memref<320000xf32, #tpu.memory_space<hbm>> -> memref<8000xf32, #tpu.memory_space<hbm>>
        tpu.enqueue_dma source(%dma_start3A_103 : memref<8000xf32, #tpu.memory_space<hbm>>) target(%arg9 : memref<8000xf32, #tpu.memory_space<vmem>>) target_semaphore(%run_scoped3A : memref<!tpu.dma_semaphore, #tpu.memory_space<semaphore_mem>>)
        %dma_wait3A = tpu.memref_slice %arg5[%add3A_96] : memref<320000xf32, #tpu.memory_space<hbm>> -> memref<8000xf32, #tpu.memory_space<hbm>>
        %dma_wait3A_104 = tpu.memref_slice %arg5[%add3A_96] : memref<320000xf32, #tpu.memory_space<hbm>> -> memref<8000xf32, #tpu.memory_space<hbm>>
        tpu.wait_dma2 semaphore(%run_scoped3A : memref<!tpu.dma_semaphore, #tpu.memory_space<semaphore_mem>>) src(%dma_wait3A_104 : memref<8000xf32, #tpu.memory_space<hbm>>) dst(%arg9 : memref<8000xf32, #tpu.memory_space<vmem>>)
        tpu.yield
      }) : () -> ()
      %scan3A_97 = arith.constant 0 : i32
      %scan3A_98 = arith.constant 0 : i32
      %scan3A_99 = arith.constant 125 : i32
      %scan3A_100 = arith.addi %scan3A_98, %scan3A_99 : i32
      %scan3A_101 = arith.constant 1 : i32
      scf.for %scan3A_103 = %scan3A_98 to %scan3A_100 step %scan3A_101  : i32 {
        %mul3A_104 = arith.constant 64 : i32
        %mul3A_105 = arith.muli %scan3A_103, %mul3A_104 : i32
        %add3A_106 = arith.constant 0 : i32
        %add3A_107 = arith.addi %mul3A_105, %add3A_106 : i32
        %get3A = arith.index_cast %add3A_107 : i32 to index
        %get3A_108 = tpu.vector_load %arg7[%get3A] {strides = array<i32>} : memref<8000xi32, #tpu.memory_space<vmem>>, vector<16xi32>,
        %add3A_109 = arith.constant 0 : i32
        %add3A_110 = arith.addi %mul3A_105, %add3A_109 : i32
        %get3A_111 = arith.index_cast %add3A_110 : i32 to index
        %get3A_112 = tpu.vector_load %arg8[%get3A_111] {strides = array<i32>} : memref<8000xi32, #tpu.memory_space<vmem>>, vector<16xi32>,
        %add3A_113 = arith.constant 0 : i32
        %add3A_114 = arith.addi %mul3A_105, %add3A_113 : i32
        %get3A_115 = arith.index_cast %add3A_114 : i32 to index
        %get3A_116 = tpu.vector_load %arg9[%get3A_115] {strides = array<i32>} : memref<8000xf32, #tpu.memory_space<vmem>>, vector<16xf32>,
        %add3A_117 = arith.constant 16 : i32
        %add3A_118 = arith.addi %mul3A_105, %add3A_117 : i32
        %get3A_119 = arith.index_cast %add3A_118 : i32 to index
        %get3A_120 = tpu.vector_load %arg7[%get3A_119] {strides = array<i32>} : memref<8000xi32, #tpu.memory_space<vmem>>, vector<16xi32>,
        %add3A_121 = arith.constant 16 : i32
        %add3A_122 = arith.addi %mul3A_105, %add3A_121 : i32
        %get3A_123 = arith.index_cast %add3A_122 : i32 to index
        %get3A_124 = tpu.vector_load %arg8[%get3A_123] {strides = array<i32>} : memref<8000xi32, #tpu.memory_space<vmem>>, vector<16xi32>,
        %add3A_125 = arith.constant 16 : i32
        %add3A_126 = arith.addi %mul3A_105, %add3A_125 : i32
        %get3A_127 = arith.index_cast %add3A_126 : i32 to index
        %get3A_128 = tpu.vector_load %arg9[%get3A_127] {strides = array<i32>} : memref<8000xf32, #tpu.memory_space<vmem>>, vector<16xf32>,
        %add3A_129 = arith.constant 32 : i32
        %add3A_130 = arith.addi %mul3A_105, %add3A_129 : i32
        %get3A_131 = arith.index_cast %add3A_130 : i32 to index
        %get3A_132 = tpu.vector_load %arg7[%get3A_131] {strides = array<i32>} : memref<8000xi32, #tpu.memory_space<vmem>>, vector<16xi32>,
        %add3A_133 = arith.constant 32 : i32
        %add3A_134 = arith.addi %mul3A_105, %add3A_133 : i32
        %get3A_135 = arith.index_cast %add3A_134 : i32 to index
        %get3A_136 = tpu.vector_load %arg8[%get3A_135] {strides = array<i32>} : memref<8000xi32, #tpu.memory_space<vmem>>, vector<16xi32>,
        %add3A_137 = arith.constant 32 : i32
        %add3A_138 = arith.addi %mul3A_105, %add3A_137 : i32
        %get3A_139 = arith.index_cast %add3A_138 : i32 to index
        %get3A_140 = tpu.vector_load %arg9[%get3A_139] {strides = array<i32>} : memref<8000xf32, #tpu.memory_space<vmem>>, vector<16xf32>,
        %add3A_141 = arith.constant 48 : i32
        %add3A_142 = arith.addi %mul3A_105, %add3A_141 : i32
        %get3A_143 = arith.index_cast %add3A_142 : i32 to index
        %get3A_144 = tpu.vector_load %arg7[%get3A_143] {strides = array<i32>} : memref<8000xi32, #tpu.memory_space<vmem>>, vector<16xi32>,
        %add3A_145 = arith.constant 48 : i32
        %add3A_146 = arith.addi %mul3A_105, %add3A_145 : i32
        %get3A_147 = arith.index_cast %add3A_146 : i32 to index
        %get3A_148 = tpu.vector_load %arg8[%get3A_147] {strides = array<i32>} : memref<8000xi32, #tpu.memory_space<vmem>>, vector<16xi32>,
        %add3A_149 = arith.constant 48 : i32
        %add3A_150 = arith.addi %mul3A_105, %add3A_149 : i32
        %get3A_151 = arith.index_cast %add3A_150 : i32 to index
        %get3A_152 = tpu.vector_load %arg9[%get3A_151] {strides = array<i32>} : memref<8000xf32, #tpu.memory_space<vmem>>, vector<16xf32>,
        %gather3A = tpu.vector_load_idx %arg10[%get3A_108] : memref<10240xf32, #tpu.memory_space<vmem>>[vector<16xi32>], vector<16xf32>,
        %mul3A_153 = arith.mulf %gather3A, %get3A_116 : vector<16xf32>
        %gather3A_154 = tpu.vector_load_idx %arg11[%get3A_108] : memref<10240xf32, #tpu.memory_space<vmem>>[vector<16xi32>], vector<16xf32>,
        %mul3A_155 = arith.mulf %gather3A_154, %get3A_116 : vector<16xf32>
        %gather3A_156 = tpu.vector_load_idx %arg12[%get3A_108] : memref<10240xf32, #tpu.memory_space<vmem>>[vector<16xi32>], vector<16xf32>,
        %mul3A_157 = arith.mulf %gather3A_156, %get3A_116 : vector<16xf32>
        %gather3A_158 = tpu.vector_load_idx %arg13[%get3A_108] : memref<10240xf32, #tpu.memory_space<vmem>>[vector<16xi32>], vector<16xf32>,
        %mul3A_159 = arith.mulf %gather3A_158, %get3A_116 : vector<16xf32>
        %gather3A_160 = tpu.vector_load_idx %arg10[%get3A_120] : memref<10240xf32, #tpu.memory_space<vmem>>[vector<16xi32>], vector<16xf32>,
        %mul3A_161 = arith.mulf %gather3A_160, %get3A_128 : vector<16xf32>
        %gather3A_162 = tpu.vector_load_idx %arg11[%get3A_120] : memref<10240xf32, #tpu.memory_space<vmem>>[vector<16xi32>], vector<16xf32>,
        %mul3A_163 = arith.mulf %gather3A_162, %get3A_128 : vector<16xf32>
        %gather3A_164 = tpu.vector_load_idx %arg12[%get3A_120] : memref<10240xf32, #tpu.memory_space<vmem>>[vector<16xi32>], vector<16xf32>,
        %mul3A_165 = arith.mulf %gather3A_164, %get3A_128 : vector<16xf32>
        %gather3A_166 = tpu.vector_load_idx %arg13[%get3A_120] : memref<10240xf32, #tpu.memory_space<vmem>>[vector<16xi32>], vector<16xf32>,
        %mul3A_167 = arith.mulf %gather3A_166, %get3A_128 : vector<16xf32>
        %gather3A_168 = tpu.vector_load_idx %arg10[%get3A_132] : memref<10240xf32, #tpu.memory_space<vmem>>[vector<16xi32>], vector<16xf32>,
        %mul3A_169 = arith.mulf %gather3A_168, %get3A_140 : vector<16xf32>
        %gather3A_170 = tpu.vector_load_idx %arg11[%get3A_132] : memref<10240xf32, #tpu.memory_space<vmem>>[vector<16xi32>], vector<16xf32>,
        %mul3A_171 = arith.mulf %gather3A_170, %get3A_140 : vector<16xf32>
        %gather3A_172 = tpu.vector_load_idx %arg12[%get3A_132] : memref<10240xf32, #tpu.memory_space<vmem>>[vector<16xi32>], vector<16xf32>,
        %mul3A_173 = arith.mulf %gather3A_172, %get3A_140 : vector<16xf32>
        %gather3A_174 = tpu.vector_load_idx %arg13[%get3A_132] : memref<10240xf32, #tpu.memory_space<vmem>>[vector<16xi32>], vector<16xf32>,
        %mul3A_175 = arith.mulf %gather3A_174, %get3A_140 : vector<16xf32>
        %gather3A_176 = tpu.vector_load_idx %arg10[%get3A_144] : memref<10240xf32, #tpu.memory_space<vmem>>[vector<16xi32>], vector<16xf32>,
        %mul3A_177 = arith.mulf %gather3A_176, %get3A_152 : vector<16xf32>
        %gather3A_178 = tpu.vector_load_idx %arg11[%get3A_144] : memref<10240xf32, #tpu.memory_space<vmem>>[vector<16xi32>], vector<16xf32>,
        %mul3A_179 = arith.mulf %gather3A_178, %get3A_152 : vector<16xf32>
        %gather3A_180 = tpu.vector_load_idx %arg12[%get3A_144] : memref<10240xf32, #tpu.memory_space<vmem>>[vector<16xi32>], vector<16xf32>,
        %mul3A_181 = arith.mulf %gather3A_180, %get3A_152 : vector<16xf32>
        %gather3A_182 = tpu.vector_load_idx %arg13[%get3A_144] : memref<10240xf32, #tpu.memory_space<vmem>>[vector<16xi32>], vector<16xf32>,
        %mul3A_183 = arith.mulf %gather3A_182, %get3A_152 : vector<16xf32>
        tpu.vector_store_idx %arg14[%get3A_112], %mul3A_153 {add = true} : memref<10240xf32, #tpu.memory_space<vmem>>[vector<16xi32>], vector<16xf32>,
        tpu.vector_store_idx %arg15[%get3A_112], %mul3A_155 {add = true} : memref<10240xf32, #tpu.memory_space<vmem>>[vector<16xi32>], vector<16xf32>,
        tpu.vector_store_idx %arg16[%get3A_112], %mul3A_157 {add = true} : memref<10240xf32, #tpu.memory_space<vmem>>[vector<16xi32>], vector<16xf32>,
        tpu.vector_store_idx %arg17[%get3A_112], %mul3A_159 {add = true} : memref<10240xf32, #tpu.memory_space<vmem>>[vector<16xi32>], vector<16xf32>,
        tpu.vector_store_idx %arg14[%get3A_124], %mul3A_161 {add = true} : memref<10240xf32, #tpu.memory_space<vmem>>[vector<16xi32>], vector<16xf32>,
        tpu.vector_store_idx %arg15[%get3A_124], %mul3A_163 {add = true} : memref<10240xf32, #tpu.memory_space<vmem>>[vector<16xi32>], vector<16xf32>,
        tpu.vector_store_idx %arg16[%get3A_124], %mul3A_165 {add = true} : memref<10240xf32, #tpu.memory_space<vmem>>[vector<16xi32>], vector<16xf32>,
        tpu.vector_store_idx %arg17[%get3A_124], %mul3A_167 {add = true} : memref<10240xf32, #tpu.memory_space<vmem>>[vector<16xi32>], vector<16xf32>,
        tpu.vector_store_idx %arg14[%get3A_136], %mul3A_169 {add = true} : memref<10240xf32, #tpu.memory_space<vmem>>[vector<16xi32>], vector<16xf32>,
        tpu.vector_store_idx %arg15[%get3A_136], %mul3A_171 {add = true} : memref<10240xf32, #tpu.memory_space<vmem>>[vector<16xi32>], vector<16xf32>,
        tpu.vector_store_idx %arg16[%get3A_136], %mul3A_173 {add = true} : memref<10240xf32, #tpu.memory_space<vmem>>[vector<16xi32>], vector<16xf32>,
        tpu.vector_store_idx %arg17[%get3A_136], %mul3A_175 {add = true} : memref<10240xf32, #tpu.memory_space<vmem>>[vector<16xi32>], vector<16xf32>,
        tpu.vector_store_idx %arg14[%get3A_148], %mul3A_177 {add = true} : memref<10240xf32, #tpu.memory_space<vmem>>[vector<16xi32>], vector<16xf32>,
        tpu.vector_store_idx %arg15[%get3A_148], %mul3A_179 {add = true} : memref<10240xf32, #tpu.memory_space<vmem>>[vector<16xi32>], vector<16xf32>,
        tpu.vector_store_idx %arg16[%get3A_148], %mul3A_181 {add = true} : memref<10240xf32, #tpu.memory_space<vmem>>[vector<16xi32>], vector<16xf32>,
        tpu.vector_store_idx %arg17[%get3A_148], %mul3A_183 {add = true} : memref<10240xf32, #tpu.memory_space<vmem>>[vector<16xi32>], vector<16xf32>,
      }
      %scan3A_102 = arith.constant 125 : i32
    }
    %scan3A_68 = arith.constant 5 : i32
    %mul3A_69 = arith.constant 4 : i32
    %mul3A_70 = arith.muli %add3A, %mul3A_69 : i32
    %add3A_71 = arith.constant 0 : i32
    %add3A_72 = arith.addi %mul3A_70, %add3A_71 : i32
    %mul3A_73 = arith.constant 10240 : i32
    %mul3A_74 = arith.muli %add3A_72, %mul3A_73 : i32
    "tpu.region"() ({
      %run_scoped3A = tpu.sem_alloc : memref<!tpu.dma_semaphore, #tpu.memory_space<semaphore_mem>>
      %dma_start3A = tpu.memref_slice %arg6[%mul3A_74] : memref<1310720xf32, #tpu.memory_space<hbm>> -> memref<10240xf32, #tpu.memory_space<hbm>>
      %dma_start3A_93 = tpu.memref_slice %arg6[%mul3A_74] : memref<1310720xf32, #tpu.memory_space<hbm>> -> memref<10240xf32, #tpu.memory_space<hbm>>
      tpu.enqueue_dma source(%arg14 : memref<10240xf32, #tpu.memory_space<vmem>>) target(%dma_start3A_93 : memref<10240xf32, #tpu.memory_space<hbm>>) target_semaphore(%run_scoped3A : memref<!tpu.dma_semaphore, #tpu.memory_space<semaphore_mem>>)
      %dma_wait3A = tpu.memref_slice %arg6[%mul3A_74] : memref<1310720xf32, #tpu.memory_space<hbm>> -> memref<10240xf32, #tpu.memory_space<hbm>>
      %dma_wait3A_94 = tpu.memref_slice %arg6[%mul3A_74] : memref<1310720xf32, #tpu.memory_space<hbm>> -> memref<10240xf32, #tpu.memory_space<hbm>>
      tpu.wait_dma2 semaphore(%run_scoped3A : memref<!tpu.dma_semaphore, #tpu.memory_space<semaphore_mem>>) src(%arg14 : memref<10240xf32, #tpu.memory_space<vmem>>) dst(%dma_wait3A_94 : memref<10240xf32, #tpu.memory_space<hbm>>)
      tpu.yield
    }) : () -> ()
    %mul3A_75 = arith.constant 4 : i32
    %mul3A_76 = arith.muli %add3A, %mul3A_75 : i32
    %add3A_77 = arith.constant 1 : i32
    %add3A_78 = arith.addi %mul3A_76, %add3A_77 : i32
    %mul3A_79 = arith.constant 10240 : i32
    %mul3A_80 = arith.muli %add3A_78, %mul3A_79 : i32
    "tpu.region"() ({
      %run_scoped3A = tpu.sem_alloc : memref<!tpu.dma_semaphore, #tpu.memory_space<semaphore_mem>>
      %dma_start3A = tpu.memref_slice %arg6[%mul3A_80] : memref<1310720xf32, #tpu.memory_space<hbm>> -> memref<10240xf32, #tpu.memory_space<hbm>>
      %dma_start3A_93 = tpu.memref_slice %arg6[%mul3A_80] : memref<1310720xf32, #tpu.memory_space<hbm>> -> memref<10240xf32, #tpu.memory_space<hbm>>
      tpu.enqueue_dma source(%arg15 : memref<10240xf32, #tpu.memory_space<vmem>>) target(%dma_start3A_93 : memref<10240xf32, #tpu.memory_space<hbm>>) target_semaphore(%run_scoped3A : memref<!tpu.dma_semaphore, #tpu.memory_space<semaphore_mem>>)
      %dma_wait3A = tpu.memref_slice %arg6[%mul3A_80] : memref<1310720xf32, #tpu.memory_space<hbm>> -> memref<10240xf32, #tpu.memory_space<hbm>>
      %dma_wait3A_94 = tpu.memref_slice %arg6[%mul3A_80] : memref<1310720xf32, #tpu.memory_space<hbm>> -> memref<10240xf32, #tpu.memory_space<hbm>>
      tpu.wait_dma2 semaphore(%run_scoped3A : memref<!tpu.dma_semaphore, #tpu.memory_space<semaphore_mem>>) src(%arg15 : memref<10240xf32, #tpu.memory_space<vmem>>) dst(%dma_wait3A_94 : memref<10240xf32, #tpu.memory_space<hbm>>)
      tpu.yield
    }) : () -> ()
    %mul3A_81 = arith.constant 4 : i32
    %mul3A_82 = arith.muli %add3A, %mul3A_81 : i32
    %add3A_83 = arith.constant 2 : i32
    %add3A_84 = arith.addi %mul3A_82, %add3A_83 : i32
    %mul3A_85 = arith.constant 10240 : i32
    %mul3A_86 = arith.muli %add3A_84, %mul3A_85 : i32
    "tpu.region"() ({
      %run_scoped3A = tpu.sem_alloc : memref<!tpu.dma_semaphore, #tpu.memory_space<semaphore_mem>>
      %dma_start3A = tpu.memref_slice %arg6[%mul3A_86] : memref<1310720xf32, #tpu.memory_space<hbm>> -> memref<10240xf32, #tpu.memory_space<hbm>>
      %dma_start3A_93 = tpu.memref_slice %arg6[%mul3A_86] : memref<1310720xf32, #tpu.memory_space<hbm>> -> memref<10240xf32, #tpu.memory_space<hbm>>
      tpu.enqueue_dma source(%arg16 : memref<10240xf32, #tpu.memory_space<vmem>>) target(%dma_start3A_93 : memref<10240xf32, #tpu.memory_space<hbm>>) target_semaphore(%run_scoped3A : memref<!tpu.dma_semaphore, #tpu.memory_space<semaphore_mem>>)
      %dma_wait3A = tpu.memref_slice %arg6[%mul3A_86] : memref<1310720xf32, #tpu.memory_space<hbm>> -> memref<10240xf32, #tpu.memory_space<hbm>>
      %dma_wait3A_94 = tpu.memref_slice %arg6[%mul3A_86] : memref<1310720xf32, #tpu.memory_space<hbm>> -> memref<10240xf32, #tpu.memory_space<hbm>>
      tpu.wait_dma2 semaphore(%run_scoped3A : memref<!tpu.dma_semaphore, #tpu.memory_space<semaphore_mem>>) src(%arg16 : memref<10240xf32, #tpu.memory_space<vmem>>) dst(%dma_wait3A_94 : memref<10240xf32, #tpu.memory_space<hbm>>)
      tpu.yield
    }) : () -> ()
    %mul3A_87 = arith.constant 4 : i32
    %mul3A_88 = arith.muli %add3A, %mul3A_87 : i32
    %add3A_89 = arith.constant 3 : i32
    %add3A_90 = arith.addi %mul3A_88, %add3A_89 : i32
    %mul3A_91 = arith.constant 10240 : i32
    %mul3A_92 = arith.muli %add3A_90, %mul3A_91 : i32
    "tpu.region"() ({
      %run_scoped3A = tpu.sem_alloc : memref<!tpu.dma_semaphore, #tpu.memory_space<semaphore_mem>>
      %dma_start3A = tpu.memref_slice %arg6[%mul3A_92] : memref<1310720xf32, #tpu.memory_space<hbm>> -> memref<10240xf32, #tpu.memory_space<hbm>>
      %dma_start3A_93 = tpu.memref_slice %arg6[%mul3A_92] : memref<1310720xf32, #tpu.memory_space<hbm>> -> memref<10240xf32, #tpu.memory_space<hbm>>
      tpu.enqueue_dma source(%arg17 : memref<10240xf32, #tpu.memory_space<vmem>>) target(%dma_start3A_93 : memref<10240xf32, #tpu.memory_space<hbm>>) target_semaphore(%run_scoped3A : memref<!tpu.dma_semaphore, #tpu.memory_space<semaphore_mem>>)
      %dma_wait3A = tpu.memref_slice %arg6[%mul3A_92] : memref<1310720xf32, #tpu.memory_space<hbm>> -> memref<10240xf32, #tpu.memory_space<hbm>>
      %dma_wait3A_94 = tpu.memref_slice %arg6[%mul3A_92] : memref<1310720xf32, #tpu.memory_space<hbm>> -> memref<10240xf32, #tpu.memory_space<hbm>>
      tpu.wait_dma2 semaphore(%run_scoped3A : memref<!tpu.dma_semaphore, #tpu.memory_space<semaphore_mem>>) src(%arg17 : memref<10240xf32, #tpu.memory_space<vmem>>) dst(%dma_wait3A_94 : memref<10240xf32, #tpu.memory_space<hbm>>)
      tpu.yield
    }) : () -> ()
    return
  }
}

#map = affine_map<(d0, d1) -> (0)>
module attributes {stable_mosaic.version = 14 : i64} {
  func.func @_edge_accumulate(%arg0: i32, %arg1: i32, %arg2: memref<163840xf32, #tpu.memory_space<hbm>>, %arg3: memref<320000xi32, #tpu.memory_space<hbm>>, %arg4: memref<320000xi32, #tpu.memory_space<hbm>>, %arg5: memref<320000xf32, #tpu.memory_space<hbm>>, %arg6: memref<1310720xf32, #tpu.memory_space<hbm>>, %arg7: memref<8000xi32, #tpu.memory_space<vmem>>, %arg8: memref<8000xi32, #tpu.memory_space<vmem>>, %arg9: memref<8000xf32, #tpu.memory_space<vmem>>, %arg10: memref<10240xf32, #tpu.memory_space<vmem>>, %arg11: memref<10240xf32, #tpu.memory_space<vmem>>, %arg12: memref<10240xf32, #tpu.memory_space<vmem>>, %arg13: memref<10240xf32, #tpu.memory_space<vmem>>, %arg14: memref<10240xf32, #tpu.memory_space<vmem>>, %arg15: memref<10240xf32, #tpu.memory_space<vmem>>, %arg16: memref<10240xf32, #tpu.memory_space<vmem>>, %arg17: memref<10240xf32, #tpu.memory_space<vmem>>) attributes {dimension_semantics = [#tpu.dimension_semantics<core_parallel>, #tpu.dimension_semantics<subcore_parallel>], iteration_bounds = array<i64: 2, 16>, scalar_prefetch = 0 : i64, scratch_operands = 11 : i64, tpu.core_type = #tpu.core_type<sc_vector_subcore>, window_params = [{transform_indices = #map}, {transform_indices = #map}, {transform_indices = #map}, {transform_indices = #map}, {transform_indices = #map}]} {
    %mul3A = arith.constant 16 : i32
    %mul3A_0 = arith.muli %arg0, %mul3A : i32
    %add3A = arith.addi %mul3A_0, %arg1 : i32
    %jit3A = arith.constant 4 : i32
    %div3A = arith.divsi %add3A, %jit3A : i32
    %sign3A = arith.constant 0 : i32
    %sign3A_1 = arith.cmpi sgt, %add3A, %sign3A : i32
    %sign3A_2 = arith.extui %sign3A_1 : i1 to i32
    %sign3A_3 = arith.constant 0 : i32
    %sign3A_4 = arith.cmpi slt, %add3A, %sign3A_3 : i32
    %sign3A_5 = arith.extui %sign3A_4 : i1 to i32
    %sign3A_6 = arith.subi %sign3A_2, %sign3A_5 : i32
    %sign3A_7 = arith.constant 0 : i32
    %sign3A_8 = arith.cmpi sgt, %jit3A, %sign3A_7 : i32
    %sign3A_9 = arith.extui %sign3A_8 : i1 to i32
    %sign3A_10 = arith.constant 0 : i32
    %sign3A_11 = arith.cmpi slt, %jit3A, %sign3A_10 : i32
    %sign3A_12 = arith.extui %sign3A_11 : i1 to i32
    %sign3A_13 = arith.subi %sign3A_9, %sign3A_12 : i32
    %ne3A = arith.cmpi ne, %sign3A_6, %sign3A_13 : i32
    %rem3A = arith.remsi %add3A, %jit3A : i32
    %ne3A_14 = arith.constant 0 : i32
    %ne3A_15 = arith.cmpi ne, %rem3A, %ne3A_14 : i32
    %and3A = arith.andi %ne3A, %ne3A_15 : i1
    %sub3A = arith.constant 1 : i32
    %sub3A_16 = arith.subi %div3A, %sub3A : i32
    %select_n3A = arith.select %and3A, %sub3A_16, %div3A : i32
    %jit3A_17 = arith.constant 4 : i32
    %eq3A = arith.constant 0 : i32
    %eq3A_18 = arith.cmpi eq, %jit3A_17, %eq3A : i32
    %jit3A_19 = arith.constant 1 : i32
    %select_n3A_20 = arith.select %eq3A_18, %jit3A_19, %jit3A_17 : i32
    %rem3A_21 = arith.remsi %add3A, %select_n3A_20 : i32
    %ne3A_22 = arith.constant 0 : i32
    %ne3A_23 = arith.cmpi ne, %rem3A_21, %ne3A_22 : i32
    %lt3A = arith.constant 0 : i32
    %lt3A_24 = arith.cmpi slt, %rem3A_21, %lt3A : i32
    %lt3A_25 = arith.constant 0 : i32
    %lt3A_26 = arith.cmpi slt, %select_n3A_20, %lt3A_25 : i32
    %ne3A_27 = arith.xori %lt3A_24, %lt3A_26 : i1
    %and3A_28 = arith.andi %ne3A_27, %ne3A_23 : i1
    %add3A_29 = arith.addi %rem3A_21, %select_n3A_20 : i32
    %select_n3A_30 = arith.select %and3A_28, %add3A_29, %rem3A_21 : i32
    %mul3A_31 = arith.constant 4 : i32
    %mul3A_32 = arith.muli %select_n3A_30, %mul3A_31 : i32
    %add3A_33 = arith.constant 0 : i32
    %add3A_34 = arith.addi %mul3A_32, %add3A_33 : i32
    %mul3A_35 = arith.constant 10240 : i32
    %mul3A_36 = arith.muli %add3A_34, %mul3A_35 : i32
    "tpu.region"() ({
      %run_scoped3A = tpu.sem_alloc : memref<!tpu.dma_semaphore, #tpu.memory_space<semaphore_mem>>
      %dma_start3A = tpu.memref_slice %arg2[%mul3A_36] : memref<163840xf32, #tpu.memory_space<hbm>> -> memref<10240xf32, #tpu.memory_space<hbm>>
      %dma_start3A_93 = tpu.memref_slice %arg2[%mul3A_36] : memref<163840xf32, #tpu.memory_space<hbm>> -> memref<10240xf32, #tpu.memory_space<hbm>>
      tpu.enqueue_dma source(%dma_start3A_93 : memref<10240xf32, #tpu.memory_space<hbm>>) target(%arg10 : memref<10240xf32, #tpu.memory_space<vmem>>) target_semaphore(%run_scoped3A : memref<!tpu.dma_semaphore, #tpu.memory_space<semaphore_mem>>)
      %dma_wait3A = tpu.memref_slice %arg2[%mul3A_36] : memref<163840xf32, #tpu.memory_space<hbm>> -> memref<10240xf32, #tpu.memory_space<hbm>>
      %dma_wait3A_94 = tpu.memref_slice %arg2[%mul3A_36] : memref<163840xf32, #tpu.memory_space<hbm>> -> memref<10240xf32, #tpu.memory_space<hbm>>
      tpu.wait_dma2 semaphore(%run_scoped3A : memref<!tpu.dma_semaphore, #tpu.memory_space<semaphore_mem>>) src(%dma_wait3A_94 : memref<10240xf32, #tpu.memory_space<hbm>>) dst(%arg10 : memref<10240xf32, #tpu.memory_space<vmem>>)
      tpu.yield
    }) : () -> ()
    %mul3A_37 = arith.constant 4 : i32
    %mul3A_38 = arith.muli %select_n3A_30, %mul3A_37 : i32
    %add3A_39 = arith.constant 1 : i32
    %add3A_40 = arith.addi %mul3A_38, %add3A_39 : i32
    %mul3A_41 = arith.constant 10240 : i32
    %mul3A_42 = arith.muli %add3A_40, %mul3A_41 : i32
    "tpu.region"() ({
      %run_scoped3A = tpu.sem_alloc : memref<!tpu.dma_semaphore, #tpu.memory_space<semaphore_mem>>
      %dma_start3A = tpu.memref_slice %arg2[%mul3A_42] : memref<163840xf32, #tpu.memory_space<hbm>> -> memref<10240xf32, #tpu.memory_space<hbm>>
      %dma_start3A_93 = tpu.memref_slice %arg2[%mul3A_42] : memref<163840xf32, #tpu.memory_space<hbm>> -> memref<10240xf32, #tpu.memory_space<hbm>>
      tpu.enqueue_dma source(%dma_start3A_93 : memref<10240xf32, #tpu.memory_space<hbm>>) target(%arg11 : memref<10240xf32, #tpu.memory_space<vmem>>) target_semaphore(%run_scoped3A : memref<!tpu.dma_semaphore, #tpu.memory_space<semaphore_mem>>)
      %dma_wait3A = tpu.memref_slice %arg2[%mul3A_42] : memref<163840xf32, #tpu.memory_space<hbm>> -> memref<10240xf32, #tpu.memory_space<hbm>>
      %dma_wait3A_94 = tpu.memref_slice %arg2[%mul3A_42] : memref<163840xf32, #tpu.memory_space<hbm>> -> memref<10240xf32, #tpu.memory_space<hbm>>
      tpu.wait_dma2 semaphore(%run_scoped3A : memref<!tpu.dma_semaphore, #tpu.memory_space<semaphore_mem>>) src(%dma_wait3A_94 : memref<10240xf32, #tpu.memory_space<hbm>>) dst(%arg11 : memref<10240xf32, #tpu.memory_space<vmem>>)
      tpu.yield
    }) : () -> ()
    %mul3A_43 = arith.constant 4 : i32
    %mul3A_44 = arith.muli %select_n3A_30, %mul3A_43 : i32
    %add3A_45 = arith.constant 2 : i32
    %add3A_46 = arith.addi %mul3A_44, %add3A_45 : i32
    %mul3A_47 = arith.constant 10240 : i32
    %mul3A_48 = arith.muli %add3A_46, %mul3A_47 : i32
    "tpu.region"() ({
      %run_scoped3A = tpu.sem_alloc : memref<!tpu.dma_semaphore, #tpu.memory_space<semaphore_mem>>
      %dma_start3A = tpu.memref_slice %arg2[%mul3A_48] : memref<163840xf32, #tpu.memory_space<hbm>> -> memref<10240xf32, #tpu.memory_space<hbm>>
      %dma_start3A_93 = tpu.memref_slice %arg2[%mul3A_48] : memref<163840xf32, #tpu.memory_space<hbm>> -> memref<10240xf32, #tpu.memory_space<hbm>>
      tpu.enqueue_dma source(%dma_start3A_93 : memref<10240xf32, #tpu.memory_space<hbm>>) target(%arg12 : memref<10240xf32, #tpu.memory_space<vmem>>) target_semaphore(%run_scoped3A : memref<!tpu.dma_semaphore, #tpu.memory_space<semaphore_mem>>)
      %dma_wait3A = tpu.memref_slice %arg2[%mul3A_48] : memref<163840xf32, #tpu.memory_space<hbm>> -> memref<10240xf32, #tpu.memory_space<hbm>>
      %dma_wait3A_94 = tpu.memref_slice %arg2[%mul3A_48] : memref<163840xf32, #tpu.memory_space<hbm>> -> memref<10240xf32, #tpu.memory_space<hbm>>
      tpu.wait_dma2 semaphore(%run_scoped3A : memref<!tpu.dma_semaphore, #tpu.memory_space<semaphore_mem>>) src(%dma_wait3A_94 : memref<10240xf32, #tpu.memory_space<hbm>>) dst(%arg12 : memref<10240xf32, #tpu.memory_space<vmem>>)
      tpu.yield
    }) : () -> ()
    %mul3A_49 = arith.constant 4 : i32
    %mul3A_50 = arith.muli %select_n3A_30, %mul3A_49 : i32
    %add3A_51 = arith.constant 3 : i32
    %add3A_52 = arith.addi %mul3A_50, %add3A_51 : i32
    %mul3A_53 = arith.constant 10240 : i32
    %mul3A_54 = arith.muli %add3A_52, %mul3A_53 : i32
    "tpu.region"() ({
      %run_scoped3A = tpu.sem_alloc : memref<!tpu.dma_semaphore, #tpu.memory_space<semaphore_mem>>
      %dma_start3A = tpu.memref_slice %arg2[%mul3A_54] : memref<163840xf32, #tpu.memory_space<hbm>> -> memref<10240xf32, #tpu.memory_space<hbm>>
      %dma_start3A_93 = tpu.memref_slice %arg2[%mul3A_54] : memref<163840xf32, #tpu.memory_space<hbm>> -> memref<10240xf32, #tpu.memory_space<hbm>>
      tpu.enqueue_dma source(%dma_start3A_93 : memref<10240xf32, #tpu.memory_space<hbm>>) target(%arg13 : memref<10240xf32, #tpu.memory_space<vmem>>) target_semaphore(%run_scoped3A : memref<!tpu.dma_semaphore, #tpu.memory_space<semaphore_mem>>)
      %dma_wait3A = tpu.memref_slice %arg2[%mul3A_54] : memref<163840xf32, #tpu.memory_space<hbm>> -> memref<10240xf32, #tpu.memory_space<hbm>>
      %dma_wait3A_94 = tpu.memref_slice %arg2[%mul3A_54] : memref<163840xf32, #tpu.memory_space<hbm>> -> memref<10240xf32, #tpu.memory_space<hbm>>
      tpu.wait_dma2 semaphore(%run_scoped3A : memref<!tpu.dma_semaphore, #tpu.memory_space<semaphore_mem>>) src(%dma_wait3A_94 : memref<10240xf32, #tpu.memory_space<hbm>>) dst(%arg13 : memref<10240xf32, #tpu.memory_space<vmem>>)
      tpu.yield
    }) : () -> ()
    %broadcast_in_dim3A = arith.constant 0.000000e+00 : f32
    %broadcast_in_dim3A_55 = vector.broadcast %broadcast_in_dim3A : f32 to vector<16xf32>
    %scan3A = arith.constant 0 : i32
    %scan3A_56 = arith.constant 0 : i32
    %scan3A_57 = arith.constant 640 : i32
    %scan3A_58 = arith.addi %scan3A_56, %scan3A_57 : i32
    %scan3A_59 = arith.constant 1 : i32
    scf.for %scan3A_93 = %scan3A_56 to %scan3A_58 step %scan3A_59  : i32 {
      %mul3A_94 = arith.constant 16 : i32
      %mul3A_95 = arith.muli %scan3A_93, %mul3A_94 : i32
      %swap3A = arith.index_cast %mul3A_95 : i32 to index
      %swap3A_96 = tpu.vector_load %arg14[%swap3A] {strides = array<i32>} : memref<10240xf32, #tpu.memory_space<vmem>>, vector<16xf32>,
      tpu.vector_store %arg14[%swap3A], %broadcast_in_dim3A_55 {strides = array<i32>} : memref<10240xf32, #tpu.memory_space<vmem>>, vector<16xf32>,
      %mul3A_97 = arith.constant 16 : i32
      %mul3A_98 = arith.muli %scan3A_93, %mul3A_97 : i32
      %swap3A_99 = arith.index_cast %mul3A_98 : i32 to index
      %swap3A_100 = tpu.vector_load %arg15[%swap3A_99] {strides = array<i32>} : memref<10240xf32, #tpu.memory_space<vmem>>, vector<16xf32>,
      tpu.vector_store %arg15[%swap3A_99], %broadcast_in_dim3A_55 {strides = array<i32>} : memref<10240xf32, #tpu.memory_space<vmem>>, vector<16xf32>,
      %mul3A_101 = arith.constant 16 : i32
      %mul3A_102 = arith.muli %scan3A_93, %mul3A_101 : i32
      %swap3A_103 = arith.index_cast %mul3A_102 : i32 to index
      %swap3A_104 = tpu.vector_load %arg16[%swap3A_103] {strides = array<i32>} : memref<10240xf32, #tpu.memory_space<vmem>>, vector<16xf32>,
      tpu.vector_store %arg16[%swap3A_103], %broadcast_in_dim3A_55 {strides = array<i32>} : memref<10240xf32, #tpu.memory_space<vmem>>, vector<16xf32>,
      %mul3A_105 = arith.constant 16 : i32
      %mul3A_106 = arith.muli %scan3A_93, %mul3A_105 : i32
      %swap3A_107 = arith.index_cast %mul3A_106 : i32 to index
      %swap3A_108 = tpu.vector_load %arg17[%swap3A_107] {strides = array<i32>} : memref<10240xf32, #tpu.memory_space<vmem>>, vector<16xf32>,
      tpu.vector_store %arg17[%swap3A_107], %broadcast_in_dim3A_55 {strides = array<i32>} : memref<10240xf32, #tpu.memory_space<vmem>>, vector<16xf32>,
    }
    %scan3A_60 = arith.constant 640 : i32
    %mul3A_61 = arith.constant 40000 : i32
    %mul3A_62 = arith.muli %select_n3A, %mul3A_61 : i32
    %scan3A_63 = arith.constant 0 : i32
    %scan3A_64 = arith.constant 0 : i32
    %scan3A_65 = arith.constant 5 : i32
    %scan3A_66 = arith.addi %scan3A_64, %scan3A_65 : i32
    %scan3A_67 = arith.constant 1 : i32
    scf.for %scan3A_93 = %scan3A_64 to %scan3A_66 step %scan3A_67  : i32 {
      %mul3A_94 = arith.constant 8000 : i32
      %mul3A_95 = arith.muli %scan3A_93, %mul3A_94 : i32
      %add3A_96 = arith.addi %mul3A_62, %mul3A_95 : i32
      "tpu.region"() ({
        %run_scoped3A = tpu.sem_alloc : memref<!tpu.dma_semaphore, #tpu.memory_space<semaphore_mem>>
        %dma_start3A = tpu.memref_slice %arg3[%add3A_96] : memref<320000xi32, #tpu.memory_space<hbm>> -> memref<8000xi32, #tpu.memory_space<hbm>>
        %dma_start3A_103 = tpu.memref_slice %arg3[%add3A_96] : memref<320000xi32, #tpu.memory_space<hbm>> -> memref<8000xi32, #tpu.memory_space<hbm>>
        tpu.enqueue_dma source(%dma_start3A_103 : memref<8000xi32, #tpu.memory_space<hbm>>) target(%arg7 : memref<8000xi32, #tpu.memory_space<vmem>>) target_semaphore(%run_scoped3A : memref<!tpu.dma_semaphore, #tpu.memory_space<semaphore_mem>>)
        %dma_wait3A = tpu.memref_slice %arg3[%add3A_96] : memref<320000xi32, #tpu.memory_space<hbm>> -> memref<8000xi32, #tpu.memory_space<hbm>>
        %dma_wait3A_104 = tpu.memref_slice %arg3[%add3A_96] : memref<320000xi32, #tpu.memory_space<hbm>> -> memref<8000xi32, #tpu.memory_space<hbm>>
        tpu.wait_dma2 semaphore(%run_scoped3A : memref<!tpu.dma_semaphore, #tpu.memory_space<semaphore_mem>>) src(%dma_wait3A_104 : memref<8000xi32, #tpu.memory_space<hbm>>) dst(%arg7 : memref<8000xi32, #tpu.memory_space<vmem>>)
        tpu.yield
      }) : () -> ()
      "tpu.region"() ({
        %run_scoped3A = tpu.sem_alloc : memref<!tpu.dma_semaphore, #tpu.memory_space<semaphore_mem>>
        %dma_start3A = tpu.memref_slice %arg4[%add3A_96] : memref<320000xi32, #tpu.memory_space<hbm>> -> memref<8000xi32, #tpu.memory_space<hbm>>
        %dma_start3A_103 = tpu.memref_slice %arg4[%add3A_96] : memref<320000xi32, #tpu.memory_space<hbm>> -> memref<8000xi32, #tpu.memory_space<hbm>>
        tpu.enqueue_dma source(%dma_start3A_103 : memref<8000xi32, #tpu.memory_space<hbm>>) target(%arg8 : memref<8000xi32, #tpu.memory_space<vmem>>) target_semaphore(%run_scoped3A : memref<!tpu.dma_semaphore, #tpu.memory_space<semaphore_mem>>)
        %dma_wait3A = tpu.memref_slice %arg4[%add3A_96] : memref<320000xi32, #tpu.memory_space<hbm>> -> memref<8000xi32, #tpu.memory_space<hbm>>
        %dma_wait3A_104 = tpu.memref_slice %arg4[%add3A_96] : memref<320000xi32, #tpu.memory_space<hbm>> -> memref<8000xi32, #tpu.memory_space<hbm>>
        tpu.wait_dma2 semaphore(%run_scoped3A : memref<!tpu.dma_semaphore, #tpu.memory_space<semaphore_mem>>) src(%dma_wait3A_104 : memref<8000xi32, #tpu.memory_space<hbm>>) dst(%arg8 : memref<8000xi32, #tpu.memory_space<vmem>>)
        tpu.yield
      }) : () -> ()
      "tpu.region"() ({
        %run_scoped3A = tpu.sem_alloc : memref<!tpu.dma_semaphore, #tpu.memory_space<semaphore_mem>>
        %dma_start3A = tpu.memref_slice %arg5[%add3A_96] : memref<320000xf32, #tpu.memory_space<hbm>> -> memref<8000xf32, #tpu.memory_space<hbm>>
        %dma_start3A_103 = tpu.memref_slice %arg5[%add3A_96] : memref<320000xf32, #tpu.memory_space<hbm>> -> memref<8000xf32, #tpu.memory_space<hbm>>
        tpu.enqueue_dma source(%dma_start3A_103 : memref<8000xf32, #tpu.memory_space<hbm>>) target(%arg9 : memref<8000xf32, #tpu.memory_space<vmem>>) target_semaphore(%run_scoped3A : memref<!tpu.dma_semaphore, #tpu.memory_space<semaphore_mem>>)
        %dma_wait3A = tpu.memref_slice %arg5[%add3A_96] : memref<320000xf32, #tpu.memory_space<hbm>> -> memref<8000xf32, #tpu.memory_space<hbm>>
        %dma_wait3A_104 = tpu.memref_slice %arg5[%add3A_96] : memref<320000xf32, #tpu.memory_space<hbm>> -> memref<8000xf32, #tpu.memory_space<hbm>>
        tpu.wait_dma2 semaphore(%run_scoped3A : memref<!tpu.dma_semaphore, #tpu.memory_space<semaphore_mem>>) src(%dma_wait3A_104 : memref<8000xf32, #tpu.memory_space<hbm>>) dst(%arg9 : memref<8000xf32, #tpu.memory_space<vmem>>)
        tpu.yield
      }) : () -> ()
      %scan3A_97 = arith.constant 0 : i32
      %scan3A_98 = arith.constant 0 : i32
      %scan3A_99 = arith.constant 125 : i32
      %scan3A_100 = arith.addi %scan3A_98, %scan3A_99 : i32
      %scan3A_101 = arith.constant 1 : i32
      scf.for %scan3A_103 = %scan3A_98 to %scan3A_100 step %scan3A_101  : i32 {
        %mul3A_104 = arith.constant 64 : i32
        %mul3A_105 = arith.muli %scan3A_103, %mul3A_104 : i32
        %add3A_106 = arith.constant 0 : i32
        %add3A_107 = arith.addi %mul3A_105, %add3A_106 : i32
        %get3A = arith.index_cast %add3A_107 : i32 to index
        %get3A_108 = tpu.vector_load %arg7[%get3A] {strides = array<i32>} : memref<8000xi32, #tpu.memory_space<vmem>>, vector<16xi32>,
        %add3A_109 = arith.constant 0 : i32
        %add3A_110 = arith.addi %mul3A_105, %add3A_109 : i32
        %get3A_111 = arith.index_cast %add3A_110 : i32 to index
        %get3A_112 = tpu.vector_load %arg8[%get3A_111] {strides = array<i32>} : memref<8000xi32, #tpu.memory_space<vmem>>, vector<16xi32>,
        %add3A_113 = arith.constant 0 : i32
        %add3A_114 = arith.addi %mul3A_105, %add3A_113 : i32
        %get3A_115 = arith.index_cast %add3A_114 : i32 to index
        %get3A_116 = tpu.vector_load %arg9[%get3A_115] {strides = array<i32>} : memref<8000xf32, #tpu.memory_space<vmem>>, vector<16xf32>,
        %add3A_117 = arith.constant 16 : i32
        %add3A_118 = arith.addi %mul3A_105, %add3A_117 : i32
        %get3A_119 = arith.index_cast %add3A_118 : i32 to index
        %get3A_120 = tpu.vector_load %arg7[%get3A_119] {strides = array<i32>} : memref<8000xi32, #tpu.memory_space<vmem>>, vector<16xi32>,
        %add3A_121 = arith.constant 16 : i32
        %add3A_122 = arith.addi %mul3A_105, %add3A_121 : i32
        %get3A_123 = arith.index_cast %add3A_122 : i32 to index
        %get3A_124 = tpu.vector_load %arg8[%get3A_123] {strides = array<i32>} : memref<8000xi32, #tpu.memory_space<vmem>>, vector<16xi32>,
        %add3A_125 = arith.constant 16 : i32
        %add3A_126 = arith.addi %mul3A_105, %add3A_125 : i32
        %get3A_127 = arith.index_cast %add3A_126 : i32 to index
        %get3A_128 = tpu.vector_load %arg9[%get3A_127] {strides = array<i32>} : memref<8000xf32, #tpu.memory_space<vmem>>, vector<16xf32>,
        %add3A_129 = arith.constant 32 : i32
        %add3A_130 = arith.addi %mul3A_105, %add3A_129 : i32
        %get3A_131 = arith.index_cast %add3A_130 : i32 to index
        %get3A_132 = tpu.vector_load %arg7[%get3A_131] {strides = array<i32>} : memref<8000xi32, #tpu.memory_space<vmem>>, vector<16xi32>,
        %add3A_133 = arith.constant 32 : i32
        %add3A_134 = arith.addi %mul3A_105, %add3A_133 : i32
        %get3A_135 = arith.index_cast %add3A_134 : i32 to index
        %get3A_136 = tpu.vector_load %arg8[%get3A_135] {strides = array<i32>} : memref<8000xi32, #tpu.memory_space<vmem>>, vector<16xi32>,
        %add3A_137 = arith.constant 32 : i32
        %add3A_138 = arith.addi %mul3A_105, %add3A_137 : i32
        %get3A_139 = arith.index_cast %add3A_138 : i32 to index
        %get3A_140 = tpu.vector_load %arg9[%get3A_139] {strides = array<i32>} : memref<8000xf32, #tpu.memory_space<vmem>>, vector<16xf32>,
        %add3A_141 = arith.constant 48 : i32
        %add3A_142 = arith.addi %mul3A_105, %add3A_141 : i32
        %get3A_143 = arith.index_cast %add3A_142 : i32 to index
        %get3A_144 = tpu.vector_load %arg7[%get3A_143] {strides = array<i32>} : memref<8000xi32, #tpu.memory_space<vmem>>, vector<16xi32>,
        %add3A_145 = arith.constant 48 : i32
        %add3A_146 = arith.addi %mul3A_105, %add3A_145 : i32
        %get3A_147 = arith.index_cast %add3A_146 : i32 to index
        %get3A_148 = tpu.vector_load %arg8[%get3A_147] {strides = array<i32>} : memref<8000xi32, #tpu.memory_space<vmem>>, vector<16xi32>,
        %add3A_149 = arith.constant 48 : i32
        %add3A_150 = arith.addi %mul3A_105, %add3A_149 : i32
        %get3A_151 = arith.index_cast %add3A_150 : i32 to index
        %get3A_152 = tpu.vector_load %arg9[%get3A_151] {strides = array<i32>} : memref<8000xf32, #tpu.memory_space<vmem>>, vector<16xf32>,
        %gather3A = tpu.vector_load_idx %arg10[%get3A_108] : memref<10240xf32, #tpu.memory_space<vmem>>[vector<16xi32>], vector<16xf32>,
        %mul3A_153 = arith.mulf %gather3A, %get3A_116 : vector<16xf32>
        %gather3A_154 = tpu.vector_load_idx %arg11[%get3A_108] : memref<10240xf32, #tpu.memory_space<vmem>>[vector<16xi32>], vector<16xf32>,
        %mul3A_155 = arith.mulf %gather3A_154, %get3A_116 : vector<16xf32>
        %gather3A_156 = tpu.vector_load_idx %arg12[%get3A_108] : memref<10240xf32, #tpu.memory_space<vmem>>[vector<16xi32>], vector<16xf32>,
        %mul3A_157 = arith.mulf %gather3A_156, %get3A_116 : vector<16xf32>
        %gather3A_158 = tpu.vector_load_idx %arg13[%get3A_108] : memref<10240xf32, #tpu.memory_space<vmem>>[vector<16xi32>], vector<16xf32>,
        %mul3A_159 = arith.mulf %gather3A_158, %get3A_116 : vector<16xf32>
        %gather3A_160 = tpu.vector_load_idx %arg10[%get3A_120] : memref<10240xf32, #tpu.memory_space<vmem>>[vector<16xi32>], vector<16xf32>,
        %mul3A_161 = arith.mulf %gather3A_160, %get3A_128 : vector<16xf32>
        %gather3A_162 = tpu.vector_load_idx %arg11[%get3A_120] : memref<10240xf32, #tpu.memory_space<vmem>>[vector<16xi32>], vector<16xf32>,
        %mul3A_163 = arith.mulf %gather3A_162, %get3A_128 : vector<16xf32>
        %gather3A_164 = tpu.vector_load_idx %arg12[%get3A_120] : memref<10240xf32, #tpu.memory_space<vmem>>[vector<16xi32>], vector<16xf32>,
        %mul3A_165 = arith.mulf %gather3A_164, %get3A_128 : vector<16xf32>
        %gather3A_166 = tpu.vector_load_idx %arg13[%get3A_120] : memref<10240xf32, #tpu.memory_space<vmem>>[vector<16xi32>], vector<16xf32>,
        %mul3A_167 = arith.mulf %gather3A_166, %get3A_128 : vector<16xf32>
        %gather3A_168 = tpu.vector_load_idx %arg10[%get3A_132] : memref<10240xf32, #tpu.memory_space<vmem>>[vector<16xi32>], vector<16xf32>,
        %mul3A_169 = arith.mulf %gather3A_168, %get3A_140 : vector<16xf32>
        %gather3A_170 = tpu.vector_load_idx %arg11[%get3A_132] : memref<10240xf32, #tpu.memory_space<vmem>>[vector<16xi32>], vector<16xf32>,
        %mul3A_171 = arith.mulf %gather3A_170, %get3A_140 : vector<16xf32>
        %gather3A_172 = tpu.vector_load_idx %arg12[%get3A_132] : memref<10240xf32, #tpu.memory_space<vmem>>[vector<16xi32>], vector<16xf32>,
        %mul3A_173 = arith.mulf %gather3A_172, %get3A_140 : vector<16xf32>
        %gather3A_174 = tpu.vector_load_idx %arg13[%get3A_132] : memref<10240xf32, #tpu.memory_space<vmem>>[vector<16xi32>], vector<16xf32>,
        %mul3A_175 = arith.mulf %gather3A_174, %get3A_140 : vector<16xf32>
        %gather3A_176 = tpu.vector_load_idx %arg10[%get3A_144] : memref<10240xf32, #tpu.memory_space<vmem>>[vector<16xi32>], vector<16xf32>,
        %mul3A_177 = arith.mulf %gather3A_176, %get3A_152 : vector<16xf32>
        %gather3A_178 = tpu.vector_load_idx %arg11[%get3A_144] : memref<10240xf32, #tpu.memory_space<vmem>>[vector<16xi32>], vector<16xf32>,
        %mul3A_179 = arith.mulf %gather3A_178, %get3A_152 : vector<16xf32>
        %gather3A_180 = tpu.vector_load_idx %arg12[%get3A_144] : memref<10240xf32, #tpu.memory_space<vmem>>[vector<16xi32>], vector<16xf32>,
        %mul3A_181 = arith.mulf %gather3A_180, %get3A_152 : vector<16xf32>
        %gather3A_182 = tpu.vector_load_idx %arg13[%get3A_144] : memref<10240xf32, #tpu.memory_space<vmem>>[vector<16xi32>], vector<16xf32>,
        %mul3A_183 = arith.mulf %gather3A_182, %get3A_152 : vector<16xf32>
        tpu.vector_store_idx %arg14[%get3A_112], %mul3A_153 {add = true} : memref<10240xf32, #tpu.memory_space<vmem>>[vector<16xi32>], vector<16xf32>,
        tpu.vector_store_idx %arg15[%get3A_112], %mul3A_155 {add = true} : memref<10240xf32, #tpu.memory_space<vmem>>[vector<16xi32>], vector<16xf32>,
        tpu.vector_store_idx %arg16[%get3A_112], %mul3A_157 {add = true} : memref<10240xf32, #tpu.memory_space<vmem>>[vector<16xi32>], vector<16xf32>,
        tpu.vector_store_idx %arg17[%get3A_112], %mul3A_159 {add = true} : memref<10240xf32, #tpu.memory_space<vmem>>[vector<16xi32>], vector<16xf32>,
        tpu.vector_store_idx %arg14[%get3A_124], %mul3A_161 {add = true} : memref<10240xf32, #tpu.memory_space<vmem>>[vector<16xi32>], vector<16xf32>,
        tpu.vector_store_idx %arg15[%get3A_124], %mul3A_163 {add = true} : memref<10240xf32, #tpu.memory_space<vmem>>[vector<16xi32>], vector<16xf32>,
        tpu.vector_store_idx %arg16[%get3A_124], %mul3A_165 {add = true} : memref<10240xf32, #tpu.memory_space<vmem>>[vector<16xi32>], vector<16xf32>,
        tpu.vector_store_idx %arg17[%get3A_124], %mul3A_167 {add = true} : memref<10240xf32, #tpu.memory_space<vmem>>[vector<16xi32>], vector<16xf32>,
        tpu.vector_store_idx %arg14[%get3A_136], %mul3A_169 {add = true} : memref<10240xf32, #tpu.memory_space<vmem>>[vector<16xi32>], vector<16xf32>,
        tpu.vector_store_idx %arg15[%get3A_136], %mul3A_171 {add = true} : memref<10240xf32, #tpu.memory_space<vmem>>[vector<16xi32>], vector<16xf32>,
        tpu.vector_store_idx %arg16[%get3A_136], %mul3A_173 {add = true} : memref<10240xf32, #tpu.memory_space<vmem>>[vector<16xi32>], vector<16xf32>,
        tpu.vector_store_idx %arg17[%get3A_136], %mul3A_175 {add = true} : memref<10240xf32, #tpu.memory_space<vmem>>[vector<16xi32>], vector<16xf32>,
        tpu.vector_store_idx %arg14[%get3A_148], %mul3A_177 {add = true} : memref<10240xf32, #tpu.memory_space<vmem>>[vector<16xi32>], vector<16xf32>,
        tpu.vector_store_idx %arg15[%get3A_148], %mul3A_179 {add = true} : memref<10240xf32, #tpu.memory_space<vmem>>[vector<16xi32>], vector<16xf32>,
        tpu.vector_store_idx %arg16[%get3A_148], %mul3A_181 {add = true} : memref<10240xf32, #tpu.memory_space<vmem>>[vector<16xi32>], vector<16xf32>,
        tpu.vector_store_idx %arg17[%get3A_148], %mul3A_183 {add = true} : memref<10240xf32, #tpu.memory_space<vmem>>[vector<16xi32>], vector<16xf32>,
      }
      %scan3A_102 = arith.constant 125 : i32
    }
    %scan3A_68 = arith.constant 5 : i32
    %mul3A_69 = arith.constant 4 : i32
    %mul3A_70 = arith.muli %add3A, %mul3A_69 : i32
    %add3A_71 = arith.constant 0 : i32
    %add3A_72 = arith.addi %mul3A_70, %add3A_71 : i32
    %mul3A_73 = arith.constant 10240 : i32
    %mul3A_74 = arith.muli %add3A_72, %mul3A_73 : i32
    "tpu.region"() ({
      %run_scoped3A = tpu.sem_alloc : memref<!tpu.dma_semaphore, #tpu.memory_space<semaphore_mem>>
      %dma_start3A = tpu.memref_slice %arg6[%mul3A_74] : memref<1310720xf32, #tpu.memory_space<hbm>> -> memref<10240xf32, #tpu.memory_space<hbm>>
      %dma_start3A_93 = tpu.memref_slice %arg6[%mul3A_74] : memref<1310720xf32, #tpu.memory_space<hbm>> -> memref<10240xf32, #tpu.memory_space<hbm>>
      tpu.enqueue_dma source(%arg14 : memref<10240xf32, #tpu.memory_space<vmem>>) target(%dma_start3A_93 : memref<10240xf32, #tpu.memory_space<hbm>>) target_semaphore(%run_scoped3A : memref<!tpu.dma_semaphore, #tpu.memory_space<semaphore_mem>>)
      %dma_wait3A = tpu.memref_slice %arg6[%mul3A_74] : memref<1310720xf32, #tpu.memory_space<hbm>> -> memref<10240xf32, #tpu.memory_space<hbm>>
      %dma_wait3A_94 = tpu.memref_slice %arg6[%mul3A_74] : memref<1310720xf32, #tpu.memory_space<hbm>> -> memref<10240xf32, #tpu.memory_space<hbm>>
      tpu.wait_dma2 semaphore(%run_scoped3A : memref<!tpu.dma_semaphore, #tpu.memory_space<semaphore_mem>>) src(%arg14 : memref<10240xf32, #tpu.memory_space<vmem>>) dst(%dma_wait3A_94 : memref<10240xf32, #tpu.memory_space<hbm>>)
      tpu.yield
    }) : () -> ()
    %mul3A_75 = arith.constant 4 : i32
    %mul3A_76 = arith.muli %add3A, %mul3A_75 : i32
    %add3A_77 = arith.constant 1 : i32
    %add3A_78 = arith.addi %mul3A_76, %add3A_77 : i32
    %mul3A_79 = arith.constant 10240 : i32
    %mul3A_80 = arith.muli %add3A_78, %mul3A_79 : i32
    "tpu.region"() ({
      %run_scoped3A = tpu.sem_alloc : memref<!tpu.dma_semaphore, #tpu.memory_space<semaphore_mem>>
      %dma_start3A = tpu.memref_slice %arg6[%mul3A_80] : memref<1310720xf32, #tpu.memory_space<hbm>> -> memref<10240xf32, #tpu.memory_space<hbm>>
      %dma_start3A_93 = tpu.memref_slice %arg6[%mul3A_80] : memref<1310720xf32, #tpu.memory_space<hbm>> -> memref<10240xf32, #tpu.memory_space<hbm>>
      tpu.enqueue_dma source(%arg15 : memref<10240xf32, #tpu.memory_space<vmem>>) target(%dma_start3A_93 : memref<10240xf32, #tpu.memory_space<hbm>>) target_semaphore(%run_scoped3A : memref<!tpu.dma_semaphore, #tpu.memory_space<semaphore_mem>>)
      %dma_wait3A = tpu.memref_slice %arg6[%mul3A_80] : memref<1310720xf32, #tpu.memory_space<hbm>> -> memref<10240xf32, #tpu.memory_space<hbm>>
      %dma_wait3A_94 = tpu.memref_slice %arg6[%mul3A_80] : memref<1310720xf32, #tpu.memory_space<hbm>> -> memref<10240xf32, #tpu.memory_space<hbm>>
      tpu.wait_dma2 semaphore(%run_scoped3A : memref<!tpu.dma_semaphore, #tpu.memory_space<semaphore_mem>>) src(%arg15 : memref<10240xf32, #tpu.memory_space<vmem>>) dst(%dma_wait3A_94 : memref<10240xf32, #tpu.memory_space<hbm>>)
      tpu.yield
    }) : () -> ()
    %mul3A_81 = arith.constant 4 : i32
    %mul3A_82 = arith.muli %add3A, %mul3A_81 : i32
    %add3A_83 = arith.constant 2 : i32
    %add3A_84 = arith.addi %mul3A_82, %add3A_83 : i32
    %mul3A_85 = arith.constant 10240 : i32
    %mul3A_86 = arith.muli %add3A_84, %mul3A_85 : i32
    "tpu.region"() ({
      %run_scoped3A = tpu.sem_alloc : memref<!tpu.dma_semaphore, #tpu.memory_space<semaphore_mem>>
      %dma_start3A = tpu.memref_slice %arg6[%mul3A_86] : memref<1310720xf32, #tpu.memory_space<hbm>> -> memref<10240xf32, #tpu.memory_space<hbm>>
      %dma_start3A_93 = tpu.memref_slice %arg6[%mul3A_86] : memref<1310720xf32, #tpu.memory_space<hbm>> -> memref<10240xf32, #tpu.memory_space<hbm>>
      tpu.enqueue_dma source(%arg16 : memref<10240xf32, #tpu.memory_space<vmem>>) target(%dma_start3A_93 : memref<10240xf32, #tpu.memory_space<hbm>>) target_semaphore(%run_scoped3A : memref<!tpu.dma_semaphore, #tpu.memory_space<semaphore_mem>>)
      %dma_wait3A = tpu.memref_slice %arg6[%mul3A_86] : memref<1310720xf32, #tpu.memory_space<hbm>> -> memref<10240xf32, #tpu.memory_space<hbm>>
      %dma_wait3A_94 = tpu.memref_slice %arg6[%mul3A_86] : memref<1310720xf32, #tpu.memory_space<hbm>> -> memref<10240xf32, #tpu.memory_space<hbm>>
      tpu.wait_dma2 semaphore(%run_scoped3A : memref<!tpu.dma_semaphore, #tpu.memory_space<semaphore_mem>>) src(%arg16 : memref<10240xf32, #tpu.memory_space<vmem>>) dst(%dma_wait3A_94 : memref<10240xf32, #tpu.memory_space<hbm>>)
      tpu.yield
    }) : () -> ()
    %mul3A_87 = arith.constant 4 : i32
    %mul3A_88 = arith.muli %add3A, %mul3A_87 : i32
    %add3A_89 = arith.constant 3 : i32
    %add3A_90 = arith.addi %mul3A_88, %add3A_89 : i32
    %mul3A_91 = arith.constant 10240 : i32
    %mul3A_92 = arith.muli %add3A_90, %mul3A_91 : i32
    "tpu.region"() ({
      %run_scoped3A = tpu.sem_alloc : memref<!tpu.dma_semaphore, #tpu.memory_space<semaphore_mem>>
      %dma_start3A = tpu.memref_slice %arg6[%mul3A_92] : memref<1310720xf32, #tpu.memory_space<hbm>> -> memref<10240xf32, #tpu.memory_space<hbm>>
      %dma_start3A_93 = tpu.memref_slice %arg6[%mul3A_92] : memref<1310720xf32, #tpu.memory_space<hbm>> -> memref<10240xf32, #tpu.memory_space<hbm>>
      tpu.enqueue_dma source(%arg17 : memref<10240xf32, #tpu.memory_space<vmem>>) target(%dma_start3A_93 : memref<10240xf32, #tpu.memory_space<hbm>>) target_semaphore(%run_scoped3A : memref<!tpu.dma_semaphore, #tpu.memory_space<semaphore_mem>>)
      %dma_wait3A = tpu.memref_slice %arg6[%mul3A_92] : memref<1310720xf32, #tpu.memory_space<hbm>> -> memref<10240xf32, #tpu.memory_space<hbm>>
      %dma_wait3A_94 = tpu.memref_slice %arg6[%mul3A_92] : memref<1310720xf32, #tpu.memory_space<hbm>> -> memref<10240xf32, #tpu.memory_space<hbm>>
      tpu.wait_dma2 semaphore(%run_scoped3A : memref<!tpu.dma_semaphore, #tpu.memory_space<semaphore_mem>>) src(%arg17 : memref<10240xf32, #tpu.memory_space<vmem>>) dst(%dma_wait3A_94 : memref<10240xf32, #tpu.memory_space<hbm>>)
      tpu.yield
    }) : () -> ()
    return
  }
}

module attributes {stable_mosaic.version = 14 : i64} {
  func.func @body(%arg0: memref<32x10240xf32, #tpu.memory_space<vmem>>, %arg1: memref<128x10000xf32, #tpu.memory_space<vmem>>, %arg2: memref<16x128xf32, #tpu.memory_space<vmem>>, %arg3: memref<1x10240xf32, #tpu.memory_space<vmem>>, %arg4: memref<16x10240xf32, #tpu.memory_space<vmem>>) attributes {dimension_semantics = [], scalar_prefetch = 0 : i64, scratch_operands = 0 : i64, tpu.core_type = #tpu.core_type<tc>} {
    %get3A = arith.constant 0 : index
    %get3A_0 = arith.constant 0 : index
    %get3A_1 = vector.load %arg0[%get3A, %get3A_0] : memref<32x10240xf32, #tpu.memory_space<vmem>>, vector<32x10240xf32>
    %reduce_sum3A = arith.constant dense<0.000000e+00> : vector<10240xf32>
    %reduce_sum3A_2 = vector.multi_reduction <add>, %get3A_1, %reduce_sum3A [0] : vector<32x10240xf32> to vector<10240xf32>
    %broadcast_in_dim3A = vector.shape_cast %reduce_sum3A_2 : vector<10240xf32> to vector<1x10240xf32>
    %add3A = arith.constant 1.000000e+00 : f32
    %add3A_3 = vector.broadcast %add3A : f32 to vector<1x10240xf32>
    %add3A_4 = arith.addf %broadcast_in_dim3A, %add3A_3 : vector<1x10240xf32>
    %rsqrt3A = math.rsqrt %add3A_4 : vector<1x10240xf32>
    %swap3A = arith.constant 0 : index
    %swap3A_5 = arith.constant 0 : index
    %swap3A_6 = vector.load %arg3[%swap3A, %swap3A_5] : memref<1x10240xf32, #tpu.memory_space<vmem>>, vector<1x10240xf32>
    tpu.vector_store %arg3[%swap3A, %swap3A_5], %rsqrt3A {strides = array<i32>} : memref<1x10240xf32, #tpu.memory_space<vmem>>, vector<1x10240xf32>,
    %get3A_7 = arith.constant 0 : index
    %get3A_8 = arith.constant 0 : index
    %get3A_9 = vector.load %arg2[%get3A_7, %get3A_8] : memref<16x128xf32, #tpu.memory_space<vmem>>, vector<16x128xf32>
    %get3A_10 = arith.constant 0 : index
    %get3A_11 = arith.constant 0 : index
    %get3A_12 = vector.load %arg1[%get3A_10, %get3A_11] : memref<128x10000xf32, #tpu.memory_space<vmem>>, vector<128x10000xf32>
    %dot_general3A = arith.constant dense<0.000000e+00> : vector<16x10000xf32>
    %dot_general3A_13 = tpu.matmul %get3A_9, %get3A_12, %dot_general3A {dimension_numbers = #tpu.dot_dimension_numbers<[1], [0], [0], [1], [0, 0, 1, 1], [], []>, transpose_lhs_hint = false} : vector<16x128xf32>, vector<128x10000xf32>, vector<16x10000xf32> -> vector<16x10000xf32>
    %slice3A = vector.extract_strided_slice %rsqrt3A {offsets = [0, 0], sizes = [1, 10000], strides = [1, 1]} : vector<1x10240xf32> to vector<1x10000xf32>
    %mul3A = vector.broadcast %slice3A : vector<1x10000xf32> to vector<16x10000xf32>
    %mul3A_14 = arith.mulf %dot_general3A_13, %mul3A : vector<16x10000xf32>
    %broadcast_in_dim3A_15 = arith.constant 0.000000e+00 : f32
    %broadcast_in_dim3A_16 = vector.broadcast %broadcast_in_dim3A_15 : f32 to vector<16x240xf32>
    %concatenate3A = tpu.concatenate %mul3A_14, %broadcast_in_dim3A_16 in 1 : vector<16x10000xf32>, vector<16x240xf32> -> vector<16x10240xf32>
    %swap3A_17 = arith.constant 0 : index
    %swap3A_18 = arith.constant 0 : index
    %swap3A_19 = vector.load %arg4[%swap3A_17, %swap3A_18] : memref<16x10240xf32, #tpu.memory_space<vmem>>, vector<16x10240xf32>
    tpu.vector_store %arg4[%swap3A_17, %swap3A_18], %concatenate3A {strides = array<i32>} : memref<16x10240xf32, #tpu.memory_space<vmem>>, vector<16x10240xf32>,
    return
  }
}

module attributes {stable_mosaic.version = 14 : i64} {
  func.func @body(%arg0: memref<8x16x10240xf32, #tpu.memory_space<vmem>>, %arg1: memref<16x10240xf32, #tpu.memory_space<vmem>>, %arg2: memref<1x10240xf32, #tpu.memory_space<vmem>>, %arg3: memref<16x1xf32, #tpu.memory_space<vmem>>, %arg4: memref<16x16xf32, #tpu.memory_space<vmem>>, %arg5: memref<16x10240xf32, #tpu.memory_space<vmem>>) attributes {dimension_semantics = [], scalar_prefetch = 0 : i64, scratch_operands = 0 : i64, tpu.core_type = #tpu.core_type<tc>} {
    %get3A = arith.constant 0 : index
    %get3A_0 = arith.constant 0 : index
    %get3A_1 = arith.constant 0 : index
    %get3A_2 = vector.load %arg0[%get3A, %get3A_0, %get3A_1] : memref<8x16x10240xf32, #tpu.memory_space<vmem>>, vector<8x16x10240xf32>
    %reduce_sum3A = arith.constant dense<0.000000e+00> : vector<16x10240xf32>
    %reduce_sum3A_3 = vector.multi_reduction <add>, %get3A_2, %reduce_sum3A [0] : vector<8x16x10240xf32> to vector<16x10240xf32>
    %get3A_4 = arith.constant 0 : index
    %get3A_5 = arith.constant 0 : index
    %get3A_6 = vector.load %arg1[%get3A_4, %get3A_5] : memref<16x10240xf32, #tpu.memory_space<vmem>>, vector<16x10240xf32>
    %add3A = arith.addf %reduce_sum3A_3, %get3A_6 : vector<16x10240xf32>
    %get3A_7 = arith.constant 0 : index
    %get3A_8 = arith.constant 0 : index
    %get3A_9 = vector.load %arg2[%get3A_7, %get3A_8] : memref<1x10240xf32, #tpu.memory_space<vmem>>, vector<1x10240xf32>
    %mul3A = vector.broadcast %get3A_9 : vector<1x10240xf32> to vector<16x10240xf32>
    %mul3A_10 = arith.mulf %add3A, %mul3A : vector<16x10240xf32>
    %get3A_11 = arith.constant 0 : index
    %get3A_12 = arith.constant 0 : index
    %get3A_13 = vector.load %arg3[%get3A_11, %get3A_12] : memref<16x1xf32, #tpu.memory_space<vmem>>, vector<16x1xf32>
    %add3A_14 = vector.broadcast %get3A_13 : vector<16x1xf32> to vector<16x10240xf32>
    %add3A_15 = arith.addf %mul3A_10, %add3A_14 : vector<16x10240xf32>
    %max3A = arith.constant 0.000000e+00 : f32
    %max3A_16 = vector.broadcast %max3A : f32 to vector<16x10240xf32>
    %max3A_17 = arith.maximumf %add3A_15, %max3A_16 : vector<16x10240xf32>
    %get3A_18 = arith.constant 0 : index
    %get3A_19 = arith.constant 0 : index
    %get3A_20 = vector.load %arg4[%get3A_18, %get3A_19] : memref<16x16xf32, #tpu.memory_space<vmem>>, vector<16x16xf32>
    %dot_general3A = arith.constant dense<0.000000e+00> : vector<16x10240xf32>
    %dot_general3A_21 = tpu.matmul %get3A_20, %max3A_17, %dot_general3A {dimension_numbers = #tpu.dot_dimension_numbers<[1], [0], [0], [1], [0, 0, 1, 1], [], []>, transpose_lhs_hint = false} : vector<16x16xf32>, vector<16x10240xf32>, vector<16x10240xf32> -> vector<16x10240xf32>
    %get3A_22 = arith.constant 0 : index
    %get3A_23 = arith.constant 0 : index
    %get3A_24 = vector.load %arg2[%get3A_22, %get3A_23] : memref<1x10240xf32, #tpu.memory_space<vmem>>, vector<1x10240xf32>
    %mul3A_25 = vector.broadcast %get3A_24 : vector<1x10240xf32> to vector<16x10240xf32>
    %mul3A_26 = arith.mulf %dot_general3A_21, %mul3A_25 : vector<16x10240xf32>
    %slice3A = vector.extract_strided_slice %mul3A_26 {offsets = [0, 0], sizes = [16, 10000], strides = [1, 1]} : vector<16x10240xf32> to vector<16x10000xf32>
    %broadcast_in_dim3A = arith.constant 0.000000e+00 : f32
    %broadcast_in_dim3A_27 = vector.broadcast %broadcast_in_dim3A : f32 to vector<16x240xf32>
    %concatenate3A = tpu.concatenate %slice3A, %broadcast_in_dim3A_27 in 1 : vector<16x10000xf32>, vector<16x240xf32> -> vector<16x10240xf32>
    %swap3A = arith.constant 0 : index
    %swap3A_28 = arith.constant 0 : index
    %swap3A_29 = vector.load %arg5[%swap3A, %swap3A_28] : memref<16x10240xf32, #tpu.memory_space<vmem>>, vector<16x10240xf32>
    tpu.vector_store %arg5[%swap3A, %swap3A_28], %concatenate3A {strides = array<i32>} : memref<16x10240xf32, #tpu.memory_space<vmem>>, vector<16x10240xf32>,
    return
  }
}

module attributes {stable_mosaic.version = 14 : i64} {
  func.func @body(%arg0: memref<8x16x10240xf32, #tpu.memory_space<vmem>>, %arg1: memref<16x10240xf32, #tpu.memory_space<vmem>>, %arg2: memref<1x10240xf32, #tpu.memory_space<vmem>>, %arg3: memref<16x1xf32, #tpu.memory_space<vmem>>, %arg4: memref<16x16xf32, #tpu.memory_space<vmem>>, %arg5: memref<16x1xf32, #tpu.memory_space<vmem>>, %arg6: memref<16x1xf32, #tpu.memory_space<vmem>>, %arg7: memref<1x1xf32, #tpu.memory_space<vmem>>, %arg8: memref<1x10240xf32, #tpu.memory_space<vmem>>, %arg9: memref<1x1xf32, #tpu.memory_space<vmem>>) attributes {dimension_semantics = [], scalar_prefetch = 0 : i64, scratch_operands = 0 : i64, tpu.core_type = #tpu.core_type<tc>} {
    %get3A = arith.constant 0 : index
    %get3A_0 = arith.constant 0 : index
    %get3A_1 = arith.constant 0 : index
    %get3A_2 = vector.load %arg0[%get3A, %get3A_0, %get3A_1] : memref<8x16x10240xf32, #tpu.memory_space<vmem>>, vector<8x16x10240xf32>
    %reduce_sum3A = arith.constant dense<0.000000e+00> : vector<16x10240xf32>
    %reduce_sum3A_3 = vector.multi_reduction <add>, %get3A_2, %reduce_sum3A [0] : vector<8x16x10240xf32> to vector<16x10240xf32>
    %get3A_4 = arith.constant 0 : index
    %get3A_5 = arith.constant 0 : index
    %get3A_6 = vector.load %arg1[%get3A_4, %get3A_5] : memref<16x10240xf32, #tpu.memory_space<vmem>>, vector<16x10240xf32>
    %add3A = arith.addf %reduce_sum3A_3, %get3A_6 : vector<16x10240xf32>
    %get3A_7 = arith.constant 0 : index
    %get3A_8 = arith.constant 0 : index
    %get3A_9 = vector.load %arg2[%get3A_7, %get3A_8] : memref<1x10240xf32, #tpu.memory_space<vmem>>, vector<1x10240xf32>
    %mul3A = vector.broadcast %get3A_9 : vector<1x10240xf32> to vector<16x10240xf32>
    %mul3A_10 = arith.mulf %add3A, %mul3A : vector<16x10240xf32>
    %get3A_11 = arith.constant 0 : index
    %get3A_12 = arith.constant 0 : index
    %get3A_13 = vector.load %arg3[%get3A_11, %get3A_12] : memref<16x1xf32, #tpu.memory_space<vmem>>, vector<16x1xf32>
    %add3A_14 = vector.broadcast %get3A_13 : vector<16x1xf32> to vector<16x10240xf32>
    %add3A_15 = arith.addf %mul3A_10, %add3A_14 : vector<16x10240xf32>
    %max3A = arith.constant 0.000000e+00 : f32
    %max3A_16 = vector.broadcast %max3A : f32 to vector<16x10240xf32>
    %max3A_17 = arith.maximumf %add3A_15, %max3A_16 : vector<16x10240xf32>
    %get3A_18 = arith.constant 0 : index
    %get3A_19 = arith.constant 0 : index
    %get3A_20 = vector.load %arg4[%get3A_18, %get3A_19] : memref<16x16xf32, #tpu.memory_space<vmem>>, vector<16x16xf32>
    %dot_general3A = arith.constant dense<0.000000e+00> : vector<16x10240xf32>
    %dot_general3A_21 = tpu.matmul %get3A_20, %max3A_17, %dot_general3A {dimension_numbers = #tpu.dot_dimension_numbers<[1], [0], [0], [1], [0, 0, 1, 1], [], []>, transpose_lhs_hint = false} : vector<16x16xf32>, vector<16x10240xf32>, vector<16x10240xf32> -> vector<16x10240xf32>
    %get3A_22 = arith.constant 0 : index
    %get3A_23 = arith.constant 0 : index
    %get3A_24 = vector.load %arg5[%get3A_22, %get3A_23] : memref<16x1xf32, #tpu.memory_space<vmem>>, vector<16x1xf32>
    %add3A_25 = vector.broadcast %get3A_24 : vector<16x1xf32> to vector<16x10240xf32>
    %add3A_26 = arith.addf %dot_general3A_21, %add3A_25 : vector<16x10240xf32>
    %max3A_27 = arith.constant 0.000000e+00 : f32
    %max3A_28 = vector.broadcast %max3A_27 : f32 to vector<16x10240xf32>
    %max3A_29 = arith.maximumf %add3A_26, %max3A_28 : vector<16x10240xf32>
    %get3A_30 = arith.constant 0 : index
    %get3A_31 = arith.constant 0 : index
    %get3A_32 = vector.load %arg6[%get3A_30, %get3A_31] : memref<16x1xf32, #tpu.memory_space<vmem>>, vector<16x1xf32>
    %mul3A_33 = vector.broadcast %get3A_32 : vector<16x1xf32> to vector<16x10240xf32>
    %mul3A_34 = arith.mulf %max3A_29, %mul3A_33 : vector<16x10240xf32>
    %reduce_sum3A_35 = arith.constant dense<0.000000e+00> : vector<10240xf32>
    %reduce_sum3A_36 = vector.multi_reduction <add>, %mul3A_34, %reduce_sum3A_35 [0] : vector<16x10240xf32> to vector<10240xf32>
    %broadcast_in_dim3A = vector.shape_cast %reduce_sum3A_36 : vector<10240xf32> to vector<1x10240xf32>
    %get3A_37 = arith.constant 0 : index
    %get3A_38 = arith.constant 0 : index
    %get3A_39 = vector.load %arg7[%get3A_37, %get3A_38] : memref<1x1xf32, #tpu.memory_space<vmem>>, vector<1x1xf32>
    %add3A_40 = vector.broadcast %get3A_39 : vector<1x1xf32> to vector<1x10240xf32>
    %add3A_41 = arith.addf %broadcast_in_dim3A, %add3A_40 : vector<1x10240xf32>
    %iota3A = tpu.iota {dimensions = array<i32: 1>} : vector<1x10240xi32>
    %lt3A = arith.constant 10000 : i32
    %lt3A_42 = vector.broadcast %lt3A : i32 to vector<1x10240xi32>
    %lt3A_43 = arith.cmpi slt, %iota3A, %lt3A_42 : vector<1x10240xi32>
    %broadcast_in_dim3A_44 = arith.constant 0xFF800000 : f32
    %broadcast_in_dim3A_45 = vector.broadcast %broadcast_in_dim3A_44 : f32 to vector<1x10240xf32>
    %select_n3A = arith.select %lt3A_43, %add3A_41, %broadcast_in_dim3A_45 : vector<1x10240xi1>, vector<1x10240xf32>
    %reduce_max3A = vector.shape_cast %select_n3A : vector<1x10240xf32> to vector<1x1x10240xf32>
    %reduce_max3A_46 = arith.constant dense<0xFF800000> : vector<1xf32>
    %reduce_max3A_47 = vector.multi_reduction <maximumf>, %reduce_max3A, %reduce_max3A_46 [1, 2] : vector<1x1x10240xf32> to vector<1xf32>
    %reduce_max3A_48 = vector.shape_cast %reduce_max3A_47 : vector<1xf32> to vector<1x1x1xf32>
    %reduce_max3A_49 = vector.extract %reduce_max3A_48[0, 0, 0] : f32 from vector<1x1x1xf32>
    %sub3A = vector.broadcast %reduce_max3A_49 : f32 to vector<1x10240xf32>
    %sub3A_50 = arith.subf %add3A_41, %sub3A : vector<1x10240xf32>
    %exp3A = math.exp %sub3A_50 : vector<1x10240xf32>
    %jit3A = arith.constant 0.000000e+00 : f32
    %broadcast_in_dim3A_51 = vector.broadcast %jit3A : f32 to vector<1x10240xf32>
    %select_n3A_52 = arith.select %lt3A_43, %exp3A, %broadcast_in_dim3A_51 : vector<1x10240xi1>, vector<1x10240xf32>
    %reduce_sum3A_53 = vector.shape_cast %select_n3A_52 : vector<1x10240xf32> to vector<1x1x10240xf32>
    %reduce_sum3A_54 = arith.constant dense<0.000000e+00> : vector<1xf32>
    %reduce_sum3A_55 = vector.multi_reduction <add>, %reduce_sum3A_53, %reduce_sum3A_54 [1, 2] : vector<1x1x10240xf32> to vector<1xf32>
    %reduce_sum3A_56 = vector.shape_cast %reduce_sum3A_55 : vector<1xf32> to vector<1x1x1xf32>
    %reduce_sum3A_57 = vector.extract %reduce_sum3A_56[0, 0, 0] : f32 from vector<1x1x1xf32>
    %div3A = vector.broadcast %reduce_sum3A_57 : f32 to vector<1x10240xf32>
    %div3A_58 = arith.divf %select_n3A_52, %div3A : vector<1x10240xf32>
    %swap3A = arith.constant 0 : index
    %swap3A_59 = arith.constant 0 : index
    %swap3A_60 = vector.load %arg8[%swap3A, %swap3A_59] : memref<1x10240xf32, #tpu.memory_space<vmem>>, vector<1x10240xf32>
    tpu.vector_store %arg8[%swap3A, %swap3A_59], %div3A_58 {strides = array<i32>} : memref<1x10240xf32, #tpu.memory_space<vmem>>, vector<1x10240xf32>,
    %jit3A_61 = arith.constant 0.000000e+00 : f32
    %broadcast_in_dim3A_62 = vector.shape_cast %lt3A_43 : vector<1x10240xi1> to vector<1x10240xi1>
    %broadcast_in_dim3A_63 = vector.broadcast %broadcast_in_dim3A_62 : vector<1x10240xi1> to vector<16x10240xi1>
    %broadcast_in_dim3A_64 = vector.broadcast %jit3A_61 : f32 to vector<16x10240xf32>
    %select_n3A_65 = arith.select %broadcast_in_dim3A_63, %max3A_29, %broadcast_in_dim3A_64 : vector<16x10240xi1>, vector<16x10240xf32>
    %reduce_sum3A_66 = arith.constant dense<0.000000e+00> : vector<16xf32>
    %reduce_sum3A_67 = vector.multi_reduction <add>, %select_n3A_65, %reduce_sum3A_66 [1] : vector<16x10240xf32> to vector<16xf32>
    %broadcast_in_dim3A_68 = vector.shape_cast %reduce_sum3A_67 : vector<16xf32> to vector<16x1xf32>
    %div3A_69 = arith.constant 1.000000e+04 : f32
    %div3A_70 = vector.broadcast %div3A_69 : f32 to vector<16x1xf32>
    %div3A_71 = arith.divf %broadcast_in_dim3A_68, %div3A_70 : vector<16x1xf32>
    %mul3A_72 = arith.mulf %div3A_71, %get3A_32 : vector<16x1xf32>
    %reduce_sum3A_73 = arith.constant dense<0.000000e+00> : vector<1xf32>
    %reduce_sum3A_74 = vector.multi_reduction <add>, %mul3A_72, %reduce_sum3A_73 [0] : vector<16x1xf32> to vector<1xf32>
    %broadcast_in_dim3A_75 = vector.shape_cast %reduce_sum3A_74 : vector<1xf32> to vector<1x1xf32>
    %get3A_76 = arith.constant 0 : index
    %get3A_77 = arith.constant 0 : index
    %get3A_78 = vector.load %arg7[%get3A_76, %get3A_77] : memref<1x1xf32, #tpu.memory_space<vmem>>, vector<1x1xf32>
    %add3A_79 = arith.addf %broadcast_in_dim3A_75, %get3A_78 : vector<1x1xf32>
    %swap3A_80 = arith.constant 0 : index
    %swap3A_81 = arith.constant 0 : index
    %swap3A_82 = vector.load %arg9[%swap3A_80, %swap3A_81] : memref<1x1xf32, #tpu.memory_space<vmem>>, vector<1x1xf32>
    tpu.vector_store %arg9[%swap3A_80, %swap3A_81], %add3A_79 {strides = array<i32>} : memref<1x1xf32, #tpu.memory_space<vmem>>, vector<1x1xf32>,
    return
  }
}

</mosaic_0001>

<sc_bundles>
// kernel: kernel.10.cloned.1.call-start
scs
__scs_entry_jumppad:
0x0: {  	(pc) =	sbr.rel $0x88, $3  }
0x1: {  	(tag) =	ssettag $0x0;
	lr =	simm.s32 $0x1  }
0x2: {  	[smem:$0x3F94] =	sst lr;
	_ =	strace $0xD0000000  }
0x3: {  	_ = 	snop  }
0x4: {  	_ = 	snop  }
0x5: {  	_ = 	snop  }
0x6: {  	_ = 	snop  }
0x7: {  	_ = 	snop  }
__scs_overlays_trampoline_lowered:
0x8: {  	[smem:$0x3FA3] =	sst s0  }
0x9: {  	[smem:$0x3FA4] =	sst s1  }
0xa: {  	[smem:$0x3FA5] =	sst s2  }
0xb: {  	[smem:$0x3FA6] =	sst s3  }
0xc: {  	[smem:$0x3FA7] =	sst s4  }
0xd: {  	[smem:$0x3FA8] =	sst s5  }
0xe: {  	[smem:$0x3FA9] =	sst s6  }
0xf: {  	[smem:$0x3FAA] =	sst s7  }
0x10: {  	[smem:$0x3FAB] =	sst s8  }
0x11: {  	[smem:$0x3FAC] =	sst s9;
	s0 =	simm.s32 @!p0 $0x0  }
0x12: {  	s1 =	sld [smem:$0x3F92];
	s0 =	simm.s32 @p0 $0x1  }
0x13: {  	[smem:$0x3FAD] =	sst s0;
	s0 =	simm.s32 @!p1 $0x0  }
0x14: {  	s2 =	sld [smem:$0x3F91];
	s0 =	simm.s32 @p1 $0x1  }
0x15: {  	[smem:$0x3FAE] =	sst s0;
	s0 =	simm.s32 @!p2 $0x0  }
0x16: {  	s3 =	sld [smem:$0x3FDB];
	s0 =	simm.s32 @p2 $0x1  }
0x17: {  	s4 =	simm.s32 $0x1BF5;
	[smem:$0x3FB0] =	sst s0  }
0x18: {  	s0 =	sld [smem:$0x3F93];
	_ =	swait.ge [sflag:s4], $0x0  }
0x19: {  	s7 =	sld [smem:$0x3F94]  }
0x1a: {  	s8 =	sadd.s32 $0xFFFFE003, lr  }
0x1b: {  	s9 =	sadd.s32 $0xFFFFFEF7, lr;
	s5 =	simm.s32 $0xFFFFFFFF;
	p2 =	slt.u32 s8, $0xFFFFF086  }
0x1c: {  	p1 =	slt.u32 s9, $0xF7A;
	s5 =	simm.s32 @!p2 $0x0  }
0x1d: {  	s5 =	simm.s32 @p1 $0x1;
	p0 =	seq.s32 s7, s2  }
0x1e: {  	s7 =	smul.u32 @!p0 $0xF7A, s2;
	p2 =	seq.s32 @!p0 s5, $0x0  }
0x1f: {  	s9 =	smul.u32 $0xF7A, s1;
	s8 =	simm.s32 @!p0 $0x1BF5;
	p2 =	por !p2, p0  }
0x20: {  	[sflag:s8] =	ssyncset.s32 @!p0 $0xFFFFF086;
	s6 =	sadd.s32 @!p0 s3, s7;
	s7 =	simm.s32 @!p0 $0x108  }
0x21: {  	s3 =	sadd.s32 s3, s9;
	s6 =	sadd.s32 @!p0 $0x88, s6;
	s7 =	simm.s32 @p2 $0x1082  }
0x22: {  	[simem:s7], [sflag:s8] =	dma.local @!p0 [hbm:s6], $0xF7A  }
0x23: {  	s9 =	sor.u32 $0xD0000000, s2;
	s6 =	simm.s32 $0x108;
	_ =	swait.ge @!p0 [sflag:s8], $0x0  }
0x24: {  	s3 =	sadd.s32 $0x88, s3;
	s6 =	simm.s32 @!p1 $0x1082;
	[sflag:s4] =	ssyncset.s32 $0xFFFFF086  }
0x25: {  	[simem:s6], [sflag:s4] =	dma.local [hbm:s3], $0xF7A  }
0x26: {  	[smem:$0x3F94] =	sst s1;
	(tag) =	ssettag s2;
	_ =	strace s9  }
0x27: {  	s1 =	sld [smem:$0x3FA4]  }
0x28: {  	s2 =	sld [smem:$0x3FA5]  }
0x29: {  	s4 =	sld [smem:$0x3FA7]  }
0x2a: {  	p0 =	seq.s32 s5, $0x0;
	s5 =	sld [smem:$0x3FA8]  }
0x2b: {  	s6 =	sld [smem:$0x3FA9]  }
0x2c: {  	s7 =	sld [smem:$0x3FAA]  }
0x2d: {  	s3 =	simm.s32 $0x108;
	s8 =	sld [smem:$0x3FAB]  }
0x2e: {  	s3 =	simm.s32 @!p0 $0x1082;
	s9 =	sld [smem:$0x3FAC]  }
0x2f: {  	lr =	sadd.s32 s0, s3;
	s0 =	sld [smem:$0x3FA3]  }
0x30: {  	s3 =	sld [smem:$0x3FA6]  }
0x31: {  	[smem:$0x3FAF] =	sst s10  }
0x32: {  	s10 =	sld [smem:$0x3FAD];
	_ =	sdelay $0x3  }
0x33: {  	p0 =	seq.s32 s10, $0x1;
	s10 =	sld [smem:$0x3FAF];
	_ =	sdelay $0x3  }
0x34: {  	[smem:$0x3FAF] =	sst s10  }
0x35: {  	s10 =	sld [smem:$0x3FAE];
	_ =	sdelay $0x3  }
0x36: {  	p1 =	seq.s32 s10, $0x1;
	s10 =	sld [smem:$0x3FAF];
	_ =	sdelay $0x3  }
0x37: {  	[smem:$0x3FAF] =	sst s10  }
0x38: {  	s10 =	sld [smem:$0x3FB0]  }
0x39: {  	_ = 	snop;
	(pc) =	sbr.ind lr, $3  }
0x3a: {  	_ = 	snop  }
0x3b: {  	_ = 	snop  }
0x3c: {  	p2 =	seq.s32 s10, $0x1;
	s10 =	sld [smem:$0x3FAF]  }
0x3d: {  	_ =	shalt  }
0x3e: {  	_ =	shalt  }
0x3f: {  	_ =	shalt  }
0x40: {  	_ =	shalt  }
0x41: {  	_ =	shalt  }
0x42: {  	_ =	shalt  }
0x43: {  	_ =	shalt  }
0x44: {  	_ =	shalt  }
0x45: {  	_ =	shalt  }
0x46: {  	_ =	shalt  }
0x47: {  	_ =	shalt  }
0x48: {  	_ =	shalt  }
0x49: {  	_ =	shalt  }
0x4a: {  	_ =	shalt  }
0x4b: {  	_ =	shalt  }
0x4c: {  	_ =	shalt  }
0x4d: {  	_ =	shalt  }
0x4e: {  	_ =	shalt  }
0x4f: {  	_ =	shalt  }
0x50: {  	_ =	shalt  }
0x51: {  	_ =	shalt  }
0x52: {  	_ =	shalt  }
0x53: {  	_ =	shalt  }
0x54: {  	_ =	shalt  }
0x55: {  	_ =	shalt  }
0x56: {  	_ =	shalt  }
0x57: {  	_ =	shalt  }
0x58: {  	_ =	shalt  }
0x59: {  	_ =	shalt  }
0x5a: {  	_ =	shalt  }
0x5b: {  	_ =	shalt  }
0x5c: {  	_ =	shalt  }
0x5d: {  	_ =	shalt  }
0x5e: {  	_ =	shalt  }
0x5f: {  	_ =	shalt  }
0x60: {  	_ =	shalt  }
0x61: {  	_ =	shalt  }
0x62: {  	_ =	shalt  }
0x63: {  	_ =	shalt  }
0x64: {  	_ =	shalt  }
0x65: {  	_ =	shalt  }
0x66: {  	_ =	shalt  }
0x67: {  	_ =	shalt  }
0x68: {  	_ =	shalt  }
0x69: {  	_ =	shalt  }
0x6a: {  	_ =	shalt  }
0x6b: {  	_ =	shalt  }
0x6c: {  	_ =	shalt  }
0x6d: {  	_ =	shalt  }
0x6e: {  	_ =	shalt  }
0x6f: {  	_ =	shalt  }
0x70: {  	_ =	shalt  }
0x71: {  	_ =	shalt  }
0x72: {  	_ =	shalt  }
0x73: {  	_ =	shalt  }
0x74: {  	_ =	shalt  }
0x75: {  	_ =	shalt  }
0x76: {  	_ =	shalt  }
0x77: {  	_ =	shalt  }
0x78: {  	_ =	shalt  }
0x79: {  	_ =	shalt  }
0x7a: {  	_ =	shalt  }
0x7b: {  	_ =	shalt  }
0x7c: {  	_ =	shalt  }
0x7d: {  	_ =	shalt  }
0x7e: {  	_ =	shalt  }
0x7f: {  	_ =	shalt  }
0x80: {  	_ =	shalt  }
0x81: {  	_ =	shalt  }
0x82: {  	_ =	shalt  }
0x83: {  	_ =	shalt  }
0x84: {  	_ =	shalt  }
0x85: {  	_ =	shalt  }
0x86: {  	_ =	shalt  }
0x87: {  	_ =	shalt  }
.Lfunc_end0:
.L_simem_size_0:
called_computation_lowered:
.L_overlay_start_0:
0x88: {  	s2 =	sld [smem:$0x3FD9]  }
0x89: {  	s3 =	sld [smem:$0x3FFE];
	_ =	sdelay $0x1  }
0x8a: {  	s1 =	srdreg.scid  }
0x8b: {  	s0 =	sand.u32 $0x1, s1  }
0x8c: {  	s17 =	sshll.u32 s0, $0xA;
	s2 =	sadd.s32 s3, s2  }
0x8d: {  	s2 =	sadd.s32 s2, s17  }
0x8e: {  	[smem:$0x3FBB] =	sst s2  }
0x8f: {  	_ = 	snop  }
0x90: {  	s2 =	sld [smem:$0x3FC7];
	(tm) =	ssettm $0x1  }
0x91: {  	s18 =	sld [smem:$0x3FFB];
	_ =	sdelay $0x3  }
0x92: {  	_ =	strace s18  }
0x93: {  	s3 =	sld [smem:$0x3FFC];
	_ =	sdelay $0x3  }
0x94: {  	_ =	strace s3  }
0x95: {  	s3 =	sld [smem:$0x3FFD];
	_ =	sdelay $0x3  }
0x96: {  	_ =	strace s3  }
0x97: {  	_ =	strace $0x8FFFFFFF  }
0x98: {  	s19 =	sld [smem:$0x3FDB];
	_ =	sdelay $0x1  }
0x99: {  	s4 =	simm.s32 $_scs_section_size  }
0x9a: {  	s5 =	simm.s32 $_size__tile_overlayer_lowered;
	s6 =	simm.s32 $_tile_overlayer_lowered  }
0x9b: {  	s22 =	simm.s32 $0x1BFF;
	s21 =	sshll.u32 s6, $0x1;
	s3 =	sadd.s32 s4, s19  }
0x9c: {  	s7 =	simm.s32 $0x0;
	s20 =	sshll.u32 s5, $0x1;
	s5 =	sadd.s32 s21, s3  }
0x9d: {  	[timem:s7], [sflag:s22] =	dma.local [hbm:s5], s20  }
0x9e: {  	_ =	swait.ge [sflag:s22], s20  }
0x9f: {  	s4 =	ssub.s32 $0x0, s20;
	[sflag:s22] =	ssyncset.done $0x0  }
0xa0: {  	[sflag:s22] =	ssyncadd.s32 s4;
	_ =	sdelay $0x1  }
0xa1: {  	s23 =	simm.s32 $0x1B8B  }
0xa2: {  	_ =	swait.ge [sflag:s23], $0x1  }
0xa3: {  	[sflag:s23] =	ssyncset.done $0x0  }
0xa4: {  	s25 =	simm.s32 $0x1B8E;
	s24 =	sld [smem:$0x3FFE];
	[sflag:s23] =	ssyncadd.s32 $0xFFFFFFFF  }
0xa5: {  	s26 =	simm.s32 $execute0_lowered;
	[smem:$0x3FD2] =	sst s25  }
0xa6: {  	s5 =	sshll.u32 s26, $0x1;
	_ =	strace $0x80000046;
	[dreg:$0x1] =	wrdreg $0xFFFFFFFF  }
0xa7: {  	s28 =	simm.s32 $_size_execute0_lowered;
	s3 =	sadd.s32 s3, s5;
	[dreg:$0x0] =	wrdreg $0x0  }
0xa8: {  	s5 =	sshll.u32 s28, $0x1;
	[dreg:$0x2] =	wrdreg s3  }
0xa9: {  	[dreg:$0x3] =	wrdreg s5  }
0xaa: {  	[dreg:$0x4] =	wrdreg $0xC0  }
0xab: {  	_ =	task [dreg:s7], $0x5FFFF  }
0xac: {  	[dreg:$0x1] =	wrdreg $0xFFFFFFFF  }
0xad: {  	[dreg:$0x0] =	wrdreg $0x60  }
0xae: {  	[dreg:$0x2] =	wrdreg s24  }
0xaf: {  	[dreg:$0x3] =	wrdreg s2  }
0xb0: {  	[dreg:$0x4] =	wrdreg $0x9  }
0xb1: {  	_ =	task.clear_ibuf [dreg:s7], $0x5FFFF;
	_ =	strace $0x90000046  }
0xb2: {  	s29 =	simm.s32 $0x9;
	_ =	strace $0x80000048  }
0xb3: {  	_ =	swait.ge [sflag:s29], $0x1  }
0xb4: {  	[sflag:s29] =	ssyncadd.s32 $0xFFFFFFFF  }
0xb5: {  	_ =	strace $0x90000048  }
0xb6: {  	_ =	sfence  }
0xb7: {  	s30 =	sld [smem:$0x0];
	_ =	sdelay $0x2  }
0xb8: {  	s31 =	sshll.u32 s1, $0xD;
	s1 =	sshrl.u32 s1, $0x2  }
0xb9: {  	s3 =	sand.u32 $0x4000, s31;
	s1 =	sadd.s32 s1, s30  }
0xba: {  	s0 =	sor.u32 s3, s0;
	s1 =	sshll.u32 s1, $0x11  }
0xbb: {  	s0 =	sor.u32 s1, s0  }
0xbc: {  	s0 =	sadd.s32 $0x8F2B, s0  }
0xbd: {  	[sflag:s0] =	ssyncadd.remote.s32 $0x1  }
0xbe: {  	_ =	sfence.sel $0xFFFF  }
0xbf: {  	[dreg:$0x0] =	wrdreg $0xFFFFFFFF;
	(pc) =	sbr.abs _section_cstart, $3  }
0xc0: {  	[dreg:$0x1] =	wrdreg $0xFFFFFFFF  }
0xc1: {  	_ =	task.clear_ibuf [dreg:s7], $0x2FFFF;
	_ =	strace $0x9FFFFFFF  }
0xc2: {  	(tm) =	ssettm $0x7FFFFFFF  }
0xc3: {  	_ =	shalt  }
tec
execute0_lowered:
.L_overlay_start_1:
0x0: {  	(tag) =	ssettag $0x1  }
0x1: {  	s5 =	rddreg [dreg:$0x0]  }
0x2: {  	s0 =	srdreg.scid;
	s2 =	rddreg [dreg:$0x1]  }
0x3: {  	s1 =	stileid.u32;
	s3 =	simm.s32 $0x0;
	s4 =	sand.u32 $0x1, s0  }
0x4: {  	s10 =	simm.s32 $0x1000;
	s11 =	simm.s32 $0x0;
	s6 =	sshll.u32 s4, $0x4  }
0x5: {  	s0 =	rddreg [dreg:$0x2];
	s8 =	ssub.s32 $0x2, s4;
	s6 =	sor.u32 s1, s6  }
0x6: {  	[smem:$0x7FF] =	sst s3;
	s9 =	sshrl.u32 s8, $0x1;
	s7 =	smul.u32 $0x500, s6  }
0x7: {  	_ =	strace $0x80000047;
	s4 =	sadd.s32 $0xBE00, s5;
	s8 =	ssub.s32 s8, s9  }
0x8: {  	s9 =	simm.s32 $0x800;
	s7 =	sadd.s32 s7, s5;
	s5 =	smul.u32 $0x2710, s6  }
0x9: {  	v0 =	vimm.f32 $0.0e+00;
	s6 =	sadd.s32 $0x15C00, s7;
	s7 =	smax.u32 s8, $0x1;
	s8 =	simm.s32 $0x1  }
.LBB2_1:
0xa: {  	s12 =	simm.s32 $0x40;
	s13 =	simm.s32 $0x0  }
.LBB2_2:
0xb: {  	p0 =	sne.s32 s12, $0x9FC0;
	[tilespmem:s13+$0x1000] =	vst v0;
	s13 =	smov.u32 s12;
	s12 =	sadd.s32 $0x40, s12  }
.Ltmp0:
0xc: {  	(pc) =	sbr.rel @p0 .LBB2_2-.Ltmp0, $2  }
0xd: {  	_ =	sdelay $0x2  }
0xe: {  	s13 =	sshra.s32 s13, $0x2  }
0xf: {  	[tilespmem:s13+$0x1000] =	vst v0;
	s12 =	simm.s32 $0x0;
	s13 =	simm.s32 $0x0  }
.LBB2_4:
0x10: {  	s14 =	smul.u32 $0x7D0, s13;
	_ =	sdelay $0x1  }
0x11: {  	s14 =	sadd.s32 s5, s14  }
0x12: {  	s14 =	sshrl.u32 s14, $0x3  }
0x13: {  	s15 =	sadd.s32 s4, s14  }
0x14: {  	[tilespmem:s12], [sflag:$0x1] =	stream.linear.gather [hbm4b:s15+s12], $0x7D0, $0x38;
	[tilespmem:$0x3800] =	vst v63  }
0x15: {  	_ =	swait.ge [sflag:s8], $0x7D0  }
0x16: {  	[sflag:s8] =	ssyncset.done $0x0  }
0x17: {  	s14 =	sadd.s32 s2, s14;
	[sflag:s8] =	ssyncadd.s32 $0xFFFFF830  }
0x18: {  	[tilespmem:s9], [sflag:$0x1] =	stream.linear.gather [hbm4b:s14+s12], $0x7D0, $0x38;
	[tilespmem:$0x3800] =	vst v63  }
0x19: {  	_ =	swait.ge [sflag:s8], $0x7D0  }
0x1a: {  	[sflag:s8] =	ssyncset.done $0x0  }
0x1b: {  	s15 =	simm.s32 $0x0;
	s14 =	simm.s32 $0x40;
	[sflag:s8] =	ssyncadd.s32 $0xFFFFF830  }
.LBB2_5:
0x1c: {  	p0 =	sne.s32 s14, $0x1F00;
	v1 =	vld [tilespmem:s15+$0x0];
	_ =	sdelay $0x2  }
0x1d: {  	v2 =	vld [tilespmem:s15+$0x800]  }
.Ltmp1:
0x1e: {  	(pc) =	sbr.rel @p0 .LBB2_5-.Ltmp1, $2  }
0x1f: {  	_ =	sdelay $0x2  }
0x20: {  	s15 =	sshra.s32 s14, $0x2;
	s14 =	sadd.s32 $0x40, s14;
	[tilespmem:v1+s10+$0x0] =	vst.idx.add.f32.msk $0xffff, v2  }
0x21: {  	v1 =	vld [tilespmem:s15+$0x0];
	_ =	sdelay $0x1  }
0x22: {  	s13 =	sadd.s32 $0x1, s13  }
0x23: {  	v2 =	vld [tilespmem:s15+$0x800];
	p0 =	sne.s32 s13, $0x5  }
.Ltmp2:
0x24: {  	_ = 	snop;
	(pc) =	sbr.rel @p0 .LBB2_4-.Ltmp2, $2  }
0x25: {  	_ =	sdelay $0x2  }
0x26: {  	[tilespmem:v1+s10+$0x0] =	vst.idx.add.f32.msk $0xffff, v2  }
0x27: {  	s11 =	sadd.s32 $0x1, s11  }
0x28: {  	p0 =	sne.s32 s11, s7  }
.Ltmp3:
0x29: {  	_ = 	snop;
	(pc) =	sbr.rel @p0 .LBB2_1-.Ltmp3, $4  }
0x2a: {  	[hbm4b:s6+s3] =	stream.linear.scatter [tilespmem:s10], [sflag:$0x1], $0x2800, $0x38;
	[tilespmem:$0x3800] =	vst v63  }
0x2b: {  	_ =	swait.ge [sflag:s8], $0x2800  }
0x2c: {  	[sflag:s8] =	ssyncset.done $0x0  }
0x2d: {  	[sflag:s8] =	ssyncadd.s32 $0xFFFFD800  }
0x2e: {  	_ =	sfence.sel $0x180000  }
0x2f: {  	[bflag:$0x0] =	sbarrier.arrive $0xFFFF  }
0x30: {  	p0 =	sne.s32 s1, $0x0;
	_ =	strace $0x90000047  }
0x31: {  	s0 =	sadd.s32 @!p0 $0x100000, s0;
	[bflag:$0x2] =	sbarrier.arrive $0xFFFF  }
0x32: {  	[sflag:s0] =	ssyncadd.tile.s32 @!p0 $0x1;
	_ =	shalt  }
.Lfunc_end2:
_tile_overlayer_lowered:
.L_overlay_start_2:
0x33: {  	(tag) =	ssettag $0x2  }
0x34: {  	s0 =	rddreg [dreg:$0x0];
	s2 =	stileid.u32  }
0x35: {  	s1 =	rddreg [dreg:$0x1];
	p0 =	sne.s32 s2, $0x0  }
0x36: {  	s3 =	rddreg [dreg:$0x2];
	[bflag:$0x3] =	sbarrier.arrive $0xFFFF;
	s2 =	simm.s32 @!p0 $0x1C01  }
0x37: {  	[timem:s3], [sflag:s2] =	dma.local @!p0 [hbm:s0], s1  }
0x38: {  	s0 =	simm.s32 @!p0 $0x1  }
0x39: {  	_ =	swait.ge @!p0 [sflag:s0], s1  }
0x3a: {  	s1 =	ssub.s32 @!p0 $0x0, s1;
	[sflag:s0] =	ssyncset.done @!p0 $0x0  }
0x3b: {  	[sflag:s0] =	ssyncadd.s32 @!p0 s1  }
0x3c: {  	[bflag:$0x3] =	sbarrier.arrive $0xFFFF  }
0x3d: {  	_ =	shalt  }

// kernel: kernel.13.cloned.1.call-start
scs
__scs_entry_jumppad:
0x0: {  	(pc) =	sbr.rel $0x88, $3  }
0x1: {  	(tag) =	ssettag $0x0;
	lr =	simm.s32 $0x1  }
0x2: {  	[smem:$0x3F94] =	sst lr;
	_ =	strace $0xD0000000  }
0x3: {  	_ = 	snop  }
0x4: {  	_ = 	snop  }
0x5: {  	_ = 	snop  }
0x6: {  	_ = 	snop  }
0x7: {  	_ = 	snop  }
__scs_overlays_trampoline_lowered:
0x8: {  	[smem:$0x3FA3] =	sst s0  }
0x9: {  	[smem:$0x3FA4] =	sst s1  }
0xa: {  	[smem:$0x3FA5] =	sst s2  }
0xb: {  	[smem:$0x3FA6] =	sst s3  }
0xc: {  	[smem:$0x3FA7] =	sst s4  }
0xd: {  	[smem:$0x3FA8] =	sst s5  }
0xe: {  	[smem:$0x3FA9] =	sst s6  }
0xf: {  	[smem:$0x3FAA] =	sst s7  }
0x10: {  	[smem:$0x3FAB] =	sst s8  }
0x11: {  	[smem:$0x3FAC] =	sst s9;
	s0 =	simm.s32 @!p0 $0x0  }
0x12: {  	s1 =	sld [smem:$0x3F92];
	s0 =	simm.s32 @p0 $0x1  }
0x13: {  	[smem:$0x3FAD] =	sst s0;
	s0 =	simm.s32 @!p1 $0x0  }
0x14: {  	s2 =	sld [smem:$0x3F91];
	s0 =	simm.s32 @p1 $0x1  }
0x15: {  	[smem:$0x3FAE] =	sst s0;
	s0 =	simm.s32 @!p2 $0x0  }
0x16: {  	s3 =	sld [smem:$0x3FDB];
	s0 =	simm.s32 @p2 $0x1  }
0x17: {  	s4 =	simm.s32 $0x1BF5;
	[smem:$0x3FB0] =	sst s0  }
0x18: {  	s0 =	sld [smem:$0x3F93];
	_ =	swait.ge [sflag:s4], $0x0  }
0x19: {  	s7 =	sld [smem:$0x3F94]  }
0x1a: {  	s8 =	sadd.s32 $0xFFFFE003, lr  }
0x1b: {  	s9 =	sadd.s32 $0xFFFFFEF7, lr;
	s5 =	simm.s32 $0xFFFFFFFF;
	p2 =	slt.u32 s8, $0xFFFFF086  }
0x1c: {  	p1 =	slt.u32 s9, $0xF7A;
	s5 =	simm.s32 @!p2 $0x0  }
0x1d: {  	s5 =	simm.s32 @p1 $0x1;
	p0 =	seq.s32 s7, s2  }
0x1e: {  	s7 =	smul.u32 @!p0 $0xF7A, s2;
	p2 =	seq.s32 @!p0 s5, $0x0  }
0x1f: {  	s9 =	smul.u32 $0xF7A, s1;
	s8 =	simm.s32 @!p0 $0x1BF5;
	p2 =	por !p2, p0  }
0x20: {  	[sflag:s8] =	ssyncset.s32 @!p0 $0xFFFFF086;
	s6 =	sadd.s32 @!p0 s3, s7;
	s7 =	simm.s32 @!p0 $0x108  }
0x21: {  	s3 =	sadd.s32 s3, s9;
	s6 =	sadd.s32 @!p0 $0x88, s6;
	s7 =	simm.s32 @p2 $0x1082  }
0x22: {  	[simem:s7], [sflag:s8] =	dma.local @!p0 [hbm:s6], $0xF7A  }
0x23: {  	s9 =	sor.u32 $0xD0000000, s2;
	s6 =	simm.s32 $0x108;
	_ =	swait.ge @!p0 [sflag:s8], $0x0  }
0x24: {  	s3 =	sadd.s32 $0x88, s3;
	s6 =	simm.s32 @!p1 $0x1082;
	[sflag:s4] =	ssyncset.s32 $0xFFFFF086  }
0x25: {  	[simem:s6], [sflag:s4] =	dma.local [hbm:s3], $0xF7A  }
0x26: {  	[smem:$0x3F94] =	sst s1;
	(tag) =	ssettag s2;
	_ =	strace s9  }
0x27: {  	s1 =	sld [smem:$0x3FA4]  }
0x28: {  	s2 =	sld [smem:$0x3FA5]  }
0x29: {  	s4 =	sld [smem:$0x3FA7]  }
0x2a: {  	p0 =	seq.s32 s5, $0x0;
	s5 =	sld [smem:$0x3FA8]  }
0x2b: {  	s6 =	sld [smem:$0x3FA9]  }
0x2c: {  	s7 =	sld [smem:$0x3FAA]  }
0x2d: {  	s3 =	simm.s32 $0x108;
	s8 =	sld [smem:$0x3FAB]  }
0x2e: {  	s3 =	simm.s32 @!p0 $0x1082;
	s9 =	sld [smem:$0x3FAC]  }
0x2f: {  	lr =	sadd.s32 s0, s3;
	s0 =	sld [smem:$0x3FA3]  }
0x30: {  	s3 =	sld [smem:$0x3FA6]  }
0x31: {  	[smem:$0x3FAF] =	sst s10  }
0x32: {  	s10 =	sld [smem:$0x3FAD];
	_ =	sdelay $0x3  }
0x33: {  	p0 =	seq.s32 s10, $0x1;
	s10 =	sld [smem:$0x3FAF];
	_ =	sdelay $0x3  }
0x34: {  	[smem:$0x3FAF] =	sst s10  }
0x35: {  	s10 =	sld [smem:$0x3FAE];
	_ =	sdelay $0x3  }
0x36: {  	p1 =	seq.s32 s10, $0x1;
	s10 =	sld [smem:$0x3FAF];
	_ =	sdelay $0x3  }
0x37: {  	[smem:$0x3FAF] =	sst s10  }
0x38: {  	s10 =	sld [smem:$0x3FB0]  }
0x39: {  	_ = 	snop;
	(pc) =	sbr.ind lr, $3  }
0x3a: {  	_ = 	snop  }
0x3b: {  	_ = 	snop  }
0x3c: {  	p2 =	seq.s32 s10, $0x1;
	s10 =	sld [smem:$0x3FAF]  }
0x3d: {  	_ =	shalt  }
0x3e: {  	_ =	shalt  }
0x3f: {  	_ =	shalt  }
0x40: {  	_ =	shalt  }
0x41: {  	_ =	shalt  }
0x42: {  	_ =	shalt  }
0x43: {  	_ =	shalt  }
0x44: {  	_ =	shalt  }
0x45: {  	_ =	shalt  }
0x46: {  	_ =	shalt  }
0x47: {  	_ =	shalt  }
0x48: {  	_ =	shalt  }
0x49: {  	_ =	shalt  }
0x4a: {  	_ =	shalt  }
0x4b: {  	_ =	shalt  }
0x4c: {  	_ =	shalt  }
0x4d: {  	_ =	shalt  }
0x4e: {  	_ =	shalt  }
0x4f: {  	_ =	shalt  }
0x50: {  	_ =	shalt  }
0x51: {  	_ =	shalt  }
0x52: {  	_ =	shalt  }
0x53: {  	_ =	shalt  }
0x54: {  	_ =	shalt  }
0x55: {  	_ =	shalt  }
0x56: {  	_ =	shalt  }
0x57: {  	_ =	shalt  }
0x58: {  	_ =	shalt  }
0x59: {  	_ =	shalt  }
0x5a: {  	_ =	shalt  }
0x5b: {  	_ =	shalt  }
0x5c: {  	_ =	shalt  }
0x5d: {  	_ =	shalt  }
0x5e: {  	_ =	shalt  }
0x5f: {  	_ =	shalt  }
0x60: {  	_ =	shalt  }
0x61: {  	_ =	shalt  }
0x62: {  	_ =	shalt  }
0x63: {  	_ =	shalt  }
0x64: {  	_ =	shalt  }
0x65: {  	_ =	shalt  }
0x66: {  	_ =	shalt  }
0x67: {  	_ =	shalt  }
0x68: {  	_ =	shalt  }
0x69: {  	_ =	shalt  }
0x6a: {  	_ =	shalt  }
0x6b: {  	_ =	shalt  }
0x6c: {  	_ =	shalt  }
0x6d: {  	_ =	shalt  }
0x6e: {  	_ =	shalt  }
0x6f: {  	_ =	shalt  }
0x70: {  	_ =	shalt  }
0x71: {  	_ =	shalt  }
0x72: {  	_ =	shalt  }
0x73: {  	_ =	shalt  }
0x74: {  	_ =	shalt  }
0x75: {  	_ =	shalt  }
0x76: {  	_ =	shalt  }
0x77: {  	_ =	shalt  }
0x78: {  	_ =	shalt  }
0x79: {  	_ =	shalt  }
0x7a: {  	_ =	shalt  }
0x7b: {  	_ =	shalt  }
0x7c: {  	_ =	shalt  }
0x7d: {  	_ =	shalt  }
0x7e: {  	_ =	shalt  }
0x7f: {  	_ =	shalt  }
0x80: {  	_ =	shalt  }
0x81: {  	_ =	shalt  }
0x82: {  	_ =	shalt  }
0x83: {  	_ =	shalt  }
0x84: {  	_ =	shalt  }
0x85: {  	_ =	shalt  }
0x86: {  	_ =	shalt  }
0x87: {  	_ =	shalt  }
.Lfunc_end0:
.L_simem_size_0:
called_computation.1_lowered:
.L_overlay_start_0:
0x88: {  	s2 =	sld [smem:$0x3FD9]  }
0x89: {  	s3 =	sld [smem:$0x3FFE];
	_ =	sdelay $0x1  }
0x8a: {  	s1 =	srdreg.scid  }
0x8b: {  	s0 =	sand.u32 $0x1, s1  }
0x8c: {  	s17 =	sshll.u32 s0, $0xA;
	s2 =	sadd.s32 s3, s2  }
0x8d: {  	s2 =	sadd.s32 s2, s17  }
0x8e: {  	[smem:$0x3FBB] =	sst s2  }
0x8f: {  	_ = 	snop  }
0x90: {  	s2 =	sld [smem:$0x3FC7];
	(tm) =	ssettm $0x1  }
0x91: {  	s18 =	sld [smem:$0x3FFB];
	_ =	sdelay $0x3  }
0x92: {  	_ =	strace s18  }
0x93: {  	s3 =	sld [smem:$0x3FFC];
	_ =	sdelay $0x3  }
0x94: {  	_ =	strace s3  }
0x95: {  	s3 =	sld [smem:$0x3FFD];
	_ =	sdelay $0x3  }
0x96: {  	_ =	strace s3  }
0x97: {  	_ =	strace $0x8FFFFFFF  }
0x98: {  	s19 =	sld [smem:$0x3FDB];
	_ =	sdelay $0x1  }
0x99: {  	s4 =	simm.s32 $_scs_section_size  }
0x9a: {  	s5 =	simm.s32 $_size__tile_overlayer_lowered;
	s6 =	simm.s32 $_tile_overlayer_lowered  }
0x9b: {  	s22 =	simm.s32 $0x1BFF;
	s21 =	sshll.u32 s6, $0x1;
	s3 =	sadd.s32 s4, s19  }
0x9c: {  	s7 =	simm.s32 $0x0;
	s20 =	sshll.u32 s5, $0x1;
	s5 =	sadd.s32 s21, s3  }
0x9d: {  	[timem:s7], [sflag:s22] =	dma.local [hbm:s5], s20  }
0x9e: {  	_ =	swait.ge [sflag:s22], s20  }
0x9f: {  	s4 =	ssub.s32 $0x0, s20;
	[sflag:s22] =	ssyncset.done $0x0  }
0xa0: {  	[sflag:s22] =	ssyncadd.s32 s4;
	_ =	sdelay $0x1  }
0xa1: {  	s23 =	simm.s32 $0x1B8B  }
0xa2: {  	_ =	swait.ge [sflag:s23], $0x1  }
0xa3: {  	[sflag:s23] =	ssyncset.done $0x0  }
0xa4: {  	s25 =	simm.s32 $0x1B8E;
	s24 =	sld [smem:$0x3FFE];
	[sflag:s23] =	ssyncadd.s32 $0xFFFFFFFF  }
0xa5: {  	s26 =	simm.s32 $execute0_lowered;
	[smem:$0x3FD2] =	sst s25  }
0xa6: {  	s5 =	sshll.u32 s26, $0x1;
	_ =	strace $0x80000049;
	[dreg:$0x1] =	wrdreg $0xFFFFFFFF  }
0xa7: {  	s28 =	simm.s32 $_size_execute0_lowered;
	s3 =	sadd.s32 s3, s5;
	[dreg:$0x0] =	wrdreg $0x0  }
0xa8: {  	s5 =	sshll.u32 s28, $0x1;
	[dreg:$0x2] =	wrdreg s3  }
0xa9: {  	[dreg:$0x3] =	wrdreg s5  }
0xaa: {  	[dreg:$0x4] =	wrdreg $0xC0  }
0xab: {  	_ =	task [dreg:s7], $0x5FFFF  }
0xac: {  	[dreg:$0x1] =	wrdreg $0xFFFFFFFF  }
0xad: {  	[dreg:$0x0] =	wrdreg $0x60  }
0xae: {  	[dreg:$0x2] =	wrdreg s24  }
0xaf: {  	[dreg:$0x3] =	wrdreg s2  }
0xb0: {  	[dreg:$0x4] =	wrdreg $0x9  }
0xb1: {  	_ =	task.clear_ibuf [dreg:s7], $0x5FFFF;
	_ =	strace $0x90000049  }
0xb2: {  	s29 =	simm.s32 $0x9;
	_ =	strace $0x8000004B  }
0xb3: {  	_ =	swait.ge [sflag:s29], $0x1  }
0xb4: {  	[sflag:s29] =	ssyncadd.s32 $0xFFFFFFFF  }
0xb5: {  	_ =	strace $0x9000004B  }
0xb6: {  	_ =	sfence  }
0xb7: {  	s30 =	sld [smem:$0x0];
	_ =	sdelay $0x2  }
0xb8: {  	s31 =	sshll.u32 s1, $0xD;
	s1 =	sshrl.u32 s1, $0x2  }
0xb9: {  	s3 =	sand.u32 $0x4000, s31;
	s1 =	sadd.s32 s1, s30  }
0xba: {  	s0 =	sor.u32 s3, s0;
	s1 =	sshll.u32 s1, $0x11  }
0xbb: {  	s0 =	sor.u32 s1, s0  }
0xbc: {  	s0 =	sadd.s32 $0x8F2B, s0  }
0xbd: {  	[sflag:s0] =	ssyncadd.remote.s32 $0x1  }
0xbe: {  	_ =	sfence.sel $0xFFFF  }
0xbf: {  	[dreg:$0x0] =	wrdreg $0xFFFFFFFF;
	(pc) =	sbr.abs _section_cstart, $3  }
0xc0: {  	[dreg:$0x1] =	wrdreg $0xFFFFFFFF  }
0xc1: {  	_ =	task.clear_ibuf [dreg:s7], $0x2FFFF;
	_ =	strace $0x9FFFFFFF  }
0xc2: {  	(tm) =	ssettm $0x7FFFFFFF  }
0xc3: {  	_ =	shalt  }
tec
execute0_lowered:
.L_overlay_start_1:
0x0: {  	(tag) =	ssettag $0x1  }
0x1: {  	s4 =	rddreg [dreg:$0x0]  }
0x2: {  	s1 =	rddreg [dreg:$0x1]  }
0x3: {  	s2 =	simm.s32 $0x0;
	s6 =	srdreg.scid;
	s12 =	simm.s32 $0x1  }
0x4: {  	s18 =	simm.s32 $0x8680;
	s19 =	simm.s32 $0xAE80;
	s20 =	simm.s32 $0xD680  }
0x5: {  	s21 =	simm.s32 $0x1F80;
	s22 =	simm.s32 $0x3F00;
	s23 =	simm.s32 $0xFE80  }
0x6: {  	s24 =	simm.s32 $0x12680;
	s25 =	simm.s32 $0x14E80;
	s26 =	simm.s32 $0x17680  }
0x7: {  	s28 =	simm.s32 $0x0;
	[smem:$0x7FF] =	sst s2;
	s7 =	sadd.s32 $0x15C00, s4  }
0x8: {  	s3 =	sadd.s32 $0x2000, s4;
	s5 =	sadd.s32 $0xBE00, s4;
	s13 =	sadd.s32 $0x1AC00, s4  }
0x9: {  	s6 =	sand.u32 $0x1, s6;
	s4 =	stileid.u32;
	_ =	strace $0x8000004A  }
0xa: {  	s8 =	ssub.s32 $0x2, s6;
	s6 =	sshll.u32 s6, $0x4;
	s11 =	sand.u32 $0x3, s4  }
0xb: {  	s9 =	sshrl.u32 s8, $0x1;
	s10 =	sor.u32 s4, s6;
	s30 =	smul.u32 $0xA000, s11  }
0xc: {  	p1 =	sne.s32 s11, $0x0;
	s6 =	simm.s32 $0x1;
	s11 =	smul.u32 $0x1400, s11  }
0xd: {  	s16 =	ssub.s32 s8, s9;
	p0 =	seq.s32 s10, $0x0;
	s15 =	smul.u32 $0xA000, s10  }
0xe: {  	s29 =	sshrl.u32 s10, $0x2;
	s17 =	smul.u32 $0x1400, s10;
	p0 =	por !p1, !p0  }
0xf: {  	s9 =	sshrl.u32 s30, $0x3;
	s16 =	smax.u32 s16, $0x1;
	p0 =	por !p0, !p0  }
0x10: {  	s14 =	sadd.s32 s7, s9;
	s7 =	sadd.s32 s7, s11;
	s31 =	sshrl.u32 s15, $0x3  }
0x11: {  	s12 =	simm.s32 @!p0 $0x0;
	s8 =	sadd.s32 $0x500, s14;
	s9 =	sadd.s32 $0xA00, s14  }
0x12: {  	s10 =	sadd.s32 $0xF00, s14;
	s15 =	sadd.s32 s13, s31;
	s12 =	ssub.s32 s29, s12  }
0x13: {  	s14 =	sadd.s32 $0xA00, s15;
	s11 =	smul.u32 $0x9C40, s12;
	s12 =	sadd.s32 s13, s17  }
0x14: {  	v0 =	vimm.f32 $0.0e+00;
	s13 =	sadd.s32 $0x500, s15;
	s15 =	sadd.s32 $0xF00, s15;
	s17 =	simm.s32 $0x5E80  }
.LBB2_1:
0x15: {  	[tilespmem:s17], [sflag:$0x1] =	stream.linear.gather [hbm4b:s7+s2], $0x2800, $0x38;
	[tilespmem:$0x19E80] =	vst v63  }
0x16: {  	_ =	swait.ge [sflag:s6], $0x2800  }
0x17: {  	[sflag:s6] =	ssyncset.done $0x0  }
0x18: {  	[sflag:s6] =	ssyncadd.s32 $0xFFFFD800  }
0x19: {  	[tilespmem:s18], [sflag:$0x1] =	stream.linear.gather [hbm4b:s8+s2], $0x2800, $0x38;
	[tilespmem:$0x19E80] =	vst v63  }
0x1a: {  	_ =	swait.ge [sflag:s6], $0x2800  }
0x1b: {  	[sflag:s6] =	ssyncset.done $0x0  }
0x1c: {  	[sflag:s6] =	ssyncadd.s32 $0xFFFFD800  }
0x1d: {  	[tilespmem:s19], [sflag:$0x1] =	stream.linear.gather [hbm4b:s9+s2], $0x2800, $0x38;
	[tilespmem:$0x19E80] =	vst v63  }
0x1e: {  	_ =	swait.ge [sflag:s6], $0x2800  }
0x1f: {  	[sflag:s6] =	ssyncset.done $0x0  }
0x20: {  	[sflag:s6] =	ssyncadd.s32 $0xFFFFD800  }
0x21: {  	[tilespmem:s20], [sflag:$0x1] =	stream.linear.gather [hbm4b:s10+s2], $0x2800, $0x38;
	[tilespmem:$0x19E80] =	vst v63  }
0x22: {  	_ =	swait.ge [sflag:s6], $0x2800  }
0x23: {  	[sflag:s6] =	ssyncset.done $0x0  }
0x24: {  	s29 =	simm.s32 $0x40;
	s30 =	simm.s32 $0x0;
	[sflag:s6] =	ssyncadd.s32 $0xFFFFD800  }
.LBB2_2:
0x25: {  	p0 =	sne.s32 s29, $0x9FC0;
	[tilespmem:s30+$0x17680] =	vst v0;
	s31 =	smov.u32 s29;
	s29 =	sadd.s32 $0x40, s29  }
.Ltmp0:
0x26: {  	[tilespmem:s30+$0x14E80] =	vst v0;
	(pc) =	sbr.rel @p0 .LBB2_2-.Ltmp0, $3  }
0x27: {  	[tilespmem:s30+$0xFE80] =	vst v0  }
0x28: {  	[tilespmem:s30+$0x12680] =	vst v0;
	_ =	sdelay $0x1  }
0x29: {  	s30 =	sshra.s32 s31, $0x2  }
0x2a: {  	[tilespmem:s30+$0x17680] =	vst v0  }
0x2b: {  	[tilespmem:s30+$0x14E80] =	vst v0  }
0x2c: {  	[tilespmem:s30+$0xFE80] =	vst v0  }
0x2d: {  	s29 =	simm.s32 $0x0;
	[tilespmem:s30+$0x12680] =	vst v0;
	s30 =	simm.s32 $0x0  }
.LBB2_4:
0x2e: {  	s31 =	smul.u32 $0x1F40, s30;
	_ =	sdelay $0x1  }
0x2f: {  	s31 =	sadd.s32 s11, s31  }
0x30: {  	s31 =	sshrl.u32 s31, $0x3  }
0x31: {  	s0 =	sadd.s32 s3, s31  }
0x32: {  	[tilespmem:s29], [sflag:$0x1] =	stream.linear.gather [hbm4b:s0+s29], $0x1F40, $0x38;
	[tilespmem:$0x19E80] =	vst v63  }
0x33: {  	_ =	swait.ge [sflag:s6], $0x1F40  }
0x34: {  	[sflag:s6] =	ssyncset.done $0x0  }
0x35: {  	s0 =	sadd.s32 s5, s31;
	[sflag:s6] =	ssyncadd.s32 $0xFFFFE0C0  }
0x36: {  	[tilespmem:s21], [sflag:$0x1] =	stream.linear.gather [hbm4b:s0+s29], $0x1F40, $0x38;
	[tilespmem:$0x19E80] =	vst v63  }
0x37: {  	_ =	swait.ge [sflag:s6], $0x1F40  }
0x38: {  	[sflag:s6] =	ssyncset.done $0x0  }
0x39: {  	s0 =	sadd.s32 s1, s31;
	[sflag:s6] =	ssyncadd.s32 $0xFFFFE0C0  }
0x3a: {  	[tilespmem:s22], [sflag:$0x1] =	stream.linear.gather [hbm4b:s0+s29], $0x1F40, $0x38;
	[tilespmem:$0x19E80] =	vst v63  }
0x3b: {  	_ =	swait.ge [sflag:s6], $0x1F40  }
0x3c: {  	[sflag:s6] =	ssyncset.done $0x0  }
0x3d: {  	s0 =	simm.s32 $0x0;
	[sflag:s6] =	ssyncadd.s32 $0xFFFFE0C0  }
0x3e: {  	v2 =	vld [tilespmem:s0+$0x3F30]  }
0x3f: {  	v3 =	vld [tilespmem:s0+$0x1F90]  }
0x40: {  	v4 =	vld [tilespmem:s0+$0x3F20]  }
0x41: {  	v5 =	vld [tilespmem:s0+$0x1FA0]  }
0x42: {  	v6 =	vld [tilespmem:s0+$0x0]  }
0x43: {  	v7 =	vld [tilespmem:s0+$0x3F00]  }
0x44: {  	v8 =	vld [tilespmem:s0+$0x20]  }
0x45: {  	v9 =	vld [tilespmem:s0+$0x10]  }
0x46: {  	v10 =	vld [tilespmem:s0+$0x1F80]  }
0x47: {  	v11 =	vld [tilespmem:s0+$0x30]  }
0x48: {  	v1 =	vld [tilespmem:s0+$0x1FB0]  }
0x49: {  	v12 =	vld [tilespmem:s0+$0x3F10]  }
0x4a: {  	v13 =	vld.idx.msk [tilespmem:v6+s19+$0x0], $0xffff  }
0x4b: {  	v14 =	vld.idx.msk [tilespmem:v6+s18+$0x0], $0xffff  }
0x4c: {  	v15 =	vld.idx.msk [tilespmem:v6+s17+$0x0], $0xffff  }
0x4d: {  	v6 =	vld.idx.msk [tilespmem:v6+s20+$0x0], $0xffff  }
0x4e: {  	v16 =	vld.idx.msk [tilespmem:v8+s19+$0x0], $0xffff  }
0x4f: {  	v17 =	vld.idx.msk [tilespmem:v8+s20+$0x0], $0xffff  }
0x50: {  	v18 =	vld.idx.msk [tilespmem:v8+s18+$0x0], $0xffff  }
0x51: {  	v8 =	vld.idx.msk [tilespmem:v8+s17+$0x0], $0xffff  }
0x52: {  	v19 =	vld.idx.msk [tilespmem:v9+s19+$0x0], $0xffff  }
0x53: {  	v20 =	vld.idx.msk [tilespmem:v9+s20+$0x0], $0xffff  }
0x54: {  	v21 =	vld.idx.msk [tilespmem:v9+s18+$0x0], $0xffff  }
0x55: {  	v9 =	vld.idx.msk [tilespmem:v9+s17+$0x0], $0xffff  }
0x56: {  	v22 =	vld.idx.msk [tilespmem:v11+s20+$0x0], $0xffff  }
0x57: {  	v23 =	vld.idx.msk [tilespmem:v11+s19+$0x0], $0xffff  }
0x58: {  	v24 =	vld.idx.msk [tilespmem:v11+s18+$0x0], $0xffff;
	v15 =	vmul.f32 v15, v7  }
0x59: {  	v11 =	vld.idx.msk [tilespmem:v11+s17+$0x0], $0xffff;
	v14 =	vmul.f32 v14, v7  }
0x5a: {  	v13 =	vmul.f32 v13, v7;
	[tilespmem:v10+s23+$0x0] =	vst.idx.add.f32.msk $0xffff, v15  }
0x5b: {  	v6 =	vmul.f32 v6, v7;
	[tilespmem:v10+s24+$0x0] =	vst.idx.add.f32.msk $0xffff, v14  }
0x5c: {  	v57 =	vmul.f32 v9, v12;
	[tilespmem:v10+s25+$0x0] =	vst.idx.add.f32.msk $0xffff, v13  }
0x5d: {  	v58 =	vmul.f32 v21, v12;
	[tilespmem:v10+s26+$0x0] =	vst.idx.add.f32.msk $0xffff, v6  }
0x5e: {  	v59 =	vmul.f32 v19, v12;
	[tilespmem:v3+s23+$0x0] =	vst.idx.add.f32.msk $0xffff, v57  }
0x5f: {  	v60 =	vmul.f32 v20, v12;
	[tilespmem:v3+s24+$0x0] =	vst.idx.add.f32.msk $0xffff, v58  }
0x60: {  	v8 =	vmul.f32 v8, v4;
	[tilespmem:v3+s25+$0x0] =	vst.idx.add.f32.msk $0xffff, v59  }
0x61: {  	v61 =	vmul.f32 v18, v4;
	[tilespmem:v3+s26+$0x0] =	vst.idx.add.f32.msk $0xffff, v60  }
0x62: {  	v3 =	vmul.f32 v16, v4;
	[tilespmem:v5+s23+$0x0] =	vst.idx.add.f32.msk $0xffff, v8  }
0x63: {  	v4 =	vmul.f32 v17, v4;
	[tilespmem:v5+s24+$0x0] =	vst.idx.add.f32.msk $0xffff, v61  }
0x64: {  	v62 =	vmul.f32 v11, v2;
	[tilespmem:v5+s25+$0x0] =	vst.idx.add.f32.msk $0xffff, v3  }
0x65: {  	v3 =	vmul.f32 v24, v2;
	[tilespmem:v5+s26+$0x0] =	vst.idx.add.f32.msk $0xffff, v4  }
0x66: {  	v63 =	vmul.f32 v23, v2;
	[tilespmem:v1+s23+$0x0] =	vst.idx.add.f32.msk $0xffff, v62  }
0x67: {  	v2 =	vmul.f32 v22, v2;
	[tilespmem:v1+s24+$0x0] =	vst.idx.add.f32.msk $0xffff, v3  }
0x68: {  	s31 =	simm.s32 $0x100;
	[tilespmem:v1+s25+$0x0] =	vst.idx.add.f32.msk $0xffff, v63  }
.LBB2_5:
0x69: {  	s0 =	sshra.s32 s31, $0x2;
	p0 =	sne.s32 s31, $0x7C00;
	s31 =	sadd.s32 $0x100, s31;
	[tilespmem:v1+s26+$0x0] =	vst.idx.add.f32.msk $0xffff, v2  }
0x6a: {  	v3 =	vld [tilespmem:s0+$0x3F30]  }
0x6b: {  	v4 =	vld [tilespmem:s0+$0x1F90]  }
0x6c: {  	v2 =	vld [tilespmem:s0+$0x3F20]  }
0x6d: {  	v5 =	vld [tilespmem:s0+$0x1FA0]  }
0x6e: {  	v6 =	vld [tilespmem:s0+$0x0]  }
0x6f: {  	v7 =	vld [tilespmem:s0+$0x3F00]  }
0x70: {  	v8 =	vld [tilespmem:s0+$0x20]  }
0x71: {  	v9 =	vld [tilespmem:s0+$0x10]  }
0x72: {  	v10 =	vld [tilespmem:s0+$0x1F80]  }
0x73: {  	v11 =	vld [tilespmem:s0+$0x30]  }
0x74: {  	v1 =	vld [tilespmem:s0+$0x1FB0]  }
0x75: {  	v12 =	vld [tilespmem:s0+$0x3F10]  }
0x76: {  	v13 =	vld.idx.msk [tilespmem:v6+s19+$0x0], $0xffff  }
0x77: {  	v14 =	vld.idx.msk [tilespmem:v6+s18+$0x0], $0xffff  }
0x78: {  	v15 =	vld.idx.msk [tilespmem:v6+s17+$0x0], $0xffff  }
0x79: {  	v6 =	vld.idx.msk [tilespmem:v6+s20+$0x0], $0xffff  }
0x7a: {  	v16 =	vld.idx.msk [tilespmem:v8+s19+$0x0], $0xffff  }
0x7b: {  	v17 =	vld.idx.msk [tilespmem:v8+s20+$0x0], $0xffff  }
0x7c: {  	v13 =	vmul.f32 v13, v7;
	v18 =	vld.idx.msk [tilespmem:v8+s18+$0x0], $0xffff  }
0x7d: {  	v14 =	vmul.f32 v14, v7;
	v8 =	vld.idx.msk [tilespmem:v8+s17+$0x0], $0xffff  }
0x7e: {  	v15 =	vmul.f32 v15, v7;
	v19 =	vld.idx.msk [tilespmem:v9+s19+$0x0], $0xffff  }
0x7f: {  	v6 =	vmul.f32 v6, v7;
	v7 =	vld.idx.msk [tilespmem:v9+s20+$0x0], $0xffff  }
0x80: {  	v16 =	vmul.f32 v16, v2;
	v20 =	vld.idx.msk [tilespmem:v9+s18+$0x0], $0xffff  }
0x81: {  	v17 =	vmul.f32 v17, v2;
	v9 =	vld.idx.msk [tilespmem:v9+s17+$0x0], $0xffff  }
0x82: {  	v18 =	vmul.f32 v18, v2;
	v21 =	vld.idx.msk [tilespmem:v11+s20+$0x0], $0xffff  }
0x83: {  	v8 =	vmul.f32 v8, v2;
	v22 =	vld.idx.msk [tilespmem:v11+s19+$0x0], $0xffff  }
0x84: {  	v23 =	vld.idx.msk [tilespmem:v11+s18+$0x0], $0xffff  }
0x85: {  	v11 =	vld.idx.msk [tilespmem:v11+s17+$0x0], $0xffff  }
0x86: {  	[tilespmem:v10+s23+$0x0] =	vst.idx.add.f32.msk $0xffff, v15  }
0x87: {  	v9 =	vmul.f32 v9, v12;
	[tilespmem:v10+s24+$0x0] =	vst.idx.add.f32.msk $0xffff, v14  }
0x88: {  	v14 =	vmul.f32 v20, v12;
	v2 =	vmul.f32 v21, v3;
	[tilespmem:v10+s25+$0x0] =	vst.idx.add.f32.msk $0xffff, v13  }
0x89: {  	v13 =	vmul.f32 v22, v3;
	[tilespmem:v10+s26+$0x0] =	vst.idx.add.f32.msk $0xffff, v6  }
0x8a: {  	v6 =	vmul.f32 v19, v12;
	v10 =	vmul.f32 v23, v3;
	[tilespmem:v4+s23+$0x0] =	vst.idx.add.f32.msk $0xffff, v9  }
0x8b: {  	v7 =	vmul.f32 v7, v12;
	v3 =	vmul.f32 v11, v3;
	[tilespmem:v4+s24+$0x0] =	vst.idx.add.f32.msk $0xffff, v14  }
0x8c: {  	[tilespmem:v4+s25+$0x0] =	vst.idx.add.f32.msk $0xffff, v6  }
0x8d: {  	[tilespmem:v4+s26+$0x0] =	vst.idx.add.f32.msk $0xffff, v7  }
0x8e: {  	[tilespmem:v5+s23+$0x0] =	vst.idx.add.f32.msk $0xffff, v8  }
0x8f: {  	[tilespmem:v5+s24+$0x0] =	vst.idx.add.f32.msk $0xffff, v18  }
.Ltmp1:
0x90: {  	[tilespmem:v5+s25+$0x0] =	vst.idx.add.f32.msk $0xffff, v16;
	(pc) =	sbr.rel @p0 .LBB2_5-.Ltmp1, $4  }
0x91: {  	[tilespmem:v5+s26+$0x0] =	vst.idx.add.f32.msk $0xffff, v17  }
0x92: {  	[tilespmem:v1+s23+$0x0] =	vst.idx.add.f32.msk $0xffff, v3  }
0x93: {  	[tilespmem:v1+s24+$0x0] =	vst.idx.add.f32.msk $0xffff, v10  }
0x94: {  	[tilespmem:v1+s25+$0x0] =	vst.idx.add.f32.msk $0xffff, v13  }
0x95: {  	s30 =	sadd.s32 $0x1, s30  }
0x96: {  	p0 =	sne.s32 s30, $0x5  }
.Ltmp2:
0x97: {  	_ = 	snop;
	(pc) =	sbr.rel @p0 .LBB2_4-.Ltmp2, $2  }
0x98: {  	_ =	sdelay $0x2  }
0x99: {  	[tilespmem:v1+s26+$0x0] =	vst.idx.add.f32.msk $0xffff, v2  }
0x9a: {  	[hbm4b:s12+s2] =	stream.linear.scatter [tilespmem:s23], [sflag:$0x1], $0x2800, $0x38;
	[tilespmem:$0x19E80] =	vst v63  }
0x9b: {  	_ =	swait.ge [sflag:s6], $0x2800  }
0x9c: {  	[sflag:s6] =	ssyncset.done $0x0  }
0x9d: {  	[sflag:s6] =	ssyncadd.s32 $0xFFFFD800  }
0x9e: {  	[hbm4b:s13+s2] =	stream.linear.scatter [tilespmem:s24], [sflag:$0x1], $0x2800, $0x38;
	[tilespmem:$0x19E80] =	vst v63  }
0x9f: {  	_ =	swait.ge [sflag:s6], $0x2800  }
0xa0: {  	[sflag:s6] =	ssyncset.done $0x0  }
0xa1: {  	[sflag:s6] =	ssyncadd.s32 $0xFFFFD800  }
0xa2: {  	[hbm4b:s14+s2] =	stream.linear.scatter [tilespmem:s25], [sflag:$0x1], $0x2800, $0x38;
	[tilespmem:$0x19E80] =	vst v63  }
0xa3: {  	s28 =	sadd.s32 $0x1, s28;
	_ =	swait.ge [sflag:s6], $0x2800  }
0xa4: {  	p0 =	sne.s32 s28, s16;
	[sflag:s6] =	ssyncset.done $0x0  }
.Ltmp3:
0xa5: {  	[sflag:s6] =	ssyncadd.s32 $0xFFFFD800;
	(pc) =	sbr.rel @p0 .LBB2_1-.Ltmp3, $4  }
0xa6: {  	[hbm4b:s15+s2] =	stream.linear.scatter [tilespmem:s26], [sflag:$0x1], $0x2800, $0x38;
	[tilespmem:$0x19E80] =	vst v63  }
0xa7: {  	_ =	swait.ge [sflag:s6], $0x2800  }
0xa8: {  	[sflag:s6] =	ssyncset.done $0x0  }
0xa9: {  	[sflag:s6] =	ssyncadd.s32 $0xFFFFD800  }
0xaa: {  	_ =	sfence.sel $0x180000  }
0xab: {  	[bflag:$0x0] =	sbarrier.arrive $0xFFFF  }
0xac: {  	_ =	strace $0x9000004A  }
0xad: {  	[bflag:$0x2] =	sbarrier.arrive $0xFFFF  }
0xae: {  	p0 =	sne.s32 s4, $0x0;
	s0 =	rddreg [dreg:$0x2]  }
0xaf: {  	s0 =	sadd.s32 @!p0 $0x100000, s0  }
0xb0: {  	[sflag:s0] =	ssyncadd.tile.s32 @!p0 $0x1;
	_ =	shalt  }
.Lfunc_end2:
_tile_overlayer_lowered:
.L_overlay_start_2:
0xb1: {  	(tag) =	ssettag $0x2  }
0xb2: {  	s0 =	rddreg [dreg:$0x0];
	s2 =	stileid.u32  }
0xb3: {  	s1 =	rddreg [dreg:$0x1];
	p0 =	sne.s32 s2, $0x0  }
0xb4: {  	s3 =	rddreg [dreg:$0x2];
	[bflag:$0x3] =	sbarrier.arrive $0xFFFF;
	s2 =	simm.s32 @!p0 $0x1C01  }
0xb5: {  	[timem:s3], [sflag:s2] =	dma.local @!p0 [hbm:s0], s1  }
0xb6: {  	s0 =	simm.s32 @!p0 $0x1  }
0xb7: {  	_ =	swait.ge @!p0 [sflag:s0], s1  }
0xb8: {  	s1 =	ssub.s32 @!p0 $0x0, s1;
	[sflag:s0] =	ssyncset.done @!p0 $0x0  }
0xb9: {  	[sflag:s0] =	ssyncadd.s32 @!p0 s1  }
0xba: {  	[bflag:$0x3] =	sbarrier.arrive $0xFFFF  }
0xbb: {  	_ =	shalt  }

// kernel: kernel.16.cloned.1.call-start
scs
__scs_entry_jumppad:
0x0: {  	(pc) =	sbr.rel $0x88, $3  }
0x1: {  	(tag) =	ssettag $0x0;
	lr =	simm.s32 $0x1  }
0x2: {  	[smem:$0x3F94] =	sst lr;
	_ =	strace $0xD0000000  }
0x3: {  	_ = 	snop  }
0x4: {  	_ = 	snop  }
0x5: {  	_ = 	snop  }
0x6: {  	_ = 	snop  }
0x7: {  	_ = 	snop  }
__scs_overlays_trampoline_lowered:
0x8: {  	[smem:$0x3FA3] =	sst s0  }
0x9: {  	[smem:$0x3FA4] =	sst s1  }
0xa: {  	[smem:$0x3FA5] =	sst s2  }
0xb: {  	[smem:$0x3FA6] =	sst s3  }
0xc: {  	[smem:$0x3FA7] =	sst s4  }
0xd: {  	[smem:$0x3FA8] =	sst s5  }
0xe: {  	[smem:$0x3FA9] =	sst s6  }
0xf: {  	[smem:$0x3FAA] =	sst s7  }
0x10: {  	[smem:$0x3FAB] =	sst s8  }
0x11: {  	[smem:$0x3FAC] =	sst s9;
	s0 =	simm.s32 @!p0 $0x0  }
0x12: {  	s1 =	sld [smem:$0x3F92];
	s0 =	simm.s32 @p0 $0x1  }
0x13: {  	[smem:$0x3FAD] =	sst s0;
	s0 =	simm.s32 @!p1 $0x0  }
0x14: {  	s2 =	sld [smem:$0x3F91];
	s0 =	simm.s32 @p1 $0x1  }
0x15: {  	[smem:$0x3FAE] =	sst s0;
	s0 =	simm.s32 @!p2 $0x0  }
0x16: {  	s3 =	sld [smem:$0x3FDB];
	s0 =	simm.s32 @p2 $0x1  }
0x17: {  	s4 =	simm.s32 $0x1BF5;
	[smem:$0x3FB0] =	sst s0  }
0x18: {  	s0 =	sld [smem:$0x3F93];
	_ =	swait.ge [sflag:s4], $0x0  }
0x19: {  	s7 =	sld [smem:$0x3F94]  }
0x1a: {  	s8 =	sadd.s32 $0xFFFFE003, lr  }
0x1b: {  	s9 =	sadd.s32 $0xFFFFFEF7, lr;
	s5 =	simm.s32 $0xFFFFFFFF;
	p2 =	slt.u32 s8, $0xFFFFF086  }
0x1c: {  	p1 =	slt.u32 s9, $0xF7A;
	s5 =	simm.s32 @!p2 $0x0  }
0x1d: {  	s5 =	simm.s32 @p1 $0x1;
	p0 =	seq.s32 s7, s2  }
0x1e: {  	s7 =	smul.u32 @!p0 $0xF7A, s2;
	p2 =	seq.s32 @!p0 s5, $0x0  }
0x1f: {  	s9 =	smul.u32 $0xF7A, s1;
	s8 =	simm.s32 @!p0 $0x1BF5;
	p2 =	por !p2, p0  }
0x20: {  	[sflag:s8] =	ssyncset.s32 @!p0 $0xFFFFF086;
	s6 =	sadd.s32 @!p0 s3, s7;
	s7 =	simm.s32 @!p0 $0x108  }
0x21: {  	s3 =	sadd.s32 s3, s9;
	s6 =	sadd.s32 @!p0 $0x88, s6;
	s7 =	simm.s32 @p2 $0x1082  }
0x22: {  	[simem:s7], [sflag:s8] =	dma.local @!p0 [hbm:s6], $0xF7A  }
0x23: {  	s9 =	sor.u32 $0xD0000000, s2;
	s6 =	simm.s32 $0x108;
	_ =	swait.ge @!p0 [sflag:s8], $0x0  }
0x24: {  	s3 =	sadd.s32 $0x88, s3;
	s6 =	simm.s32 @!p1 $0x1082;
	[sflag:s4] =	ssyncset.s32 $0xFFFFF086  }
0x25: {  	[simem:s6], [sflag:s4] =	dma.local [hbm:s3], $0xF7A  }
0x26: {  	[smem:$0x3F94] =	sst s1;
	(tag) =	ssettag s2;
	_ =	strace s9  }
0x27: {  	s1 =	sld [smem:$0x3FA4]  }
0x28: {  	s2 =	sld [smem:$0x3FA5]  }
0x29: {  	s4 =	sld [smem:$0x3FA7]  }
0x2a: {  	p0 =	seq.s32 s5, $0x0;
	s5 =	sld [smem:$0x3FA8]  }
0x2b: {  	s6 =	sld [smem:$0x3FA9]  }
0x2c: {  	s7 =	sld [smem:$0x3FAA]  }
0x2d: {  	s3 =	simm.s32 $0x108;
	s8 =	sld [smem:$0x3FAB]  }
0x2e: {  	s3 =	simm.s32 @!p0 $0x1082;
	s9 =	sld [smem:$0x3FAC]  }
0x2f: {  	lr =	sadd.s32 s0, s3;
	s0 =	sld [smem:$0x3FA3]  }
0x30: {  	s3 =	sld [smem:$0x3FA6]  }
0x31: {  	[smem:$0x3FAF] =	sst s10  }
0x32: {  	s10 =	sld [smem:$0x3FAD];
	_ =	sdelay $0x3  }
0x33: {  	p0 =	seq.s32 s10, $0x1;
	s10 =	sld [smem:$0x3FAF];
	_ =	sdelay $0x3  }
0x34: {  	[smem:$0x3FAF] =	sst s10  }
0x35: {  	s10 =	sld [smem:$0x3FAE];
	_ =	sdelay $0x3  }
0x36: {  	p1 =	seq.s32 s10, $0x1;
	s10 =	sld [smem:$0x3FAF];
	_ =	sdelay $0x3  }
0x37: {  	[smem:$0x3FAF] =	sst s10  }
0x38: {  	s10 =	sld [smem:$0x3FB0]  }
0x39: {  	_ = 	snop;
	(pc) =	sbr.ind lr, $3  }
0x3a: {  	_ = 	snop  }
0x3b: {  	_ = 	snop  }
0x3c: {  	p2 =	seq.s32 s10, $0x1;
	s10 =	sld [smem:$0x3FAF]  }
0x3d: {  	_ =	shalt  }
0x3e: {  	_ =	shalt  }
0x3f: {  	_ =	shalt  }
0x40: {  	_ =	shalt  }
0x41: {  	_ =	shalt  }
0x42: {  	_ =	shalt  }
0x43: {  	_ =	shalt  }
0x44: {  	_ =	shalt  }
0x45: {  	_ =	shalt  }
0x46: {  	_ =	shalt  }
0x47: {  	_ =	shalt  }
0x48: {  	_ =	shalt  }
0x49: {  	_ =	shalt  }
0x4a: {  	_ =	shalt  }
0x4b: {  	_ =	shalt  }
0x4c: {  	_ =	shalt  }
0x4d: {  	_ =	shalt  }
0x4e: {  	_ =	shalt  }
0x4f: {  	_ =	shalt  }
0x50: {  	_ =	shalt  }
0x51: {  	_ =	shalt  }
0x52: {  	_ =	shalt  }
0x53: {  	_ =	shalt  }
0x54: {  	_ =	shalt  }
0x55: {  	_ =	shalt  }
0x56: {  	_ =	shalt  }
0x57: {  	_ =	shalt  }
0x58: {  	_ =	shalt  }
0x59: {  	_ =	shalt  }
0x5a: {  	_ =	shalt  }
0x5b: {  	_ =	shalt  }
0x5c: {  	_ =	shalt  }
0x5d: {  	_ =	shalt  }
0x5e: {  	_ =	shalt  }
0x5f: {  	_ =	shalt  }
0x60: {  	_ =	shalt  }
0x61: {  	_ =	shalt  }
0x62: {  	_ =	shalt  }
0x63: {  	_ =	shalt  }
0x64: {  	_ =	shalt  }
0x65: {  	_ =	shalt  }
0x66: {  	_ =	shalt  }
0x67: {  	_ =	shalt  }
0x68: {  	_ =	shalt  }
0x69: {  	_ =	shalt  }
0x6a: {  	_ =	shalt  }
0x6b: {  	_ =	shalt  }
0x6c: {  	_ =	shalt  }
0x6d: {  	_ =	shalt  }
0x6e: {  	_ =	shalt  }
0x6f: {  	_ =	shalt  }
0x70: {  	_ =	shalt  }
0x71: {  	_ =	shalt  }
0x72: {  	_ =	shalt  }
0x73: {  	_ =	shalt  }
0x74: {  	_ =	shalt  }
0x75: {  	_ =	shalt  }
0x76: {  	_ =	shalt  }
0x77: {  	_ =	shalt  }
0x78: {  	_ =	shalt  }
0x79: {  	_ =	shalt  }
0x7a: {  	_ =	shalt  }
0x7b: {  	_ =	shalt  }
0x7c: {  	_ =	shalt  }
0x7d: {  	_ =	shalt  }
0x7e: {  	_ =	shalt  }
0x7f: {  	_ =	shalt  }
0x80: {  	_ =	shalt  }
0x81: {  	_ =	shalt  }
0x82: {  	_ =	shalt  }
0x83: {  	_ =	shalt  }
0x84: {  	_ =	shalt  }
0x85: {  	_ =	shalt  }
0x86: {  	_ =	shalt  }
0x87: {  	_ =	shalt  }
.Lfunc_end0:
.L_simem_size_0:
called_computation.2_lowered:
.L_overlay_start_0:
0x88: {  	s2 =	sld [smem:$0x3FD9]  }
0x89: {  	s3 =	sld [smem:$0x3FFE];
	_ =	sdelay $0x1  }
0x8a: {  	s1 =	srdreg.scid  }
0x8b: {  	s0 =	sand.u32 $0x1, s1  }
0x8c: {  	s17 =	sshll.u32 s0, $0xA;
	s2 =	sadd.s32 s3, s2  }
0x8d: {  	s2 =	sadd.s32 s2, s17  }
0x8e: {  	[smem:$0x3FBB] =	sst s2  }
0x8f: {  	_ = 	snop  }
0x90: {  	s2 =	sld [smem:$0x3FC7];
	(tm) =	ssettm $0x1  }
0x91: {  	s18 =	sld [smem:$0x3FFB];
	_ =	sdelay $0x3  }
0x92: {  	_ =	strace s18  }
0x93: {  	s3 =	sld [smem:$0x3FFC];
	_ =	sdelay $0x3  }
0x94: {  	_ =	strace s3  }
0x95: {  	s3 =	sld [smem:$0x3FFD];
	_ =	sdelay $0x3  }
0x96: {  	_ =	strace s3  }
0x97: {  	_ =	strace $0x8FFFFFFF  }
0x98: {  	s19 =	sld [smem:$0x3FDB];
	_ =	sdelay $0x1  }
0x99: {  	s4 =	simm.s32 $_scs_section_size  }
0x9a: {  	s5 =	simm.s32 $_size__tile_overlayer_lowered;
	s6 =	simm.s32 $_tile_overlayer_lowered  }
0x9b: {  	s22 =	simm.s32 $0x1BFF;
	s21 =	sshll.u32 s6, $0x1;
	s3 =	sadd.s32 s4, s19  }
0x9c: {  	s7 =	simm.s32 $0x0;
	s20 =	sshll.u32 s5, $0x1;
	s5 =	sadd.s32 s21, s3  }
0x9d: {  	[timem:s7], [sflag:s22] =	dma.local [hbm:s5], s20  }
0x9e: {  	_ =	swait.ge [sflag:s22], s20  }
0x9f: {  	s4 =	ssub.s32 $0x0, s20;
	[sflag:s22] =	ssyncset.done $0x0  }
0xa0: {  	[sflag:s22] =	ssyncadd.s32 s4;
	_ =	sdelay $0x1  }
0xa1: {  	s23 =	simm.s32 $0x1B8B  }
0xa2: {  	_ =	swait.ge [sflag:s23], $0x1  }
0xa3: {  	[sflag:s23] =	ssyncset.done $0x0  }
0xa4: {  	s25 =	simm.s32 $0x1B8E;
	s24 =	sld [smem:$0x3FFE];
	[sflag:s23] =	ssyncadd.s32 $0xFFFFFFFF  }
0xa5: {  	s26 =	simm.s32 $execute0_lowered;
	[smem:$0x3FD2] =	sst s25  }
0xa6: {  	s5 =	sshll.u32 s26, $0x1;
	_ =	strace $0x8000004C;
	[dreg:$0x1] =	wrdreg $0xFFFFFFFF  }
0xa7: {  	s28 =	simm.s32 $_size_execute0_lowered;
	s3 =	sadd.s32 s3, s5;
	[dreg:$0x0] =	wrdreg $0x0  }
0xa8: {  	s5 =	sshll.u32 s28, $0x1;
	[dreg:$0x2] =	wrdreg s3  }
0xa9: {  	[dreg:$0x3] =	wrdreg s5  }
0xaa: {  	[dreg:$0x4] =	wrdreg $0xC0  }
0xab: {  	_ =	task [dreg:s7], $0x5FFFF  }
0xac: {  	[dreg:$0x1] =	wrdreg $0xFFFFFFFF  }
0xad: {  	[dreg:$0x0] =	wrdreg $0x60  }
0xae: {  	[dreg:$0x2] =	wrdreg s24  }
0xaf: {  	[dreg:$0x3] =	wrdreg s2  }
0xb0: {  	[dreg:$0x4] =	wrdreg $0x9  }
0xb1: {  	_ =	task.clear_ibuf [dreg:s7], $0x5FFFF;
	_ =	strace $0x9000004C  }
0xb2: {  	s29 =	simm.s32 $0x9;
	_ =	strace $0x8000004E  }
0xb3: {  	_ =	swait.ge [sflag:s29], $0x1  }
0xb4: {  	[sflag:s29] =	ssyncadd.s32 $0xFFFFFFFF  }
0xb5: {  	_ =	strace $0x9000004E  }
0xb6: {  	_ =	sfence  }
0xb7: {  	s30 =	sld [smem:$0x0];
	_ =	sdelay $0x2  }
0xb8: {  	s31 =	sshll.u32 s1, $0xD;
	s1 =	sshrl.u32 s1, $0x2  }
0xb9: {  	s3 =	sand.u32 $0x4000, s31;
	s1 =	sadd.s32 s1, s30  }
0xba: {  	s0 =	sor.u32 s3, s0;
	s1 =	sshll.u32 s1, $0x11  }
0xbb: {  	s0 =	sor.u32 s1, s0  }
0xbc: {  	s0 =	sadd.s32 $0x8F2B, s0  }
0xbd: {  	[sflag:s0] =	ssyncadd.remote.s32 $0x1  }
0xbe: {  	_ =	sfence.sel $0xFFFF  }
0xbf: {  	[dreg:$0x0] =	wrdreg $0xFFFFFFFF;
	(pc) =	sbr.abs _section_cstart, $3  }
0xc0: {  	[dreg:$0x1] =	wrdreg $0xFFFFFFFF  }
0xc1: {  	_ =	task.clear_ibuf [dreg:s7], $0x2FFFF;
	_ =	strace $0x9FFFFFFF  }
0xc2: {  	(tm) =	ssettm $0x7FFFFFFF  }
0xc3: {  	_ =	shalt  }
tec
execute0_lowered:
.L_overlay_start_1:
0x0: {  	(tag) =	ssettag $0x1  }
0x1: {  	s4 =	rddreg [dreg:$0x0]  }
0x2: {  	s1 =	rddreg [dreg:$0x1]  }
0x3: {  	s2 =	simm.s32 $0x0;
	s6 =	srdreg.scid;
	s12 =	simm.s32 $0x1  }
0x4: {  	s18 =	simm.s32 $0x8680;
	s19 =	simm.s32 $0xAE80;
	s20 =	simm.s32 $0xD680  }
0x5: {  	s21 =	simm.s32 $0x1F80;
	s22 =	simm.s32 $0x3F00;
	s23 =	simm.s32 $0xFE80  }
0x6: {  	s24 =	simm.s32 $0x12680;
	s25 =	simm.s32 $0x14E80;
	s26 =	simm.s32 $0x17680  }
0x7: {  	s28 =	simm.s32 $0x0;
	[smem:$0x7FF] =	sst s2;
	s7 =	sadd.s32 $0x15C00, s4  }
0x8: {  	s3 =	sadd.s32 $0x2000, s4;
	s5 =	sadd.s32 $0xBE00, s4;
	s13 =	sadd.s32 $0x1AC00, s4  }
0x9: {  	s6 =	sand.u32 $0x1, s6;
	s4 =	stileid.u32;
	_ =	strace $0x8000004D  }
0xa: {  	s8 =	ssub.s32 $0x2, s6;
	s6 =	sshll.u32 s6, $0x4;
	s11 =	sand.u32 $0x3, s4  }
0xb: {  	s9 =	sshrl.u32 s8, $0x1;
	s10 =	sor.u32 s4, s6;
	s30 =	smul.u32 $0xA000, s11  }
0xc: {  	p1 =	sne.s32 s11, $0x0;
	s6 =	simm.s32 $0x1;
	s11 =	smul.u32 $0x1400, s11  }
0xd: {  	s16 =	ssub.s32 s8, s9;
	p0 =	seq.s32 s10, $0x0;
	s15 =	smul.u32 $0xA000, s10  }
0xe: {  	s29 =	sshrl.u32 s10, $0x2;
	s17 =	smul.u32 $0x1400, s10;
	p0 =	por !p1, !p0  }
0xf: {  	s9 =	sshrl.u32 s30, $0x3;
	s16 =	smax.u32 s16, $0x1;
	p0 =	por !p0, !p0  }
0x10: {  	s14 =	sadd.s32 s7, s9;
	s7 =	sadd.s32 s7, s11;
	s31 =	sshrl.u32 s15, $0x3  }
0x11: {  	s12 =	simm.s32 @!p0 $0x0;
	s8 =	sadd.s32 $0x500, s14;
	s9 =	sadd.s32 $0xA00, s14  }
0x12: {  	s10 =	sadd.s32 $0xF00, s14;
	s15 =	sadd.s32 s13, s31;
	s12 =	ssub.s32 s29, s12  }
0x13: {  	s14 =	sadd.s32 $0xA00, s15;
	s11 =	smul.u32 $0x9C40, s12;
	s12 =	sadd.s32 s13, s17  }
0x14: {  	v0 =	vimm.f32 $0.0e+00;
	s13 =	sadd.s32 $0x500, s15;
	s15 =	sadd.s32 $0xF00, s15;
	s17 =	simm.s32 $0x5E80  }
.LBB2_1:
0x15: {  	[tilespmem:s17], [sflag:$0x1] =	stream.linear.gather [hbm4b:s7+s2], $0x2800, $0x38;
	[tilespmem:$0x19E80] =	vst v63  }
0x16: {  	_ =	swait.ge [sflag:s6], $0x2800  }
0x17: {  	[sflag:s6] =	ssyncset.done $0x0  }
0x18: {  	[sflag:s6] =	ssyncadd.s32 $0xFFFFD800  }
0x19: {  	[tilespmem:s18], [sflag:$0x1] =	stream.linear.gather [hbm4b:s8+s2], $0x2800, $0x38;
	[tilespmem:$0x19E80] =	vst v63  }
0x1a: {  	_ =	swait.ge [sflag:s6], $0x2800  }
0x1b: {  	[sflag:s6] =	ssyncset.done $0x0  }
0x1c: {  	[sflag:s6] =	ssyncadd.s32 $0xFFFFD800  }
0x1d: {  	[tilespmem:s19], [sflag:$0x1] =	stream.linear.gather [hbm4b:s9+s2], $0x2800, $0x38;
	[tilespmem:$0x19E80] =	vst v63  }
0x1e: {  	_ =	swait.ge [sflag:s6], $0x2800  }
0x1f: {  	[sflag:s6] =	ssyncset.done $0x0  }
0x20: {  	[sflag:s6] =	ssyncadd.s32 $0xFFFFD800  }
0x21: {  	[tilespmem:s20], [sflag:$0x1] =	stream.linear.gather [hbm4b:s10+s2], $0x2800, $0x38;
	[tilespmem:$0x19E80] =	vst v63  }
0x22: {  	_ =	swait.ge [sflag:s6], $0x2800  }
0x23: {  	[sflag:s6] =	ssyncset.done $0x0  }
0x24: {  	s29 =	simm.s32 $0x40;
	s30 =	simm.s32 $0x0;
	[sflag:s6] =	ssyncadd.s32 $0xFFFFD800  }
.LBB2_2:
0x25: {  	p0 =	sne.s32 s29, $0x9FC0;
	[tilespmem:s30+$0x17680] =	vst v0;
	s31 =	smov.u32 s29;
	s29 =	sadd.s32 $0x40, s29  }
.Ltmp0:
0x26: {  	[tilespmem:s30+$0x14E80] =	vst v0;
	(pc) =	sbr.rel @p0 .LBB2_2-.Ltmp0, $3  }
0x27: {  	[tilespmem:s30+$0xFE80] =	vst v0  }
0x28: {  	[tilespmem:s30+$0x12680] =	vst v0;
	_ =	sdelay $0x1  }
0x29: {  	s30 =	sshra.s32 s31, $0x2  }
0x2a: {  	[tilespmem:s30+$0x17680] =	vst v0  }
0x2b: {  	[tilespmem:s30+$0x14E80] =	vst v0  }
0x2c: {  	[tilespmem:s30+$0xFE80] =	vst v0  }
0x2d: {  	s29 =	simm.s32 $0x0;
	[tilespmem:s30+$0x12680] =	vst v0;
	s30 =	simm.s32 $0x0  }
.LBB2_4:
0x2e: {  	s31 =	smul.u32 $0x1F40, s30;
	_ =	sdelay $0x1  }
0x2f: {  	s31 =	sadd.s32 s11, s31  }
0x30: {  	s31 =	sshrl.u32 s31, $0x3  }
0x31: {  	s0 =	sadd.s32 s3, s31  }
0x32: {  	[tilespmem:s29], [sflag:$0x1] =	stream.linear.gather [hbm4b:s0+s29], $0x1F40, $0x38;
	[tilespmem:$0x19E80] =	vst v63  }
0x33: {  	_ =	swait.ge [sflag:s6], $0x1F40  }
0x34: {  	[sflag:s6] =	ssyncset.done $0x0  }
0x35: {  	s0 =	sadd.s32 s5, s31;
	[sflag:s6] =	ssyncadd.s32 $0xFFFFE0C0  }
0x36: {  	[tilespmem:s21], [sflag:$0x1] =	stream.linear.gather [hbm4b:s0+s29], $0x1F40, $0x38;
	[tilespmem:$0x19E80] =	vst v63  }
0x37: {  	_ =	swait.ge [sflag:s6], $0x1F40  }
0x38: {  	[sflag:s6] =	ssyncset.done $0x0  }
0x39: {  	s0 =	sadd.s32 s1, s31;
	[sflag:s6] =	ssyncadd.s32 $0xFFFFE0C0  }
0x3a: {  	[tilespmem:s22], [sflag:$0x1] =	stream.linear.gather [hbm4b:s0+s29], $0x1F40, $0x38;
	[tilespmem:$0x19E80] =	vst v63  }
0x3b: {  	_ =	swait.ge [sflag:s6], $0x1F40  }
0x3c: {  	[sflag:s6] =	ssyncset.done $0x0  }
0x3d: {  	s0 =	simm.s32 $0x0;
	[sflag:s6] =	ssyncadd.s32 $0xFFFFE0C0  }
0x3e: {  	v2 =	vld [tilespmem:s0+$0x3F30]  }
0x3f: {  	v3 =	vld [tilespmem:s0+$0x1F90]  }
0x40: {  	v4 =	vld [tilespmem:s0+$0x3F20]  }
0x41: {  	v5 =	vld [tilespmem:s0+$0x1FA0]  }
0x42: {  	v6 =	vld [tilespmem:s0+$0x0]  }
0x43: {  	v7 =	vld [tilespmem:s0+$0x3F00]  }
0x44: {  	v8 =	vld [tilespmem:s0+$0x20]  }
0x45: {  	v9 =	vld [tilespmem:s0+$0x10]  }
0x46: {  	v10 =	vld [tilespmem:s0+$0x1F80]  }
0x47: {  	v11 =	vld [tilespmem:s0+$0x30]  }
0x48: {  	v1 =	vld [tilespmem:s0+$0x1FB0]  }
0x49: {  	v12 =	vld [tilespmem:s0+$0x3F10]  }
0x4a: {  	v13 =	vld.idx.msk [tilespmem:v6+s19+$0x0], $0xffff  }
0x4b: {  	v14 =	vld.idx.msk [tilespmem:v6+s18+$0x0], $0xffff  }
0x4c: {  	v15 =	vld.idx.msk [tilespmem:v6+s17+$0x0], $0xffff  }
0x4d: {  	v6 =	vld.idx.msk [tilespmem:v6+s20+$0x0], $0xffff  }
0x4e: {  	v16 =	vld.idx.msk [tilespmem:v8+s19+$0x0], $0xffff  }
0x4f: {  	v17 =	vld.idx.msk [tilespmem:v8+s20+$0x0], $0xffff  }
0x50: {  	v18 =	vld.idx.msk [tilespmem:v8+s18+$0x0], $0xffff  }
0x51: {  	v8 =	vld.idx.msk [tilespmem:v8+s17+$0x0], $0xffff  }
0x52: {  	v19 =	vld.idx.msk [tilespmem:v9+s19+$0x0], $0xffff  }
0x53: {  	v20 =	vld.idx.msk [tilespmem:v9+s20+$0x0], $0xffff  }
0x54: {  	v21 =	vld.idx.msk [tilespmem:v9+s18+$0x0], $0xffff  }
0x55: {  	v9 =	vld.idx.msk [tilespmem:v9+s17+$0x0], $0xffff  }
0x56: {  	v22 =	vld.idx.msk [tilespmem:v11+s20+$0x0], $0xffff  }
0x57: {  	v23 =	vld.idx.msk [tilespmem:v11+s19+$0x0], $0xffff  }
0x58: {  	v24 =	vld.idx.msk [tilespmem:v11+s18+$0x0], $0xffff;
	v15 =	vmul.f32 v15, v7  }
0x59: {  	v11 =	vld.idx.msk [tilespmem:v11+s17+$0x0], $0xffff;
	v14 =	vmul.f32 v14, v7  }
0x5a: {  	v13 =	vmul.f32 v13, v7;
	[tilespmem:v10+s23+$0x0] =	vst.idx.add.f32.msk $0xffff, v15  }
0x5b: {  	v6 =	vmul.f32 v6, v7;
	[tilespmem:v10+s24+$0x0] =	vst.idx.add.f32.msk $0xffff, v14  }
0x5c: {  	v57 =	vmul.f32 v9, v12;
	[tilespmem:v10+s25+$0x0] =	vst.idx.add.f32.msk $0xffff, v13  }
0x5d: {  	v58 =	vmul.f32 v21, v12;
	[tilespmem:v10+s26+$0x0] =	vst.idx.add.f32.msk $0xffff, v6  }
0x5e: {  	v59 =	vmul.f32 v19, v12;
	[tilespmem:v3+s23+$0x0] =	vst.idx.add.f32.msk $0xffff, v57  }
0x5f: {  	v60 =	vmul.f32 v20, v12;
	[tilespmem:v3+s24+$0x0] =	vst.idx.add.f32.msk $0xffff, v58  }
0x60: {  	v8 =	vmul.f32 v8, v4;
	[tilespmem:v3+s25+$0x0] =	vst.idx.add.f32.msk $0xffff, v59  }
0x61: {  	v61 =	vmul.f32 v18, v4;
	[tilespmem:v3+s26+$0x0] =	vst.idx.add.f32.msk $0xffff, v60  }
0x62: {  	v3 =	vmul.f32 v16, v4;
	[tilespmem:v5+s23+$0x0] =	vst.idx.add.f32.msk $0xffff, v8  }
0x63: {  	v4 =	vmul.f32 v17, v4;
	[tilespmem:v5+s24+$0x0] =	vst.idx.add.f32.msk $0xffff, v61  }
0x64: {  	v62 =	vmul.f32 v11, v2;
	[tilespmem:v5+s25+$0x0] =	vst.idx.add.f32.msk $0xffff, v3  }
0x65: {  	v3 =	vmul.f32 v24, v2;
	[tilespmem:v5+s26+$0x0] =	vst.idx.add.f32.msk $0xffff, v4  }
0x66: {  	v63 =	vmul.f32 v23, v2;
	[tilespmem:v1+s23+$0x0] =	vst.idx.add.f32.msk $0xffff, v62  }
0x67: {  	v2 =	vmul.f32 v22, v2;
	[tilespmem:v1+s24+$0x0] =	vst.idx.add.f32.msk $0xffff, v3  }
0x68: {  	s31 =	simm.s32 $0x100;
	[tilespmem:v1+s25+$0x0] =	vst.idx.add.f32.msk $0xffff, v63  }
.LBB2_5:
0x69: {  	s0 =	sshra.s32 s31, $0x2;
	p0 =	sne.s32 s31, $0x7C00;
	s31 =	sadd.s32 $0x100, s31;
	[tilespmem:v1+s26+$0x0] =	vst.idx.add.f32.msk $0xffff, v2  }
0x6a: {  	v3 =	vld [tilespmem:s0+$0x3F30]  }
0x6b: {  	v4 =	vld [tilespmem:s0+$0x1F90]  }
0x6c: {  	v2 =	vld [tilespmem:s0+$0x3F20]  }
0x6d: {  	v5 =	vld [tilespmem:s0+$0x1FA0]  }
0x6e: {  	v6 =	vld [tilespmem:s0+$0x0]  }
0x6f: {  	v7 =	vld [tilespmem:s0+$0x3F00]  }
0x70: {  	v8 =	vld [tilespmem:s0+$0x20]  }
0x71: {  	v9 =	vld [tilespmem:s0+$0x10]  }
0x72: {  	v10 =	vld [tilespmem:s0+$0x1F80]  }
0x73: {  	v11 =	vld [tilespmem:s0+$0x30]  }
0x74: {  	v1 =	vld [tilespmem:s0+$0x1FB0]  }
0x75: {  	v12 =	vld [tilespmem:s0+$0x3F10]  }
0x76: {  	v13 =	vld.idx.msk [tilespmem:v6+s19+$0x0], $0xffff  }
0x77: {  	v14 =	vld.idx.msk [tilespmem:v6+s18+$0x0], $0xffff  }
0x78: {  	v15 =	vld.idx.msk [tilespmem:v6+s17+$0x0], $0xffff  }
0x79: {  	v6 =	vld.idx.msk [tilespmem:v6+s20+$0x0], $0xffff  }
0x7a: {  	v16 =	vld.idx.msk [tilespmem:v8+s19+$0x0], $0xffff  }
0x7b: {  	v17 =	vld.idx.msk [tilespmem:v8+s20+$0x0], $0xffff  }
0x7c: {  	v13 =	vmul.f32 v13, v7;
	v18 =	vld.idx.msk [tilespmem:v8+s18+$0x0], $0xffff  }
0x7d: {  	v14 =	vmul.f32 v14, v7;
	v8 =	vld.idx.msk [tilespmem:v8+s17+$0x0], $0xffff  }
0x7e: {  	v15 =	vmul.f32 v15, v7;
	v19 =	vld.idx.msk [tilespmem:v9+s19+$0x0], $0xffff  }
0x7f: {  	v6 =	vmul.f32 v6, v7;
	v7 =	vld.idx.msk [tilespmem:v9+s20+$0x0], $0xffff  }
0x80: {  	v16 =	vmul.f32 v16, v2;
	v20 =	vld.idx.msk [tilespmem:v9+s18+$0x0], $0xffff  }
0x81: {  	v17 =	vmul.f32 v17, v2;
	v9 =	vld.idx.msk [tilespmem:v9+s17+$0x0], $0xffff  }
0x82: {  	v18 =	vmul.f32 v18, v2;
	v21 =	vld.idx.msk [tilespmem:v11+s20+$0x0], $0xffff  }
0x83: {  	v8 =	vmul.f32 v8, v2;
	v22 =	vld.idx.msk [tilespmem:v11+s19+$0x0], $0xffff  }
0x84: {  	v23 =	vld.idx.msk [tilespmem:v11+s18+$0x0], $0xffff  }
0x85: {  	v11 =	vld.idx.msk [tilespmem:v11+s17+$0x0], $0xffff  }
0x86: {  	[tilespmem:v10+s23+$0x0] =	vst.idx.add.f32.msk $0xffff, v15  }
0x87: {  	v9 =	vmul.f32 v9, v12;
	[tilespmem:v10+s24+$0x0] =	vst.idx.add.f32.msk $0xffff, v14  }
0x88: {  	v14 =	vmul.f32 v20, v12;
	v2 =	vmul.f32 v21, v3;
	[tilespmem:v10+s25+$0x0] =	vst.idx.add.f32.msk $0xffff, v13  }
0x89: {  	v13 =	vmul.f32 v22, v3;
	[tilespmem:v10+s26+$0x0] =	vst.idx.add.f32.msk $0xffff, v6  }
0x8a: {  	v6 =	vmul.f32 v19, v12;
	v10 =	vmul.f32 v23, v3;
	[tilespmem:v4+s23+$0x0] =	vst.idx.add.f32.msk $0xffff, v9  }
0x8b: {  	v7 =	vmul.f32 v7, v12;
	v3 =	vmul.f32 v11, v3;
	[tilespmem:v4+s24+$0x0] =	vst.idx.add.f32.msk $0xffff, v14  }
0x8c: {  	[tilespmem:v4+s25+$0x0] =	vst.idx.add.f32.msk $0xffff, v6  }
0x8d: {  	[tilespmem:v4+s26+$0x0] =	vst.idx.add.f32.msk $0xffff, v7  }
0x8e: {  	[tilespmem:v5+s23+$0x0] =	vst.idx.add.f32.msk $0xffff, v8  }
0x8f: {  	[tilespmem:v5+s24+$0x0] =	vst.idx.add.f32.msk $0xffff, v18  }
.Ltmp1:
0x90: {  	[tilespmem:v5+s25+$0x0] =	vst.idx.add.f32.msk $0xffff, v16;
	(pc) =	sbr.rel @p0 .LBB2_5-.Ltmp1, $4  }
0x91: {  	[tilespmem:v5+s26+$0x0] =	vst.idx.add.f32.msk $0xffff, v17  }
0x92: {  	[tilespmem:v1+s23+$0x0] =	vst.idx.add.f32.msk $0xffff, v3  }
0x93: {  	[tilespmem:v1+s24+$0x0] =	vst.idx.add.f32.msk $0xffff, v10  }
0x94: {  	[tilespmem:v1+s25+$0x0] =	vst.idx.add.f32.msk $0xffff, v13  }
0x95: {  	s30 =	sadd.s32 $0x1, s30  }
0x96: {  	p0 =	sne.s32 s30, $0x5  }
.Ltmp2:
0x97: {  	_ = 	snop;
	(pc) =	sbr.rel @p0 .LBB2_4-.Ltmp2, $2  }
0x98: {  	_ =	sdelay $0x2  }
0x99: {  	[tilespmem:v1+s26+$0x0] =	vst.idx.add.f32.msk $0xffff, v2  }
0x9a: {  	[hbm4b:s12+s2] =	stream.linear.scatter [tilespmem:s23], [sflag:$0x1], $0x2800, $0x38;
	[tilespmem:$0x19E80] =	vst v63  }
0x9b: {  	_ =	swait.ge [sflag:s6], $0x2800  }
0x9c: {  	[sflag:s6] =	ssyncset.done $0x0  }
0x9d: {  	[sflag:s6] =	ssyncadd.s32 $0xFFFFD800  }
0x9e: {  	[hbm4b:s13+s2] =	stream.linear.scatter [tilespmem:s24], [sflag:$0x1], $0x2800, $0x38;
	[tilespmem:$0x19E80] =	vst v63  }
0x9f: {  	_ =	swait.ge [sflag:s6], $0x2800  }
0xa0: {  	[sflag:s6] =	ssyncset.done $0x0  }
0xa1: {  	[sflag:s6] =	ssyncadd.s32 $0xFFFFD800  }
0xa2: {  	[hbm4b:s14+s2] =	stream.linear.scatter [tilespmem:s25], [sflag:$0x1], $0x2800, $0x38;
	[tilespmem:$0x19E80] =	vst v63  }
0xa3: {  	s28 =	sadd.s32 $0x1, s28;
	_ =	swait.ge [sflag:s6], $0x2800  }
0xa4: {  	p0 =	sne.s32 s28, s16;
	[sflag:s6] =	ssyncset.done $0x0  }
.Ltmp3:
0xa5: {  	[sflag:s6] =	ssyncadd.s32 $0xFFFFD800;
	(pc) =	sbr.rel @p0 .LBB2_1-.Ltmp3, $4  }
0xa6: {  	[hbm4b:s15+s2] =	stream.linear.scatter [tilespmem:s26], [sflag:$0x1], $0x2800, $0x38;
	[tilespmem:$0x19E80] =	vst v63  }
0xa7: {  	_ =	swait.ge [sflag:s6], $0x2800  }
0xa8: {  	[sflag:s6] =	ssyncset.done $0x0  }
0xa9: {  	[sflag:s6] =	ssyncadd.s32 $0xFFFFD800  }
0xaa: {  	_ =	sfence.sel $0x180000  }
0xab: {  	[bflag:$0x0] =	sbarrier.arrive $0xFFFF  }
0xac: {  	_ =	strace $0x9000004D  }
0xad: {  	[bflag:$0x2] =	sbarrier.arrive $0xFFFF  }
0xae: {  	p0 =	sne.s32 s4, $0x0;
	s0 =	rddreg [dreg:$0x2]  }
0xaf: {  	s0 =	sadd.s32 @!p0 $0x100000, s0  }
0xb0: {  	[sflag:s0] =	ssyncadd.tile.s32 @!p0 $0x1;
	_ =	shalt  }
.Lfunc_end2:
_tile_overlayer_lowered:
.L_overlay_start_2:
0xb1: {  	(tag) =	ssettag $0x2  }
0xb2: {  	s0 =	rddreg [dreg:$0x0];
	s2 =	stileid.u32  }
0xb3: {  	s1 =	rddreg [dreg:$0x1];
	p0 =	sne.s32 s2, $0x0  }
0xb4: {  	s3 =	rddreg [dreg:$0x2];
	[bflag:$0x3] =	sbarrier.arrive $0xFFFF;
	s2 =	simm.s32 @!p0 $0x1C01  }
0xb5: {  	[timem:s3], [sflag:s2] =	dma.local @!p0 [hbm:s0], s1  }
0xb6: {  	s0 =	simm.s32 @!p0 $0x1  }
0xb7: {  	_ =	swait.ge @!p0 [sflag:s0], s1  }
0xb8: {  	s1 =	ssub.s32 @!p0 $0x0, s1;
	[sflag:s0] =	ssyncset.done @!p0 $0x0  }
0xb9: {  	[sflag:s0] =	ssyncadd.s32 @!p0 s1  }
0xba: {  	[bflag:$0x3] =	sbarrier.arrive $0xFFFF  }
0xbb: {  	_ =	shalt  }

// kernel: kernel.19.cloned.1.call-start
scs
__scs_entry_jumppad:
0x0: {  	(pc) =	sbr.rel $0x88, $3  }
0x1: {  	(tag) =	ssettag $0x0;
	lr =	simm.s32 $0x1  }
0x2: {  	[smem:$0x3F94] =	sst lr;
	_ =	strace $0xD0000000  }
0x3: {  	_ = 	snop  }
0x4: {  	_ = 	snop  }
0x5: {  	_ = 	snop  }
0x6: {  	_ = 	snop  }
0x7: {  	_ = 	snop  }
__scs_overlays_trampoline_lowered:
0x8: {  	[smem:$0x3FA3] =	sst s0  }
0x9: {  	[smem:$0x3FA4] =	sst s1  }
0xa: {  	[smem:$0x3FA5] =	sst s2  }
0xb: {  	[smem:$0x3FA6] =	sst s3  }
0xc: {  	[smem:$0x3FA7] =	sst s4  }
0xd: {  	[smem:$0x3FA8] =	sst s5  }
0xe: {  	[smem:$0x3FA9] =	sst s6  }
0xf: {  	[smem:$0x3FAA] =	sst s7  }
0x10: {  	[smem:$0x3FAB] =	sst s8  }
0x11: {  	[smem:$0x3FAC] =	sst s9;
	s0 =	simm.s32 @!p0 $0x0  }
0x12: {  	s1 =	sld [smem:$0x3F92];
	s0 =	simm.s32 @p0 $0x1  }
0x13: {  	[smem:$0x3FAD] =	sst s0;
	s0 =	simm.s32 @!p1 $0x0  }
0x14: {  	s2 =	sld [smem:$0x3F91];
	s0 =	simm.s32 @p1 $0x1  }
0x15: {  	[smem:$0x3FAE] =	sst s0;
	s0 =	simm.s32 @!p2 $0x0  }
0x16: {  	s3 =	sld [smem:$0x3FDB];
	s0 =	simm.s32 @p2 $0x1  }
0x17: {  	s4 =	simm.s32 $0x1BF5;
	[smem:$0x3FB0] =	sst s0  }
0x18: {  	s0 =	sld [smem:$0x3F93];
	_ =	swait.ge [sflag:s4], $0x0  }
0x19: {  	s7 =	sld [smem:$0x3F94]  }
0x1a: {  	s8 =	sadd.s32 $0xFFFFE003, lr  }
0x1b: {  	s9 =	sadd.s32 $0xFFFFFEF7, lr;
	s5 =	simm.s32 $0xFFFFFFFF;
	p2 =	slt.u32 s8, $0xFFFFF086  }
0x1c: {  	p1 =	slt.u32 s9, $0xF7A;
	s5 =	simm.s32 @!p2 $0x0  }
0x1d: {  	s5 =	simm.s32 @p1 $0x1;
	p0 =	seq.s32 s7, s2  }
0x1e: {  	s7 =	smul.u32 @!p0 $0xF7A, s2;
	p2 =	seq.s32 @!p0 s5, $0x0  }
0x1f: {  	s9 =	smul.u32 $0xF7A, s1;
	s8 =	simm.s32 @!p0 $0x1BF5;
	p2 =	por !p2, p0  }
0x20: {  	[sflag:s8] =	ssyncset.s32 @!p0 $0xFFFFF086;
	s6 =	sadd.s32 @!p0 s3, s7;
	s7 =	simm.s32 @!p0 $0x108  }
0x21: {  	s3 =	sadd.s32 s3, s9;
	s6 =	sadd.s32 @!p0 $0x88, s6;
	s7 =	simm.s32 @p2 $0x1082  }
0x22: {  	[simem:s7], [sflag:s8] =	dma.local @!p0 [hbm:s6], $0xF7A  }
0x23: {  	s9 =	sor.u32 $0xD0000000, s2;
	s6 =	simm.s32 $0x108;
	_ =	swait.ge @!p0 [sflag:s8], $0x0  }
0x24: {  	s3 =	sadd.s32 $0x88, s3;
	s6 =	simm.s32 @!p1 $0x1082;
	[sflag:s4] =	ssyncset.s32 $0xFFFFF086  }
0x25: {  	[simem:s6], [sflag:s4] =	dma.local [hbm:s3], $0xF7A  }
0x26: {  	[smem:$0x3F94] =	sst s1;
	(tag) =	ssettag s2;
	_ =	strace s9  }
0x27: {  	s1 =	sld [smem:$0x3FA4]  }
0x28: {  	s2 =	sld [smem:$0x3FA5]  }
0x29: {  	s4 =	sld [smem:$0x3FA7]  }
0x2a: {  	p0 =	seq.s32 s5, $0x0;
	s5 =	sld [smem:$0x3FA8]  }
0x2b: {  	s6 =	sld [smem:$0x3FA9]  }
0x2c: {  	s7 =	sld [smem:$0x3FAA]  }
0x2d: {  	s3 =	simm.s32 $0x108;
	s8 =	sld [smem:$0x3FAB]  }
0x2e: {  	s3 =	simm.s32 @!p0 $0x1082;
	s9 =	sld [smem:$0x3FAC]  }
0x2f: {  	lr =	sadd.s32 s0, s3;
	s0 =	sld [smem:$0x3FA3]  }
0x30: {  	s3 =	sld [smem:$0x3FA6]  }
0x31: {  	[smem:$0x3FAF] =	sst s10  }
0x32: {  	s10 =	sld [smem:$0x3FAD];
	_ =	sdelay $0x3  }
0x33: {  	p0 =	seq.s32 s10, $0x1;
	s10 =	sld [smem:$0x3FAF];
	_ =	sdelay $0x3  }
0x34: {  	[smem:$0x3FAF] =	sst s10  }
0x35: {  	s10 =	sld [smem:$0x3FAE];
	_ =	sdelay $0x3  }
0x36: {  	p1 =	seq.s32 s10, $0x1;
	s10 =	sld [smem:$0x3FAF];
	_ =	sdelay $0x3  }
0x37: {  	[smem:$0x3FAF] =	sst s10  }
0x38: {  	s10 =	sld [smem:$0x3FB0]  }
0x39: {  	_ = 	snop;
	(pc) =	sbr.ind lr, $3  }
0x3a: {  	_ = 	snop  }
0x3b: {  	_ = 	snop  }
0x3c: {  	p2 =	seq.s32 s10, $0x1;
	s10 =	sld [smem:$0x3FAF]  }
0x3d: {  	_ =	shalt  }
0x3e: {  	_ =	shalt  }
0x3f: {  	_ =	shalt  }
0x40: {  	_ =	shalt  }
0x41: {  	_ =	shalt  }
0x42: {  	_ =	shalt  }
0x43: {  	_ =	shalt  }
0x44: {  	_ =	shalt  }
0x45: {  	_ =	shalt  }
0x46: {  	_ =	shalt  }
0x47: {  	_ =	shalt  }
0x48: {  	_ =	shalt  }
0x49: {  	_ =	shalt  }
0x4a: {  	_ =	shalt  }
0x4b: {  	_ =	shalt  }
0x4c: {  	_ =	shalt  }
0x4d: {  	_ =	shalt  }
0x4e: {  	_ =	shalt  }
0x4f: {  	_ =	shalt  }
0x50: {  	_ =	shalt  }
0x51: {  	_ =	shalt  }
0x52: {  	_ =	shalt  }
0x53: {  	_ =	shalt  }
0x54: {  	_ =	shalt  }
0x55: {  	_ =	shalt  }
0x56: {  	_ =	shalt  }
0x57: {  	_ =	shalt  }
0x58: {  	_ =	shalt  }
0x59: {  	_ =	shalt  }
0x5a: {  	_ =	shalt  }
0x5b: {  	_ =	shalt  }
0x5c: {  	_ =	shalt  }
0x5d: {  	_ =	shalt  }
0x5e: {  	_ =	shalt  }
0x5f: {  	_ =	shalt  }
0x60: {  	_ =	shalt  }
0x61: {  	_ =	shalt  }
0x62: {  	_ =	shalt  }
0x63: {  	_ =	shalt  }
0x64: {  	_ =	shalt  }
0x65: {  	_ =	shalt  }
0x66: {  	_ =	shalt  }
0x67: {  	_ =	shalt  }
0x68: {  	_ =	shalt  }
0x69: {  	_ =	shalt  }
0x6a: {  	_ =	shalt  }
0x6b: {  	_ =	shalt  }
0x6c: {  	_ =	shalt  }
0x6d: {  	_ =	shalt  }
0x6e: {  	_ =	shalt  }
0x6f: {  	_ =	shalt  }
0x70: {  	_ =	shalt  }
0x71: {  	_ =	shalt  }
0x72: {  	_ =	shalt  }
0x73: {  	_ =	shalt  }
0x74: {  	_ =	shalt  }
0x75: {  	_ =	shalt  }
0x76: {  	_ =	shalt  }
0x77: {  	_ =	shalt  }
0x78: {  	_ =	shalt  }
0x79: {  	_ =	shalt  }
0x7a: {  	_ =	shalt  }
0x7b: {  	_ =	shalt  }
0x7c: {  	_ =	shalt  }
0x7d: {  	_ =	shalt  }
0x7e: {  	_ =	shalt  }
0x7f: {  	_ =	shalt  }
0x80: {  	_ =	shalt  }
0x81: {  	_ =	shalt  }
0x82: {  	_ =	shalt  }
0x83: {  	_ =	shalt  }
0x84: {  	_ =	shalt  }
0x85: {  	_ =	shalt  }
0x86: {  	_ =	shalt  }
0x87: {  	_ =	shalt  }
.Lfunc_end0:
.L_simem_size_0:
called_computation.3_lowered:
.L_overlay_start_0:
0x88: {  	s2 =	sld [smem:$0x3FD9]  }
0x89: {  	s3 =	sld [smem:$0x3FFE];
	_ =	sdelay $0x1  }
0x8a: {  	s1 =	srdreg.scid  }
0x8b: {  	s0 =	sand.u32 $0x1, s1  }
0x8c: {  	s17 =	sshll.u32 s0, $0xA;
	s2 =	sadd.s32 s3, s2  }
0x8d: {  	s2 =	sadd.s32 s2, s17  }
0x8e: {  	[smem:$0x3FBB] =	sst s2  }
0x8f: {  	_ = 	snop  }
0x90: {  	s2 =	sld [smem:$0x3FC7];
	(tm) =	ssettm $0x1  }
0x91: {  	s18 =	sld [smem:$0x3FFB];
	_ =	sdelay $0x3  }
0x92: {  	_ =	strace s18  }
0x93: {  	s3 =	sld [smem:$0x3FFC];
	_ =	sdelay $0x3  }
0x94: {  	_ =	strace s3  }
0x95: {  	s3 =	sld [smem:$0x3FFD];
	_ =	sdelay $0x3  }
0x96: {  	_ =	strace s3  }
0x97: {  	_ =	strace $0x8FFFFFFF  }
0x98: {  	s19 =	sld [smem:$0x3FDB];
	_ =	sdelay $0x1  }
0x99: {  	s4 =	simm.s32 $_scs_section_size  }
0x9a: {  	s5 =	simm.s32 $_size__tile_overlayer_lowered;
	s6 =	simm.s32 $_tile_overlayer_lowered  }
0x9b: {  	s22 =	simm.s32 $0x1BFF;
	s21 =	sshll.u32 s6, $0x1;
	s3 =	sadd.s32 s4, s19  }
0x9c: {  	s7 =	simm.s32 $0x0;
	s20 =	sshll.u32 s5, $0x1;
	s5 =	sadd.s32 s21, s3  }
0x9d: {  	[timem:s7], [sflag:s22] =	dma.local [hbm:s5], s20  }
0x9e: {  	_ =	swait.ge [sflag:s22], s20  }
0x9f: {  	s4 =	ssub.s32 $0x0, s20;
	[sflag:s22] =	ssyncset.done $0x0  }
0xa0: {  	[sflag:s22] =	ssyncadd.s32 s4;
	_ =	sdelay $0x1  }
0xa1: {  	s23 =	simm.s32 $0x1B8B  }
0xa2: {  	_ =	swait.ge [sflag:s23], $0x1  }
0xa3: {  	[sflag:s23] =	ssyncset.done $0x0  }
0xa4: {  	s25 =	simm.s32 $0x1B8E;
	s24 =	sld [smem:$0x3FFE];
	[sflag:s23] =	ssyncadd.s32 $0xFFFFFFFF  }
0xa5: {  	s26 =	simm.s32 $execute0_lowered;
	[smem:$0x3FD2] =	sst s25  }
0xa6: {  	s5 =	sshll.u32 s26, $0x1;
	_ =	strace $0x8000004F;
	[dreg:$0x1] =	wrdreg $0xFFFFFFFF  }
0xa7: {  	s28 =	simm.s32 $_size_execute0_lowered;
	s3 =	sadd.s32 s3, s5;
	[dreg:$0x0] =	wrdreg $0x0  }
0xa8: {  	s5 =	sshll.u32 s28, $0x1;
	[dreg:$0x2] =	wrdreg s3  }
0xa9: {  	[dreg:$0x3] =	wrdreg s5  }
0xaa: {  	[dreg:$0x4] =	wrdreg $0xC0  }
0xab: {  	_ =	task [dreg:s7], $0x5FFFF  }
0xac: {  	[dreg:$0x1] =	wrdreg $0xFFFFFFFF  }
0xad: {  	[dreg:$0x0] =	wrdreg $0x60  }
0xae: {  	[dreg:$0x2] =	wrdreg s24  }
0xaf: {  	[dreg:$0x3] =	wrdreg s2  }
0xb0: {  	[dreg:$0x4] =	wrdreg $0x9  }
0xb1: {  	_ =	task.clear_ibuf [dreg:s7], $0x5FFFF;
	_ =	strace $0x9000004F  }
0xb2: {  	s29 =	simm.s32 $0x9;
	_ =	strace $0x80000051  }
0xb3: {  	_ =	swait.ge [sflag:s29], $0x1  }
0xb4: {  	[sflag:s29] =	ssyncadd.s32 $0xFFFFFFFF  }
0xb5: {  	_ =	strace $0x90000051  }
0xb6: {  	_ =	sfence  }
0xb7: {  	s30 =	sld [smem:$0x0];
	_ =	sdelay $0x2  }
0xb8: {  	s31 =	sshll.u32 s1, $0xD;
	s1 =	sshrl.u32 s1, $0x2  }
0xb9: {  	s3 =	sand.u32 $0x4000, s31;
	s1 =	sadd.s32 s1, s30  }
0xba: {  	s0 =	sor.u32 s3, s0;
	s1 =	sshll.u32 s1, $0x11  }
0xbb: {  	s0 =	sor.u32 s1, s0  }
0xbc: {  	s0 =	sadd.s32 $0x8F2B, s0  }
0xbd: {  	[sflag:s0] =	ssyncadd.remote.s32 $0x1  }
0xbe: {  	_ =	sfence.sel $0xFFFF  }
0xbf: {  	[dreg:$0x0] =	wrdreg $0xFFFFFFFF;
	(pc) =	sbr.abs _section_cstart, $3  }
0xc0: {  	[dreg:$0x1] =	wrdreg $0xFFFFFFFF  }
0xc1: {  	_ =	task.clear_ibuf [dreg:s7], $0x2FFFF;
	_ =	strace $0x9FFFFFFF  }
0xc2: {  	(tm) =	ssettm $0x7FFFFFFF  }
0xc3: {  	_ =	shalt  }
tec
execute0_lowered:
.L_overlay_start_1:
0x0: {  	(tag) =	ssettag $0x1  }
0x1: {  	s4 =	rddreg [dreg:$0x0]  }
0x2: {  	s1 =	rddreg [dreg:$0x1]  }
0x3: {  	s2 =	simm.s32 $0x0;
	s6 =	srdreg.scid;
	s12 =	simm.s32 $0x1  }
0x4: {  	s18 =	simm.s32 $0x8680;
	s19 =	simm.s32 $0xAE80;
	s20 =	simm.s32 $0xD680  }
0x5: {  	s21 =	simm.s32 $0x1F80;
	s22 =	simm.s32 $0x3F00;
	s23 =	simm.s32 $0xFE80  }
0x6: {  	s24 =	simm.s32 $0x12680;
	s25 =	simm.s32 $0x14E80;
	s26 =	simm.s32 $0x17680  }
0x7: {  	s28 =	simm.s32 $0x0;
	[smem:$0x7FF] =	sst s2;
	s7 =	sadd.s32 $0x15C00, s4  }
0x8: {  	s3 =	sadd.s32 $0x2000, s4;
	s5 =	sadd.s32 $0xBE00, s4;
	s13 =	sadd.s32 $0x1AC00, s4  }
0x9: {  	s6 =	sand.u32 $0x1, s6;
	s4 =	stileid.u32;
	_ =	strace $0x80000050  }
0xa: {  	s8 =	ssub.s32 $0x2, s6;
	s6 =	sshll.u32 s6, $0x4;
	s11 =	sand.u32 $0x3, s4  }
0xb: {  	s9 =	sshrl.u32 s8, $0x1;
	s10 =	sor.u32 s4, s6;
	s30 =	smul.u32 $0xA000, s11  }
0xc: {  	p1 =	sne.s32 s11, $0x0;
	s6 =	simm.s32 $0x1;
	s11 =	smul.u32 $0x1400, s11  }
0xd: {  	s16 =	ssub.s32 s8, s9;
	p0 =	seq.s32 s10, $0x0;
	s15 =	smul.u32 $0xA000, s10  }
0xe: {  	s29 =	sshrl.u32 s10, $0x2;
	s17 =	smul.u32 $0x1400, s10;
	p0 =	por !p1, !p0  }
0xf: {  	s9 =	sshrl.u32 s30, $0x3;
	s16 =	smax.u32 s16, $0x1;
	p0 =	por !p0, !p0  }
0x10: {  	s14 =	sadd.s32 s7, s9;
	s7 =	sadd.s32 s7, s11;
	s31 =	sshrl.u32 s15, $0x3  }
0x11: {  	s12 =	simm.s32 @!p0 $0x0;
	s8 =	sadd.s32 $0x500, s14;
	s9 =	sadd.s32 $0xA00, s14  }
0x12: {  	s10 =	sadd.s32 $0xF00, s14;
	s15 =	sadd.s32 s13, s31;
	s12 =	ssub.s32 s29, s12  }
0x13: {  	s14 =	sadd.s32 $0xA00, s15;
	s11 =	smul.u32 $0x9C40, s12;
	s12 =	sadd.s32 s13, s17  }
0x14: {  	v0 =	vimm.f32 $0.0e+00;
	s13 =	sadd.s32 $0x500, s15;
	s15 =	sadd.s32 $0xF00, s15;
	s17 =	simm.s32 $0x5E80  }
.LBB2_1:
0x15: {  	[tilespmem:s17], [sflag:$0x1] =	stream.linear.gather [hbm4b:s7+s2], $0x2800, $0x38;
	[tilespmem:$0x19E80] =	vst v63  }
0x16: {  	_ =	swait.ge [sflag:s6], $0x2800  }
0x17: {  	[sflag:s6] =	ssyncset.done $0x0  }
0x18: {  	[sflag:s6] =	ssyncadd.s32 $0xFFFFD800  }
0x19: {  	[tilespmem:s18], [sflag:$0x1] =	stream.linear.gather [hbm4b:s8+s2], $0x2800, $0x38;
	[tilespmem:$0x19E80] =	vst v63  }
0x1a: {  	_ =	swait.ge [sflag:s6], $0x2800  }
0x1b: {  	[sflag:s6] =	ssyncset.done $0x0  }
0x1c: {  	[sflag:s6] =	ssyncadd.s32 $0xFFFFD800  }
0x1d: {  	[tilespmem:s19], [sflag:$0x1] =	stream.linear.gather [hbm4b:s9+s2], $0x2800, $0x38;
	[tilespmem:$0x19E80] =	vst v63  }
0x1e: {  	_ =	swait.ge [sflag:s6], $0x2800  }
0x1f: {  	[sflag:s6] =	ssyncset.done $0x0  }
0x20: {  	[sflag:s6] =	ssyncadd.s32 $0xFFFFD800  }
0x21: {  	[tilespmem:s20], [sflag:$0x1] =	stream.linear.gather [hbm4b:s10+s2], $0x2800, $0x38;
	[tilespmem:$0x19E80] =	vst v63  }
0x22: {  	_ =	swait.ge [sflag:s6], $0x2800  }
0x23: {  	[sflag:s6] =	ssyncset.done $0x0  }
0x24: {  	s29 =	simm.s32 $0x40;
	s30 =	simm.s32 $0x0;
	[sflag:s6] =	ssyncadd.s32 $0xFFFFD800  }
.LBB2_2:
0x25: {  	p0 =	sne.s32 s29, $0x9FC0;
	[tilespmem:s30+$0x17680] =	vst v0;
	s31 =	smov.u32 s29;
	s29 =	sadd.s32 $0x40, s29  }
.Ltmp0:
0x26: {  	[tilespmem:s30+$0x14E80] =	vst v0;
	(pc) =	sbr.rel @p0 .LBB2_2-.Ltmp0, $3  }
0x27: {  	[tilespmem:s30+$0xFE80] =	vst v0  }
0x28: {  	[tilespmem:s30+$0x12680] =	vst v0;
	_ =	sdelay $0x1  }
0x29: {  	s30 =	sshra.s32 s31, $0x2  }
0x2a: {  	[tilespmem:s30+$0x17680] =	vst v0  }
0x2b: {  	[tilespmem:s30+$0x14E80] =	vst v0  }
0x2c: {  	[tilespmem:s30+$0xFE80] =	vst v0  }
0x2d: {  	s29 =	simm.s32 $0x0;
	[tilespmem:s30+$0x12680] =	vst v0;
	s30 =	simm.s32 $0x0  }
.LBB2_4:
0x2e: {  	s31 =	smul.u32 $0x1F40, s30;
	_ =	sdelay $0x1  }
0x2f: {  	s31 =	sadd.s32 s11, s31  }
0x30: {  	s31 =	sshrl.u32 s31, $0x3  }
0x31: {  	s0 =	sadd.s32 s3, s31  }
0x32: {  	[tilespmem:s29], [sflag:$0x1] =	stream.linear.gather [hbm4b:s0+s29], $0x1F40, $0x38;
	[tilespmem:$0x19E80] =	vst v63  }
0x33: {  	_ =	swait.ge [sflag:s6], $0x1F40  }
0x34: {  	[sflag:s6] =	ssyncset.done $0x0  }
0x35: {  	s0 =	sadd.s32 s5, s31;
	[sflag:s6] =	ssyncadd.s32 $0xFFFFE0C0  }
0x36: {  	[tilespmem:s21], [sflag:$0x1] =	stream.linear.gather [hbm4b:s0+s29], $0x1F40, $0x38;
	[tilespmem:$0x19E80] =	vst v63  }
0x37: {  	_ =	swait.ge [sflag:s6], $0x1F40  }
0x38: {  	[sflag:s6] =	ssyncset.done $0x0  }
0x39: {  	s0 =	sadd.s32 s1, s31;
	[sflag:s6] =	ssyncadd.s32 $0xFFFFE0C0  }
0x3a: {  	[tilespmem:s22], [sflag:$0x1] =	stream.linear.gather [hbm4b:s0+s29], $0x1F40, $0x38;
	[tilespmem:$0x19E80] =	vst v63  }
0x3b: {  	_ =	swait.ge [sflag:s6], $0x1F40  }
0x3c: {  	[sflag:s6] =	ssyncset.done $0x0  }
0x3d: {  	s0 =	simm.s32 $0x0;
	[sflag:s6] =	ssyncadd.s32 $0xFFFFE0C0  }
0x3e: {  	v2 =	vld [tilespmem:s0+$0x3F30]  }
0x3f: {  	v3 =	vld [tilespmem:s0+$0x1F90]  }
0x40: {  	v4 =	vld [tilespmem:s0+$0x3F20]  }
0x41: {  	v5 =	vld [tilespmem:s0+$0x1FA0]  }
0x42: {  	v6 =	vld [tilespmem:s0+$0x0]  }
0x43: {  	v7 =	vld [tilespmem:s0+$0x3F00]  }
0x44: {  	v8 =	vld [tilespmem:s0+$0x20]  }
0x45: {  	v9 =	vld [tilespmem:s0+$0x10]  }
0x46: {  	v10 =	vld [tilespmem:s0+$0x1F80]  }
0x47: {  	v11 =	vld [tilespmem:s0+$0x30]  }
0x48: {  	v1 =	vld [tilespmem:s0+$0x1FB0]  }
0x49: {  	v12 =	vld [tilespmem:s0+$0x3F10]  }
0x4a: {  	v13 =	vld.idx.msk [tilespmem:v6+s19+$0x0], $0xffff  }
0x4b: {  	v14 =	vld.idx.msk [tilespmem:v6+s18+$0x0], $0xffff  }
0x4c: {  	v15 =	vld.idx.msk [tilespmem:v6+s17+$0x0], $0xffff  }
0x4d: {  	v6 =	vld.idx.msk [tilespmem:v6+s20+$0x0], $0xffff  }
0x4e: {  	v16 =	vld.idx.msk [tilespmem:v8+s19+$0x0], $0xffff  }
0x4f: {  	v17 =	vld.idx.msk [tilespmem:v8+s20+$0x0], $0xffff  }
0x50: {  	v18 =	vld.idx.msk [tilespmem:v8+s18+$0x0], $0xffff  }
0x51: {  	v8 =	vld.idx.msk [tilespmem:v8+s17+$0x0], $0xffff  }
0x52: {  	v19 =	vld.idx.msk [tilespmem:v9+s19+$0x0], $0xffff  }
0x53: {  	v20 =	vld.idx.msk [tilespmem:v9+s20+$0x0], $0xffff  }
0x54: {  	v21 =	vld.idx.msk [tilespmem:v9+s18+$0x0], $0xffff  }
0x55: {  	v9 =	vld.idx.msk [tilespmem:v9+s17+$0x0], $0xffff  }
0x56: {  	v22 =	vld.idx.msk [tilespmem:v11+s20+$0x0], $0xffff  }
0x57: {  	v23 =	vld.idx.msk [tilespmem:v11+s19+$0x0], $0xffff  }
0x58: {  	v24 =	vld.idx.msk [tilespmem:v11+s18+$0x0], $0xffff;
	v15 =	vmul.f32 v15, v7  }
0x59: {  	v11 =	vld.idx.msk [tilespmem:v11+s17+$0x0], $0xffff;
	v14 =	vmul.f32 v14, v7  }
0x5a: {  	v13 =	vmul.f32 v13, v7;
	[tilespmem:v10+s23+$0x0] =	vst.idx.add.f32.msk $0xffff, v15  }
0x5b: {  	v6 =	vmul.f32 v6, v7;
	[tilespmem:v10+s24+$0x0] =	vst.idx.add.f32.msk $0xffff, v14  }
0x5c: {  	v57 =	vmul.f32 v9, v12;
	[tilespmem:v10+s25+$0x0] =	vst.idx.add.f32.msk $0xffff, v13  }
0x5d: {  	v58 =	vmul.f32 v21, v12;
	[tilespmem:v10+s26+$0x0] =	vst.idx.add.f32.msk $0xffff, v6  }
0x5e: {  	v59 =	vmul.f32 v19, v12;
	[tilespmem:v3+s23+$0x0] =	vst.idx.add.f32.msk $0xffff, v57  }
0x5f: {  	v60 =	vmul.f32 v20, v12;
	[tilespmem:v3+s24+$0x0] =	vst.idx.add.f32.msk $0xffff, v58  }
0x60: {  	v8 =	vmul.f32 v8, v4;
	[tilespmem:v3+s25+$0x0] =	vst.idx.add.f32.msk $0xffff, v59  }
0x61: {  	v61 =	vmul.f32 v18, v4;
	[tilespmem:v3+s26+$0x0] =	vst.idx.add.f32.msk $0xffff, v60  }
0x62: {  	v3 =	vmul.f32 v16, v4;
	[tilespmem:v5+s23+$0x0] =	vst.idx.add.f32.msk $0xffff, v8  }
0x63: {  	v4 =	vmul.f32 v17, v4;
	[tilespmem:v5+s24+$0x0] =	vst.idx.add.f32.msk $0xffff, v61  }
0x64: {  	v62 =	vmul.f32 v11, v2;
	[tilespmem:v5+s25+$0x0] =	vst.idx.add.f32.msk $0xffff, v3  }
0x65: {  	v3 =	vmul.f32 v24, v2;
	[tilespmem:v5+s26+$0x0] =	vst.idx.add.f32.msk $0xffff, v4  }
0x66: {  	v63 =	vmul.f32 v23, v2;
	[tilespmem:v1+s23+$0x0] =	vst.idx.add.f32.msk $0xffff, v62  }
0x67: {  	v2 =	vmul.f32 v22, v2;
	[tilespmem:v1+s24+$0x0] =	vst.idx.add.f32.msk $0xffff, v3  }
0x68: {  	s31 =	simm.s32 $0x100;
	[tilespmem:v1+s25+$0x0] =	vst.idx.add.f32.msk $0xffff, v63  }
.LBB2_5:
0x69: {  	s0 =	sshra.s32 s31, $0x2;
	p0 =	sne.s32 s31, $0x7C00;
	s31 =	sadd.s32 $0x100, s31;
	[tilespmem:v1+s26+$0x0] =	vst.idx.add.f32.msk $0xffff, v2  }
0x6a: {  	v3 =	vld [tilespmem:s0+$0x3F30]  }
0x6b: {  	v4 =	vld [tilespmem:s0+$0x1F90]  }
0x6c: {  	v2 =	vld [tilespmem:s0+$0x3F20]  }
0x6d: {  	v5 =	vld [tilespmem:s0+$0x1FA0]  }
0x6e: {  	v6 =	vld [tilespmem:s0+$0x0]  }
0x6f: {  	v7 =	vld [tilespmem:s0+$0x3F00]  }
0x70: {  	v8 =	vld [tilespmem:s0+$0x20]  }
0x71: {  	v9 =	vld [tilespmem:s0+$0x10]  }
0x72: {  	v10 =	vld [tilespmem:s0+$0x1F80]  }
0x73: {  	v11 =	vld [tilespmem:s0+$0x30]  }
0x74: {  	v1 =	vld [tilespmem:s0+$0x1FB0]  }
0x75: {  	v12 =	vld [tilespmem:s0+$0x3F10]  }
0x76: {  	v13 =	vld.idx.msk [tilespmem:v6+s19+$0x0], $0xffff  }
0x77: {  	v14 =	vld.idx.msk [tilespmem:v6+s18+$0x0], $0xffff  }
0x78: {  	v15 =	vld.idx.msk [tilespmem:v6+s17+$0x0], $0xffff  }
0x79: {  	v6 =	vld.idx.msk [tilespmem:v6+s20+$0x0], $0xffff  }
0x7a: {  	v16 =	vld.idx.msk [tilespmem:v8+s19+$0x0], $0xffff  }
0x7b: {  	v17 =	vld.idx.msk [tilespmem:v8+s20+$0x0], $0xffff  }
0x7c: {  	v13 =	vmul.f32 v13, v7;
	v18 =	vld.idx.msk [tilespmem:v8+s18+$0x0], $0xffff  }
0x7d: {  	v14 =	vmul.f32 v14, v7;
	v8 =	vld.idx.msk [tilespmem:v8+s17+$0x0], $0xffff  }
0x7e: {  	v15 =	vmul.f32 v15, v7;
	v19 =	vld.idx.msk [tilespmem:v9+s19+$0x0], $0xffff  }
0x7f: {  	v6 =	vmul.f32 v6, v7;
	v7 =	vld.idx.msk [tilespmem:v9+s20+$0x0], $0xffff  }
0x80: {  	v16 =	vmul.f32 v16, v2;
	v20 =	vld.idx.msk [tilespmem:v9+s18+$0x0], $0xffff  }
0x81: {  	v17 =	vmul.f32 v17, v2;
	v9 =	vld.idx.msk [tilespmem:v9+s17+$0x0], $0xffff  }
0x82: {  	v18 =	vmul.f32 v18, v2;
	v21 =	vld.idx.msk [tilespmem:v11+s20+$0x0], $0xffff  }
0x83: {  	v8 =	vmul.f32 v8, v2;
	v22 =	vld.idx.msk [tilespmem:v11+s19+$0x0], $0xffff  }
0x84: {  	v23 =	vld.idx.msk [tilespmem:v11+s18+$0x0], $0xffff  }
0x85: {  	v11 =	vld.idx.msk [tilespmem:v11+s17+$0x0], $0xffff  }
0x86: {  	[tilespmem:v10+s23+$0x0] =	vst.idx.add.f32.msk $0xffff, v15  }
0x87: {  	v9 =	vmul.f32 v9, v12;
	[tilespmem:v10+s24+$0x0] =	vst.idx.add.f32.msk $0xffff, v14  }
0x88: {  	v14 =	vmul.f32 v20, v12;
	v2 =	vmul.f32 v21, v3;
	[tilespmem:v10+s25+$0x0] =	vst.idx.add.f32.msk $0xffff, v13  }
0x89: {  	v13 =	vmul.f32 v22, v3;
	[tilespmem:v10+s26+$0x0] =	vst.idx.add.f32.msk $0xffff, v6  }
0x8a: {  	v6 =	vmul.f32 v19, v12;
	v10 =	vmul.f32 v23, v3;
	[tilespmem:v4+s23+$0x0] =	vst.idx.add.f32.msk $0xffff, v9  }
0x8b: {  	v7 =	vmul.f32 v7, v12;
	v3 =	vmul.f32 v11, v3;
	[tilespmem:v4+s24+$0x0] =	vst.idx.add.f32.msk $0xffff, v14  }
0x8c: {  	[tilespmem:v4+s25+$0x0] =	vst.idx.add.f32.msk $0xffff, v6  }
0x8d: {  	[tilespmem:v4+s26+$0x0] =	vst.idx.add.f32.msk $0xffff, v7  }
0x8e: {  	[tilespmem:v5+s23+$0x0] =	vst.idx.add.f32.msk $0xffff, v8  }
0x8f: {  	[tilespmem:v5+s24+$0x0] =	vst.idx.add.f32.msk $0xffff, v18  }
.Ltmp1:
0x90: {  	[tilespmem:v5+s25+$0x0] =	vst.idx.add.f32.msk $0xffff, v16;
	(pc) =	sbr.rel @p0 .LBB2_5-.Ltmp1, $4  }
0x91: {  	[tilespmem:v5+s26+$0x0] =	vst.idx.add.f32.msk $0xffff, v17  }
0x92: {  	[tilespmem:v1+s23+$0x0] =	vst.idx.add.f32.msk $0xffff, v3  }
0x93: {  	[tilespmem:v1+s24+$0x0] =	vst.idx.add.f32.msk $0xffff, v10  }
0x94: {  	[tilespmem:v1+s25+$0x0] =	vst.idx.add.f32.msk $0xffff, v13  }
0x95: {  	s30 =	sadd.s32 $0x1, s30  }
0x96: {  	p0 =	sne.s32 s30, $0x5  }
.Ltmp2:
0x97: {  	_ = 	snop;
	(pc) =	sbr.rel @p0 .LBB2_4-.Ltmp2, $2  }
0x98: {  	_ =	sdelay $0x2  }
0x99: {  	[tilespmem:v1+s26+$0x0] =	vst.idx.add.f32.msk $0xffff, v2  }
0x9a: {  	[hbm4b:s12+s2] =	stream.linear.scatter [tilespmem:s23], [sflag:$0x1], $0x2800, $0x38;
	[tilespmem:$0x19E80] =	vst v63  }
0x9b: {  	_ =	swait.ge [sflag:s6], $0x2800  }
0x9c: {  	[sflag:s6] =	ssyncset.done $0x0  }
0x9d: {  	[sflag:s6] =	ssyncadd.s32 $0xFFFFD800  }
0x9e: {  	[hbm4b:s13+s2] =	stream.linear.scatter [tilespmem:s24], [sflag:$0x1], $0x2800, $0x38;
	[tilespmem:$0x19E80] =	vst v63  }
0x9f: {  	_ =	swait.ge [sflag:s6], $0x2800  }
0xa0: {  	[sflag:s6] =	ssyncset.done $0x0  }
0xa1: {  	[sflag:s6] =	ssyncadd.s32 $0xFFFFD800  }
0xa2: {  	[hbm4b:s14+s2] =	stream.linear.scatter [tilespmem:s25], [sflag:$0x1], $0x2800, $0x38;
	[tilespmem:$0x19E80] =	vst v63  }
0xa3: {  	s28 =	sadd.s32 $0x1, s28;
	_ =	swait.ge [sflag:s6], $0x2800  }
0xa4: {  	p0 =	sne.s32 s28, s16;
	[sflag:s6] =	ssyncset.done $0x0  }
.Ltmp3:
0xa5: {  	[sflag:s6] =	ssyncadd.s32 $0xFFFFD800;
	(pc) =	sbr.rel @p0 .LBB2_1-.Ltmp3, $4  }
0xa6: {  	[hbm4b:s15+s2] =	stream.linear.scatter [tilespmem:s26], [sflag:$0x1], $0x2800, $0x38;
	[tilespmem:$0x19E80] =	vst v63  }
0xa7: {  	_ =	swait.ge [sflag:s6], $0x2800  }
0xa8: {  	[sflag:s6] =	ssyncset.done $0x0  }
0xa9: {  	[sflag:s6] =	ssyncadd.s32 $0xFFFFD800  }
0xaa: {  	_ =	sfence.sel $0x180000  }
0xab: {  	[bflag:$0x0] =	sbarrier.arrive $0xFFFF  }
0xac: {  	_ =	strace $0x90000050  }
0xad: {  	[bflag:$0x2] =	sbarrier.arrive $0xFFFF  }
0xae: {  	p0 =	sne.s32 s4, $0x0;
	s0 =	rddreg [dreg:$0x2]  }
0xaf: {  	s0 =	sadd.s32 @!p0 $0x100000, s0  }
0xb0: {  	[sflag:s0] =	ssyncadd.tile.s32 @!p0 $0x1;
	_ =	shalt  }
.Lfunc_end2:
_tile_overlayer_lowered:
.L_overlay_start_2:
0xb1: {  	(tag) =	ssettag $0x2  }
0xb2: {  	s0 =	rddreg [dreg:$0x0];
	s2 =	stileid.u32  }
0xb3: {  	s1 =	rddreg [dreg:$0x1];
	p0 =	sne.s32 s2, $0x0  }
0xb4: {  	s3 =	rddreg [dreg:$0x2];
	[bflag:$0x3] =	sbarrier.arrive $0xFFFF;
	s2 =	simm.s32 @!p0 $0x1C01  }
0xb5: {  	[timem:s3], [sflag:s2] =	dma.local @!p0 [hbm:s0], s1  }
0xb6: {  	s0 =	simm.s32 @!p0 $0x1  }
0xb7: {  	_ =	swait.ge @!p0 [sflag:s0], s1  }
0xb8: {  	s1 =	ssub.s32 @!p0 $0x0, s1;
	[sflag:s0] =	ssyncset.done @!p0 $0x0  }
0xb9: {  	[sflag:s0] =	ssyncadd.s32 @!p0 s1  }
0xba: {  	[bflag:$0x3] =	sbarrier.arrive $0xFFFF  }
0xbb: {  	_ =	shalt  }

</sc_bundles>
